<compile_context>
chip_gen: v7x
topology: tpu7x:2x2x1
jax: 0.10.2.dev20260603
libtpu: 0.0.44.dev20260713+nightly
codegen_flags: <defaults>
</compile_context>

<pallas_src>
import functools

import jax
import jax.numpy as jnp
from jax import lax
from jax.experimental import pallas as pl
from jax.experimental.pallas import tpu as pltpu
from jax.experimental.pallas import tpu_sc as plsc

_B = 16384
_D = 64
_NC = 2
_NS = 16
_NW = _NC * _NS
_BPW = _B // _NW
_LANES = 16
_NBUF = 4
_HALF = _BPW // 2


def _make_emb_kernel():
    mesh = plsc.VectorSubcoreMesh(core_axis_name="c", subcore_axis_name="s")

    @functools.partial(
        pl.kernel,
        mesh=mesh,
        compiler_params=pltpu.CompilerParams(needs_layout_passes=False),
        out_type=jax.ShapeDtypeStruct((2, _D, _B), jnp.float32),
        scratch_types=[
            pltpu.VMEM((2 * _BPW + 3 * _LANES,), jnp.int32),
            pltpu.VMEM((2, _NBUF, _D, 128), jnp.float32),
            pltpu.VMEM((2, _D, _HALF), jnp.float32),
            pltpu.SemaphoreType.DMA((2, _NBUF)),
        ],
    )
    def emb(idx_hbm, user_t_hbm, item_t_hbm, out_hbm,
            idx_v, ring_v, asm_v, sems):
        wid = lax.axis_index("s") * _NC + lax.axis_index("c")
        pltpu.sync_copy(idx_hbm.at[wid], idx_v)
        tables = (user_t_hbm, item_t_hbm)

        def fetch(t, slot, b):
            r = idx_v[pl.ds(t * _BPW + b, _LANES)][0]
            c0 = pl.multiple_of((r >> 7) << 7, 128)
            pltpu.async_copy(
                tables[t].at[:, pl.ds(c0, 128)],
                ring_v.at[t, slot], sems.at[t, slot])

        def wait_slot(t, slot):
            pltpu.make_async_copy(
                tables[t].at[:, pl.ds(0, 128)],
                ring_v.at[t, slot], sems.at[t, slot]).wait()

        def extract(t, slot, b):
            r = idx_v[pl.ds(t * _BPW + b, _LANES)][0]
            j = jnp.full((_LANES,), r & 127, dtype=jnp.int32)
            b_vec = jnp.full((_LANES,), b & (_HALF - 1), dtype=jnp.int32)
            t_vec = jnp.full((_LANES,), t, dtype=jnp.int32)
            for g in range(_D // _LANES):
                k_vec = lax.iota(jnp.int32, _LANES) + g * _LANES
                vals = plsc.load_gather(ring_v.at[t, slot], [k_vec, j])
                plsc.store_scatter(asm_v, [t_vec, k_vec, b_vec], vals)

        for t in range(2):
            for u in range(_NBUF):
                fetch(t, u, u)

        def body(i, _):
            for u in range(_NBUF):
                b = i * _NBUF + u
                for t in range(2):
                    wait_slot(t, u)
                    extract(t, u, b)
                    fetch(t, u, b + _NBUF)
            return ()

        steps_per_half = _HALF // _NBUF
        lax.fori_loop(0, steps_per_half, body, ())
        pltpu.sync_copy(asm_v, out_hbm.at[:, :, pl.ds(wid * _BPW, _HALF)])
        lax.fori_loop(steps_per_half, 2 * steps_per_half, body, ())
        pltpu.sync_copy(
            asm_v, out_hbm.at[:, :, pl.ds(wid * _BPW + _HALF, _HALF)])
        for t in range(2):
            for u in range(_NBUF):
                wait_slot(t, u)

    return emb


_emb_kernel = _make_emb_kernel()


def kernel(x, user_table, item_table):
    uid = x[:, 0].reshape(_NW, _BPW)
    iid = x[:, 1].reshape(_NW, _BPW)
    pad = jnp.zeros((_NW, 3 * _LANES), dtype=jnp.int32)
    idx = jnp.concatenate([uid, iid, pad], axis=1)
    out = _emb_kernel(idx, user_table.T, item_table.T)
    return out.transpose(2, 0, 1)

# --- scband reference (transcript-rebuilt; emitter-appended) ---
"""Pipeline reference for scband-mf-85478439125816 (READ-ONLY COPY).

The authoritative reference and input builder live on the scoring server;
editing this copy changes nothing except your own understanding.
"""

import jax, jax.numpy as jnp
import numpy as np

UID_ALL = 1000000
IID_ALL = 1000000
LATENT_DIM = 64
BATCH = 16384

def setup_inputs(seed: int = 0) -> dict:
    key = jax.random.key(seed)
    k1, k2, k3 = jax.random.split(key, 3)
    x = jax.random.randint(k1, (BATCH, 2), 0, UID_ALL, dtype=jnp.int64 if jax.config.jax_enable_x64 else jnp.int32).astype(jnp.int32)
    user_table = jax.random.normal(k2, (UID_ALL, LATENT_DIM), dtype=jnp.float32)
    item_table = jax.random.normal(k3, (IID_ALL + 1, LATENT_DIM), dtype=jnp.float32)
    return {"x": x, "user_table": user_table, "item_table": item_table}

def reference(x, user_table, item_table):
    # uid_emb = self.user_embeddings(x[:, 0].unsqueeze(1)) -> [B, 1, D]
    uid_idx = x[:, 0:1]
    iid_idx = x[:, 1:2]
    uid_emb = jnp.take(user_table, uid_idx, axis=0)  # [B, 1, D]
    iid_emb = jnp.take(item_table, iid_idx, axis=0)  # [B, 1, D]
    emb = jnp.concatenate([uid_emb, iid_emb], axis=1)  # [B, 2, D]
    return emb

if __name__ == "__main__":
    import jax
    _d = setup_inputs()
    print(jax.jit(kernel)(*tuple(_d.values())))

</pallas_src>

<mosaic_0001>
#map = affine_map<(d0, d1) -> (0, 0)>
#map1 = affine_map<(d0, d1) -> (0, 0, 0)>
module attributes {stable_mosaic.version = 14 : i64} {
  func.func @emb(%arg0: i32, %arg1: i32, %arg2: memref<32x1072xi32, #tpu.memory_space<hbm>>, %arg3: memref<64x1000000xf32, #tpu.memory_space<hbm>>, %arg4: memref<64x1000001xf32, #tpu.memory_space<hbm>>, %arg5: memref<2x64x16384xf32, #tpu.memory_space<hbm>>, %arg6: memref<1072xi32, #tpu.memory_space<vmem>>, %arg7: memref<2x4x64x128xf32, #tpu.memory_space<vmem>>, %arg8: memref<2x64x256xf32, #tpu.memory_space<vmem>>, %arg9: memref<2x4x!tpu.dma_semaphore, #tpu.memory_space<semaphore_mem>>) attributes {dimension_semantics = [#tpu.dimension_semantics<core_parallel>, #tpu.dimension_semantics<subcore_parallel>], iteration_bounds = array<i64: 2, 16>, scalar_prefetch = 0 : i64, scratch_operands = 4 : i64, tpu.core_type = #tpu.core_type<sc_vector_subcore>, window_params = [{transform_indices = #map}, {transform_indices = #map}, {transform_indices = #map}, {transform_indices = #map1}]} {
    %mul3A = arith.constant 2 : i32
    %mul3A_0 = arith.muli %arg1, %mul3A : i32
    %add3A = arith.addi %mul3A_0, %arg0 : i32
    "tpu.region"() ({
      %run_scoped3A = tpu.sem_alloc : memref<!tpu.dma_semaphore, #tpu.memory_space<semaphore_mem>>
      %dma_start3A_384 = arith.constant 0 : i32
      %dma_start3A_385 = tpu.memref_slice %arg2[%add3A, %dma_start3A_384] : memref<32x1072xi32, #tpu.memory_space<hbm>> -> memref<1x1072xi32, #tpu.memory_space<hbm>>
      %dma_start3A_386 = tpu.memref_squeeze %dma_start3A_385 : memref<1x1072xi32, #tpu.memory_space<hbm>> -> memref<1072xi32, #tpu.memory_space<hbm>>
      %dma_start3A_387 = arith.constant 0 : i32
      %dma_start3A_388 = tpu.memref_slice %arg2[%add3A, %dma_start3A_387] : memref<32x1072xi32, #tpu.memory_space<hbm>> -> memref<1x1072xi32, #tpu.memory_space<hbm>>
      %dma_start3A_389 = tpu.memref_squeeze %dma_start3A_388 : memref<1x1072xi32, #tpu.memory_space<hbm>> -> memref<1072xi32, #tpu.memory_space<hbm>>
      tpu.enqueue_dma source(%dma_start3A_389 : memref<1072xi32, #tpu.memory_space<hbm>>) target(%arg6 : memref<1072xi32, #tpu.memory_space<vmem>>) target_semaphore(%run_scoped3A : memref<!tpu.dma_semaphore, #tpu.memory_space<semaphore_mem>>)
      %dma_wait3A_390 = arith.constant 0 : i32
      %dma_wait3A_391 = tpu.memref_slice %arg2[%add3A, %dma_wait3A_390] : memref<32x1072xi32, #tpu.memory_space<hbm>> -> memref<1x1072xi32, #tpu.memory_space<hbm>>
      %dma_wait3A_392 = tpu.memref_squeeze %dma_wait3A_391 : memref<1x1072xi32, #tpu.memory_space<hbm>> -> memref<1072xi32, #tpu.memory_space<hbm>>
      %dma_wait3A_393 = arith.constant 0 : i32
      %dma_wait3A_394 = tpu.memref_slice %arg2[%add3A, %dma_wait3A_393] : memref<32x1072xi32, #tpu.memory_space<hbm>> -> memref<1x1072xi32, #tpu.memory_space<hbm>>
      %dma_wait3A_395 = tpu.memref_squeeze %dma_wait3A_394 : memref<1x1072xi32, #tpu.memory_space<hbm>> -> memref<1072xi32, #tpu.memory_space<hbm>>
      tpu.wait_dma2 semaphore(%run_scoped3A : memref<!tpu.dma_semaphore, #tpu.memory_space<semaphore_mem>>) src(%dma_wait3A_395 : memref<1072xi32, #tpu.memory_space<hbm>>) dst(%arg6 : memref<1072xi32, #tpu.memory_space<vmem>>)
      tpu.yield
    }) : () -> ()
    %get3A = arith.constant 0 : index
    %get3A_1 = tpu.vector_load %arg6[%get3A] {strides = array<i32>} : memref<1072xi32, #tpu.memory_space<vmem>>, vector<16xi32>,
    %slice3A = vector.extract_strided_slice %get3A_1 {offsets = [0], sizes = [1], strides = [1]} : vector<16xi32> to vector<1xi32>
    %squeeze3A = vector.extract %slice3A[0] : i32 from vector<1xi32>
    %shift_right_arithmetic3A = arith.constant 7 : i32
    %shift_right_arithmetic3A_2 = arith.shrsi %squeeze3A, %shift_right_arithmetic3A : i32
    %shift_left3A = arith.constant 7 : i32
    %shift_left3A_3 = arith.shli %shift_right_arithmetic3A_2, %shift_left3A : i32
    %multiple_of3A = tpu.assume_multiple %shift_left3A_3, 128 : i32
    %dma_start3A = arith.constant 0 : i32
    %dma_start3A_4 = arith.constant 0 : i32
    %dma_start3A_5 = arith.constant 0 : i32
    %dma_start3A_6 = arith.constant 0 : i32
    %dma_start3A_7 = arith.constant 0 : i32
    %dma_start3A_8 = arith.constant 0 : i32
    %dma_start3A_9 = tpu.memref_slice %arg7[%dma_start3A, %dma_start3A_4, %dma_start3A_7, %dma_start3A_8] : memref<2x4x64x128xf32, #tpu.memory_space<vmem>> -> memref<1x1x64x128xf32, #tpu.memory_space<vmem>>
    %dma_start3A_10 = tpu.memref_squeeze %dma_start3A_9 : memref<1x1x64x128xf32, #tpu.memory_space<vmem>> -> memref<64x128xf32, #tpu.memory_space<vmem>>
    %dma_start3A_11 = arith.constant 0 : i32
    %dma_start3A_12 = tpu.memref_slice %arg3[%dma_start3A_11, %multiple_of3A] : memref<64x1000000xf32, #tpu.memory_space<hbm>> -> memref<64x128xf32, #tpu.memory_space<hbm>>
    %dma_start3A_13 = tpu.memref_slice %arg9[%dma_start3A_5, %dma_start3A_6] : memref<2x4x!tpu.dma_semaphore, #tpu.memory_space<semaphore_mem>> -> memref<1x1x!tpu.dma_semaphore, #tpu.memory_space<semaphore_mem>>
    %dma_start3A_14 = tpu.memref_squeeze %dma_start3A_13 : memref<1x1x!tpu.dma_semaphore, #tpu.memory_space<semaphore_mem>> -> memref<!tpu.dma_semaphore, #tpu.memory_space<semaphore_mem>>
    %dma_start3A_15 = arith.constant 0 : i32
    %dma_start3A_16 = arith.constant 0 : i32
    %dma_start3A_17 = tpu.memref_slice %arg7[%dma_start3A, %dma_start3A_4, %dma_start3A_15, %dma_start3A_16] : memref<2x4x64x128xf32, #tpu.memory_space<vmem>> -> memref<1x1x64x128xf32, #tpu.memory_space<vmem>>
    %dma_start3A_18 = tpu.memref_squeeze %dma_start3A_17 : memref<1x1x64x128xf32, #tpu.memory_space<vmem>> -> memref<64x128xf32, #tpu.memory_space<vmem>>
    %dma_start3A_19 = arith.constant 0 : i32
    %dma_start3A_20 = tpu.memref_slice %arg3[%dma_start3A_19, %multiple_of3A] : memref<64x1000000xf32, #tpu.memory_space<hbm>> -> memref<64x128xf32, #tpu.memory_space<hbm>>
    tpu.enqueue_dma source(%dma_start3A_20 : memref<64x128xf32, #tpu.memory_space<hbm>>) target(%dma_start3A_18 : memref<64x128xf32, #tpu.memory_space<vmem>>) target_semaphore(%dma_start3A_14 : memref<!tpu.dma_semaphore, #tpu.memory_space<semaphore_mem>>)
    %get3A_21 = arith.constant 1 : index
    %get3A_22 = tpu.vector_load %arg6[%get3A_21] {strides = array<i32>} : memref<1072xi32, #tpu.memory_space<vmem>>, vector<16xi32>,
    %slice3A_23 = vector.extract_strided_slice %get3A_22 {offsets = [0], sizes = [1], strides = [1]} : vector<16xi32> to vector<1xi32>
    %squeeze3A_24 = vector.extract %slice3A_23[0] : i32 from vector<1xi32>
    %shift_right_arithmetic3A_25 = arith.constant 7 : i32
    %shift_right_arithmetic3A_26 = arith.shrsi %squeeze3A_24, %shift_right_arithmetic3A_25 : i32
    %shift_left3A_27 = arith.constant 7 : i32
    %shift_left3A_28 = arith.shli %shift_right_arithmetic3A_26, %shift_left3A_27 : i32
    %multiple_of3A_29 = tpu.assume_multiple %shift_left3A_28, 128 : i32
    %dma_start3A_30 = arith.constant 0 : i32
    %dma_start3A_31 = arith.constant 1 : i32
    %dma_start3A_32 = arith.constant 0 : i32
    %dma_start3A_33 = arith.constant 1 : i32
    %dma_start3A_34 = arith.constant 0 : i32
    %dma_start3A_35 = arith.constant 0 : i32
    %dma_start3A_36 = tpu.memref_slice %arg7[%dma_start3A_30, %dma_start3A_31, %dma_start3A_34, %dma_start3A_35] : memref<2x4x64x128xf32, #tpu.memory_space<vmem>> -> memref<1x1x64x128xf32, #tpu.memory_space<vmem>>
    %dma_start3A_37 = tpu.memref_squeeze %dma_start3A_36 : memref<1x1x64x128xf32, #tpu.memory_space<vmem>> -> memref<64x128xf32, #tpu.memory_space<vmem>>
    %dma_start3A_38 = arith.constant 0 : i32
    %dma_start3A_39 = tpu.memref_slice %arg3[%dma_start3A_38, %multiple_of3A_29] : memref<64x1000000xf32, #tpu.memory_space<hbm>> -> memref<64x128xf32, #tpu.memory_space<hbm>>
    %dma_start3A_40 = tpu.memref_slice %arg9[%dma_start3A_32, %dma_start3A_33] : memref<2x4x!tpu.dma_semaphore, #tpu.memory_space<semaphore_mem>> -> memref<1x1x!tpu.dma_semaphore, #tpu.memory_space<semaphore_mem>>
    %dma_start3A_41 = tpu.memref_squeeze %dma_start3A_40 : memref<1x1x!tpu.dma_semaphore, #tpu.memory_space<semaphore_mem>> -> memref<!tpu.dma_semaphore, #tpu.memory_space<semaphore_mem>>
    %dma_start3A_42 = arith.constant 0 : i32
    %dma_start3A_43 = arith.constant 0 : i32
    %dma_start3A_44 = tpu.memref_slice %arg7[%dma_start3A_30, %dma_start3A_31, %dma_start3A_42, %dma_start3A_43] : memref<2x4x64x128xf32, #tpu.memory_space<vmem>> -> memref<1x1x64x128xf32, #tpu.memory_space<vmem>>
    %dma_start3A_45 = tpu.memref_squeeze %dma_start3A_44 : memref<1x1x64x128xf32, #tpu.memory_space<vmem>> -> memref<64x128xf32, #tpu.memory_space<vmem>>
    %dma_start3A_46 = arith.constant 0 : i32
    %dma_start3A_47 = tpu.memref_slice %arg3[%dma_start3A_46, %multiple_of3A_29] : memref<64x1000000xf32, #tpu.memory_space<hbm>> -> memref<64x128xf32, #tpu.memory_space<hbm>>
    tpu.enqueue_dma source(%dma_start3A_47 : memref<64x128xf32, #tpu.memory_space<hbm>>) target(%dma_start3A_45 : memref<64x128xf32, #tpu.memory_space<vmem>>) target_semaphore(%dma_start3A_41 : memref<!tpu.dma_semaphore, #tpu.memory_space<semaphore_mem>>)
    %get3A_48 = arith.constant 2 : index
    %get3A_49 = tpu.vector_load %arg6[%get3A_48] {strides = array<i32>} : memref<1072xi32, #tpu.memory_space<vmem>>, vector<16xi32>,
    %slice3A_50 = vector.extract_strided_slice %get3A_49 {offsets = [0], sizes = [1], strides = [1]} : vector<16xi32> to vector<1xi32>
    %squeeze3A_51 = vector.extract %slice3A_50[0] : i32 from vector<1xi32>
    %shift_right_arithmetic3A_52 = arith.constant 7 : i32
    %shift_right_arithmetic3A_53 = arith.shrsi %squeeze3A_51, %shift_right_arithmetic3A_52 : i32
    %shift_left3A_54 = arith.constant 7 : i32
    %shift_left3A_55 = arith.shli %shift_right_arithmetic3A_53, %shift_left3A_54 : i32
    %multiple_of3A_56 = tpu.assume_multiple %shift_left3A_55, 128 : i32
    %dma_start3A_57 = arith.constant 0 : i32
    %dma_start3A_58 = arith.constant 2 : i32
    %dma_start3A_59 = arith.constant 0 : i32
    %dma_start3A_60 = arith.constant 2 : i32
    %dma_start3A_61 = arith.constant 0 : i32
    %dma_start3A_62 = arith.constant 0 : i32
    %dma_start3A_63 = tpu.memref_slice %arg7[%dma_start3A_57, %dma_start3A_58, %dma_start3A_61, %dma_start3A_62] : memref<2x4x64x128xf32, #tpu.memory_space<vmem>> -> memref<1x1x64x128xf32, #tpu.memory_space<vmem>>
    %dma_start3A_64 = tpu.memref_squeeze %dma_start3A_63 : memref<1x1x64x128xf32, #tpu.memory_space<vmem>> -> memref<64x128xf32, #tpu.memory_space<vmem>>
    %dma_start3A_65 = arith.constant 0 : i32
    %dma_start3A_66 = tpu.memref_slice %arg3[%dma_start3A_65, %multiple_of3A_56] : memref<64x1000000xf32, #tpu.memory_space<hbm>> -> memref<64x128xf32, #tpu.memory_space<hbm>>
    %dma_start3A_67 = tpu.memref_slice %arg9[%dma_start3A_59, %dma_start3A_60] : memref<2x4x!tpu.dma_semaphore, #tpu.memory_space<semaphore_mem>> -> memref<1x1x!tpu.dma_semaphore, #tpu.memory_space<semaphore_mem>>
    %dma_start3A_68 = tpu.memref_squeeze %dma_start3A_67 : memref<1x1x!tpu.dma_semaphore, #tpu.memory_space<semaphore_mem>> -> memref<!tpu.dma_semaphore, #tpu.memory_space<semaphore_mem>>
    %dma_start3A_69 = arith.constant 0 : i32
    %dma_start3A_70 = arith.constant 0 : i32
    %dma_start3A_71 = tpu.memref_slice %arg7[%dma_start3A_57, %dma_start3A_58, %dma_start3A_69, %dma_start3A_70] : memref<2x4x64x128xf32, #tpu.memory_space<vmem>> -> memref<1x1x64x128xf32, #tpu.memory_space<vmem>>
    %dma_start3A_72 = tpu.memref_squeeze %dma_start3A_71 : memref<1x1x64x128xf32, #tpu.memory_space<vmem>> -> memref<64x128xf32, #tpu.memory_space<vmem>>
    %dma_start3A_73 = arith.constant 0 : i32
    %dma_start3A_74 = tpu.memref_slice %arg3[%dma_start3A_73, %multiple_of3A_56] : memref<64x1000000xf32, #tpu.memory_space<hbm>> -> memref<64x128xf32, #tpu.memory_space<hbm>>
    tpu.enqueue_dma source(%dma_start3A_74 : memref<64x128xf32, #tpu.memory_space<hbm>>) target(%dma_start3A_72 : memref<64x128xf32, #tpu.memory_space<vmem>>) target_semaphore(%dma_start3A_68 : memref<!tpu.dma_semaphore, #tpu.memory_space<semaphore_mem>>)
    %get3A_75 = arith.constant 3 : index
    %get3A_76 = tpu.vector_load %arg6[%get3A_75] {strides = array<i32>} : memref<1072xi32, #tpu.memory_space<vmem>>, vector<16xi32>,
    %slice3A_77 = vector.extract_strided_slice %get3A_76 {offsets = [0], sizes = [1], strides = [1]} : vector<16xi32> to vector<1xi32>
    %squeeze3A_78 = vector.extract %slice3A_77[0] : i32 from vector<1xi32>
    %shift_right_arithmetic3A_79 = arith.constant 7 : i32
    %shift_right_arithmetic3A_80 = arith.shrsi %squeeze3A_78, %shift_right_arithmetic3A_79 : i32
    %shift_left3A_81 = arith.constant 7 : i32
    %shift_left3A_82 = arith.shli %shift_right_arithmetic3A_80, %shift_left3A_81 : i32
    %multiple_of3A_83 = tpu.assume_multiple %shift_left3A_82, 128 : i32
    %dma_start3A_84 = arith.constant 0 : i32
    %dma_start3A_85 = arith.constant 3 : i32
    %dma_start3A_86 = arith.constant 0 : i32
    %dma_start3A_87 = arith.constant 3 : i32
    %dma_start3A_88 = arith.constant 0 : i32
    %dma_start3A_89 = arith.constant 0 : i32
    %dma_start3A_90 = tpu.memref_slice %arg7[%dma_start3A_84, %dma_start3A_85, %dma_start3A_88, %dma_start3A_89] : memref<2x4x64x128xf32, #tpu.memory_space<vmem>> -> memref<1x1x64x128xf32, #tpu.memory_space<vmem>>
    %dma_start3A_91 = tpu.memref_squeeze %dma_start3A_90 : memref<1x1x64x128xf32, #tpu.memory_space<vmem>> -> memref<64x128xf32, #tpu.memory_space<vmem>>
    %dma_start3A_92 = arith.constant 0 : i32
    %dma_start3A_93 = tpu.memref_slice %arg3[%dma_start3A_92, %multiple_of3A_83] : memref<64x1000000xf32, #tpu.memory_space<hbm>> -> memref<64x128xf32, #tpu.memory_space<hbm>>
    %dma_start3A_94 = tpu.memref_slice %arg9[%dma_start3A_86, %dma_start3A_87] : memref<2x4x!tpu.dma_semaphore, #tpu.memory_space<semaphore_mem>> -> memref<1x1x!tpu.dma_semaphore, #tpu.memory_space<semaphore_mem>>
    %dma_start3A_95 = tpu.memref_squeeze %dma_start3A_94 : memref<1x1x!tpu.dma_semaphore, #tpu.memory_space<semaphore_mem>> -> memref<!tpu.dma_semaphore, #tpu.memory_space<semaphore_mem>>
    %dma_start3A_96 = arith.constant 0 : i32
    %dma_start3A_97 = arith.constant 0 : i32
    %dma_start3A_98 = tpu.memref_slice %arg7[%dma_start3A_84, %dma_start3A_85, %dma_start3A_96, %dma_start3A_97] : memref<2x4x64x128xf32, #tpu.memory_space<vmem>> -> memref<1x1x64x128xf32, #tpu.memory_space<vmem>>
    %dma_start3A_99 = tpu.memref_squeeze %dma_start3A_98 : memref<1x1x64x128xf32, #tpu.memory_space<vmem>> -> memref<64x128xf32, #tpu.memory_space<vmem>>
    %dma_start3A_100 = arith.constant 0 : i32
    %dma_start3A_101 = tpu.memref_slice %arg3[%dma_start3A_100, %multiple_of3A_83] : memref<64x1000000xf32, #tpu.memory_space<hbm>> -> memref<64x128xf32, #tpu.memory_space<hbm>>
    tpu.enqueue_dma source(%dma_start3A_101 : memref<64x128xf32, #tpu.memory_space<hbm>>) target(%dma_start3A_99 : memref<64x128xf32, #tpu.memory_space<vmem>>) target_semaphore(%dma_start3A_95 : memref<!tpu.dma_semaphore, #tpu.memory_space<semaphore_mem>>)
    %get3A_102 = arith.constant 512 : index
    %get3A_103 = tpu.vector_load %arg6[%get3A_102] {strides = array<i32>} : memref<1072xi32, #tpu.memory_space<vmem>>, vector<16xi32>,
    %slice3A_104 = vector.extract_strided_slice %get3A_103 {offsets = [0], sizes = [1], strides = [1]} : vector<16xi32> to vector<1xi32>
    %squeeze3A_105 = vector.extract %slice3A_104[0] : i32 from vector<1xi32>
    %shift_right_arithmetic3A_106 = arith.constant 7 : i32
    %shift_right_arithmetic3A_107 = arith.shrsi %squeeze3A_105, %shift_right_arithmetic3A_106 : i32
    %shift_left3A_108 = arith.constant 7 : i32
    %shift_left3A_109 = arith.shli %shift_right_arithmetic3A_107, %shift_left3A_108 : i32
    %multiple_of3A_110 = tpu.assume_multiple %shift_left3A_109, 128 : i32
    %dma_start3A_111 = arith.constant 1 : i32
    %dma_start3A_112 = arith.constant 0 : i32
    %dma_start3A_113 = arith.constant 1 : i32
    %dma_start3A_114 = arith.constant 0 : i32
    %dma_start3A_115 = arith.constant 0 : i32
    %dma_start3A_116 = arith.constant 0 : i32
    %dma_start3A_117 = tpu.memref_slice %arg7[%dma_start3A_111, %dma_start3A_112, %dma_start3A_115, %dma_start3A_116] : memref<2x4x64x128xf32, #tpu.memory_space<vmem>> -> memref<1x1x64x128xf32, #tpu.memory_space<vmem>>
    %dma_start3A_118 = tpu.memref_squeeze %dma_start3A_117 : memref<1x1x64x128xf32, #tpu.memory_space<vmem>> -> memref<64x128xf32, #tpu.memory_space<vmem>>
    %dma_start3A_119 = arith.constant 0 : i32
    %dma_start3A_120 = tpu.memref_slice %arg4[%dma_start3A_119, %multiple_of3A_110] : memref<64x1000001xf32, #tpu.memory_space<hbm>> -> memref<64x128xf32, #tpu.memory_space<hbm>>
    %dma_start3A_121 = tpu.memref_slice %arg9[%dma_start3A_113, %dma_start3A_114] : memref<2x4x!tpu.dma_semaphore, #tpu.memory_space<semaphore_mem>> -> memref<1x1x!tpu.dma_semaphore, #tpu.memory_space<semaphore_mem>>
    %dma_start3A_122 = tpu.memref_squeeze %dma_start3A_121 : memref<1x1x!tpu.dma_semaphore, #tpu.memory_space<semaphore_mem>> -> memref<!tpu.dma_semaphore, #tpu.memory_space<semaphore_mem>>
    %dma_start3A_123 = arith.constant 0 : i32
    %dma_start3A_124 = arith.constant 0 : i32
    %dma_start3A_125 = tpu.memref_slice %arg7[%dma_start3A_111, %dma_start3A_112, %dma_start3A_123, %dma_start3A_124] : memref<2x4x64x128xf32, #tpu.memory_space<vmem>> -> memref<1x1x64x128xf32, #tpu.memory_space<vmem>>
    %dma_start3A_126 = tpu.memref_squeeze %dma_start3A_125 : memref<1x1x64x128xf32, #tpu.memory_space<vmem>> -> memref<64x128xf32, #tpu.memory_space<vmem>>
    %dma_start3A_127 = arith.constant 0 : i32
    %dma_start3A_128 = tpu.memref_slice %arg4[%dma_start3A_127, %multiple_of3A_110] : memref<64x1000001xf32, #tpu.memory_space<hbm>> -> memref<64x128xf32, #tpu.memory_space<hbm>>
    tpu.enqueue_dma source(%dma_start3A_128 : memref<64x128xf32, #tpu.memory_space<hbm>>) target(%dma_start3A_126 : memref<64x128xf32, #tpu.memory_space<vmem>>) target_semaphore(%dma_start3A_122 : memref<!tpu.dma_semaphore, #tpu.memory_space<semaphore_mem>>)
    %get3A_129 = arith.constant 513 : index
    %get3A_130 = tpu.vector_load %arg6[%get3A_129] {strides = array<i32>} : memref<1072xi32, #tpu.memory_space<vmem>>, vector<16xi32>,
    %slice3A_131 = vector.extract_strided_slice %get3A_130 {offsets = [0], sizes = [1], strides = [1]} : vector<16xi32> to vector<1xi32>
    %squeeze3A_132 = vector.extract %slice3A_131[0] : i32 from vector<1xi32>
    %shift_right_arithmetic3A_133 = arith.constant 7 : i32
    %shift_right_arithmetic3A_134 = arith.shrsi %squeeze3A_132, %shift_right_arithmetic3A_133 : i32
    %shift_left3A_135 = arith.constant 7 : i32
    %shift_left3A_136 = arith.shli %shift_right_arithmetic3A_134, %shift_left3A_135 : i32
    %multiple_of3A_137 = tpu.assume_multiple %shift_left3A_136, 128 : i32
    %dma_start3A_138 = arith.constant 1 : i32
    %dma_start3A_139 = arith.constant 1 : i32
    %dma_start3A_140 = arith.constant 1 : i32
    %dma_start3A_141 = arith.constant 1 : i32
    %dma_start3A_142 = arith.constant 0 : i32
    %dma_start3A_143 = arith.constant 0 : i32
    %dma_start3A_144 = tpu.memref_slice %arg7[%dma_start3A_138, %dma_start3A_139, %dma_start3A_142, %dma_start3A_143] : memref<2x4x64x128xf32, #tpu.memory_space<vmem>> -> memref<1x1x64x128xf32, #tpu.memory_space<vmem>>
    %dma_start3A_145 = tpu.memref_squeeze %dma_start3A_144 : memref<1x1x64x128xf32, #tpu.memory_space<vmem>> -> memref<64x128xf32, #tpu.memory_space<vmem>>
    %dma_start3A_146 = arith.constant 0 : i32
    %dma_start3A_147 = tpu.memref_slice %arg4[%dma_start3A_146, %multiple_of3A_137] : memref<64x1000001xf32, #tpu.memory_space<hbm>> -> memref<64x128xf32, #tpu.memory_space<hbm>>
    %dma_start3A_148 = tpu.memref_slice %arg9[%dma_start3A_140, %dma_start3A_141] : memref<2x4x!tpu.dma_semaphore, #tpu.memory_space<semaphore_mem>> -> memref<1x1x!tpu.dma_semaphore, #tpu.memory_space<semaphore_mem>>
    %dma_start3A_149 = tpu.memref_squeeze %dma_start3A_148 : memref<1x1x!tpu.dma_semaphore, #tpu.memory_space<semaphore_mem>> -> memref<!tpu.dma_semaphore, #tpu.memory_space<semaphore_mem>>
    %dma_start3A_150 = arith.constant 0 : i32
    %dma_start3A_151 = arith.constant 0 : i32
    %dma_start3A_152 = tpu.memref_slice %arg7[%dma_start3A_138, %dma_start3A_139, %dma_start3A_150, %dma_start3A_151] : memref<2x4x64x128xf32, #tpu.memory_space<vmem>> -> memref<1x1x64x128xf32, #tpu.memory_space<vmem>>
    %dma_start3A_153 = tpu.memref_squeeze %dma_start3A_152 : memref<1x1x64x128xf32, #tpu.memory_space<vmem>> -> memref<64x128xf32, #tpu.memory_space<vmem>>
    %dma_start3A_154 = arith.constant 0 : i32
    %dma_start3A_155 = tpu.memref_slice %arg4[%dma_start3A_154, %multiple_of3A_137] : memref<64x1000001xf32, #tpu.memory_space<hbm>> -> memref<64x128xf32, #tpu.memory_space<hbm>>
    tpu.enqueue_dma source(%dma_start3A_155 : memref<64x128xf32, #tpu.memory_space<hbm>>) target(%dma_start3A_153 : memref<64x128xf32, #tpu.memory_space<vmem>>) target_semaphore(%dma_start3A_149 : memref<!tpu.dma_semaphore, #tpu.memory_space<semaphore_mem>>)
    %get3A_156 = arith.constant 514 : index
    %get3A_157 = tpu.vector_load %arg6[%get3A_156] {strides = array<i32>} : memref<1072xi32, #tpu.memory_space<vmem>>, vector<16xi32>,
    %slice3A_158 = vector.extract_strided_slice %get3A_157 {offsets = [0], sizes = [1], strides = [1]} : vector<16xi32> to vector<1xi32>
    %squeeze3A_159 = vector.extract %slice3A_158[0] : i32 from vector<1xi32>
    %shift_right_arithmetic3A_160 = arith.constant 7 : i32
    %shift_right_arithmetic3A_161 = arith.shrsi %squeeze3A_159, %shift_right_arithmetic3A_160 : i32
    %shift_left3A_162 = arith.constant 7 : i32
    %shift_left3A_163 = arith.shli %shift_right_arithmetic3A_161, %shift_left3A_162 : i32
    %multiple_of3A_164 = tpu.assume_multiple %shift_left3A_163, 128 : i32
    %dma_start3A_165 = arith.constant 1 : i32
    %dma_start3A_166 = arith.constant 2 : i32
    %dma_start3A_167 = arith.constant 1 : i32
    %dma_start3A_168 = arith.constant 2 : i32
    %dma_start3A_169 = arith.constant 0 : i32
    %dma_start3A_170 = arith.constant 0 : i32
    %dma_start3A_171 = tpu.memref_slice %arg7[%dma_start3A_165, %dma_start3A_166, %dma_start3A_169, %dma_start3A_170] : memref<2x4x64x128xf32, #tpu.memory_space<vmem>> -> memref<1x1x64x128xf32, #tpu.memory_space<vmem>>
    %dma_start3A_172 = tpu.memref_squeeze %dma_start3A_171 : memref<1x1x64x128xf32, #tpu.memory_space<vmem>> -> memref<64x128xf32, #tpu.memory_space<vmem>>
    %dma_start3A_173 = arith.constant 0 : i32
    %dma_start3A_174 = tpu.memref_slice %arg4[%dma_start3A_173, %multiple_of3A_164] : memref<64x1000001xf32, #tpu.memory_space<hbm>> -> memref<64x128xf32, #tpu.memory_space<hbm>>
    %dma_start3A_175 = tpu.memref_slice %arg9[%dma_start3A_167, %dma_start3A_168] : memref<2x4x!tpu.dma_semaphore, #tpu.memory_space<semaphore_mem>> -> memref<1x1x!tpu.dma_semaphore, #tpu.memory_space<semaphore_mem>>
    %dma_start3A_176 = tpu.memref_squeeze %dma_start3A_175 : memref<1x1x!tpu.dma_semaphore, #tpu.memory_space<semaphore_mem>> -> memref<!tpu.dma_semaphore, #tpu.memory_space<semaphore_mem>>
    %dma_start3A_177 = arith.constant 0 : i32
    %dma_start3A_178 = arith.constant 0 : i32
    %dma_start3A_179 = tpu.memref_slice %arg7[%dma_start3A_165, %dma_start3A_166, %dma_start3A_177, %dma_start3A_178] : memref<2x4x64x128xf32, #tpu.memory_space<vmem>> -> memref<1x1x64x128xf32, #tpu.memory_space<vmem>>
    %dma_start3A_180 = tpu.memref_squeeze %dma_start3A_179 : memref<1x1x64x128xf32, #tpu.memory_space<vmem>> -> memref<64x128xf32, #tpu.memory_space<vmem>>
    %dma_start3A_181 = arith.constant 0 : i32
    %dma_start3A_182 = tpu.memref_slice %arg4[%dma_start3A_181, %multiple_of3A_164] : memref<64x1000001xf32, #tpu.memory_space<hbm>> -> memref<64x128xf32, #tpu.memory_space<hbm>>
    tpu.enqueue_dma source(%dma_start3A_182 : memref<64x128xf32, #tpu.memory_space<hbm>>) target(%dma_start3A_180 : memref<64x128xf32, #tpu.memory_space<vmem>>) target_semaphore(%dma_start3A_176 : memref<!tpu.dma_semaphore, #tpu.memory_space<semaphore_mem>>)
    %get3A_183 = arith.constant 515 : index
    %get3A_184 = tpu.vector_load %arg6[%get3A_183] {strides = array<i32>} : memref<1072xi32, #tpu.memory_space<vmem>>, vector<16xi32>,
    %slice3A_185 = vector.extract_strided_slice %get3A_184 {offsets = [0], sizes = [1], strides = [1]} : vector<16xi32> to vector<1xi32>
    %squeeze3A_186 = vector.extract %slice3A_185[0] : i32 from vector<1xi32>
    %shift_right_arithmetic3A_187 = arith.constant 7 : i32
    %shift_right_arithmetic3A_188 = arith.shrsi %squeeze3A_186, %shift_right_arithmetic3A_187 : i32
    %shift_left3A_189 = arith.constant 7 : i32
    %shift_left3A_190 = arith.shli %shift_right_arithmetic3A_188, %shift_left3A_189 : i32
    %multiple_of3A_191 = tpu.assume_multiple %shift_left3A_190, 128 : i32
    %dma_start3A_192 = arith.constant 1 : i32
    %dma_start3A_193 = arith.constant 3 : i32
    %dma_start3A_194 = arith.constant 1 : i32
    %dma_start3A_195 = arith.constant 3 : i32
    %dma_start3A_196 = arith.constant 0 : i32
    %dma_start3A_197 = arith.constant 0 : i32
    %dma_start3A_198 = tpu.memref_slice %arg7[%dma_start3A_192, %dma_start3A_193, %dma_start3A_196, %dma_start3A_197] : memref<2x4x64x128xf32, #tpu.memory_space<vmem>> -> memref<1x1x64x128xf32, #tpu.memory_space<vmem>>
    %dma_start3A_199 = tpu.memref_squeeze %dma_start3A_198 : memref<1x1x64x128xf32, #tpu.memory_space<vmem>> -> memref<64x128xf32, #tpu.memory_space<vmem>>
    %dma_start3A_200 = arith.constant 0 : i32
    %dma_start3A_201 = tpu.memref_slice %arg4[%dma_start3A_200, %multiple_of3A_191] : memref<64x1000001xf32, #tpu.memory_space<hbm>> -> memref<64x128xf32, #tpu.memory_space<hbm>>
    %dma_start3A_202 = tpu.memref_slice %arg9[%dma_start3A_194, %dma_start3A_195] : memref<2x4x!tpu.dma_semaphore, #tpu.memory_space<semaphore_mem>> -> memref<1x1x!tpu.dma_semaphore, #tpu.memory_space<semaphore_mem>>
    %dma_start3A_203 = tpu.memref_squeeze %dma_start3A_202 : memref<1x1x!tpu.dma_semaphore, #tpu.memory_space<semaphore_mem>> -> memref<!tpu.dma_semaphore, #tpu.memory_space<semaphore_mem>>
    %dma_start3A_204 = arith.constant 0 : i32
    %dma_start3A_205 = arith.constant 0 : i32
    %dma_start3A_206 = tpu.memref_slice %arg7[%dma_start3A_192, %dma_start3A_193, %dma_start3A_204, %dma_start3A_205] : memref<2x4x64x128xf32, #tpu.memory_space<vmem>> -> memref<1x1x64x128xf32, #tpu.memory_space<vmem>>
    %dma_start3A_207 = tpu.memref_squeeze %dma_start3A_206 : memref<1x1x64x128xf32, #tpu.memory_space<vmem>> -> memref<64x128xf32, #tpu.memory_space<vmem>>
    %dma_start3A_208 = arith.constant 0 : i32
    %dma_start3A_209 = tpu.memref_slice %arg4[%dma_start3A_208, %multiple_of3A_191] : memref<64x1000001xf32, #tpu.memory_space<hbm>> -> memref<64x128xf32, #tpu.memory_space<hbm>>
    tpu.enqueue_dma source(%dma_start3A_209 : memref<64x128xf32, #tpu.memory_space<hbm>>) target(%dma_start3A_207 : memref<64x128xf32, #tpu.memory_space<vmem>>) target_semaphore(%dma_start3A_203 : memref<!tpu.dma_semaphore, #tpu.memory_space<semaphore_mem>>)
    %scan3A = arith.constant 0 : i32
    %scan3A_210 = arith.constant 64 : i32
    %scan3A_211 = arith.addi %scan3A, %scan3A_210 : i32
    %scan3A_212 = arith.constant 1 : i32
    scf.for %scan3A_384 = %scan3A to %scan3A_211 step %scan3A_212  : i32 {
      %mul3A_385 = arith.constant 4 : i32
      %mul3A_386 = arith.muli %scan3A_384, %mul3A_385 : i32
      %add3A_387 = arith.constant 0 : i32
      %add3A_388 = arith.addi %mul3A_386, %add3A_387 : i32
      %dma_wait3A_389 = arith.constant 0 : i32
      %dma_wait3A_390 = arith.constant 0 : i32
      %dma_wait3A_391 = arith.constant 0 : i32
      %dma_wait3A_392 = arith.constant 0 : i32
      %dma_wait3A_393 = arith.constant 0 : i32
      %dma_wait3A_394 = arith.constant 0 : i32
      %dma_wait3A_395 = tpu.memref_slice %arg7[%dma_wait3A_389, %dma_wait3A_390, %dma_wait3A_393, %dma_wait3A_394] : memref<2x4x64x128xf32, #tpu.memory_space<vmem>> -> memref<1x1x64x128xf32, #tpu.memory_space<vmem>>
      %dma_wait3A_396 = tpu.memref_squeeze %dma_wait3A_395 : memref<1x1x64x128xf32, #tpu.memory_space<vmem>> -> memref<64x128xf32, #tpu.memory_space<vmem>>
      %dma_wait3A_397 = arith.constant 0 : i32
      %dma_wait3A_398 = arith.constant 0 : i32
      %dma_wait3A_399 = tpu.memref_slice %arg3[%dma_wait3A_397, %dma_wait3A_398] : memref<64x1000000xf32, #tpu.memory_space<hbm>> -> memref<64x128xf32, #tpu.memory_space<hbm>>
      %dma_wait3A_400 = tpu.memref_slice %arg9[%dma_wait3A_391, %dma_wait3A_392] : memref<2x4x!tpu.dma_semaphore, #tpu.memory_space<semaphore_mem>> -> memref<1x1x!tpu.dma_semaphore, #tpu.memory_space<semaphore_mem>>
      %dma_wait3A_401 = tpu.memref_squeeze %dma_wait3A_400 : memref<1x1x!tpu.dma_semaphore, #tpu.memory_space<semaphore_mem>> -> memref<!tpu.dma_semaphore, #tpu.memory_space<semaphore_mem>>
      %dma_wait3A_402 = arith.constant 0 : i32
      %dma_wait3A_403 = arith.constant 0 : i32
      %dma_wait3A_404 = tpu.memref_slice %arg7[%dma_wait3A_389, %dma_wait3A_390, %dma_wait3A_402, %dma_wait3A_403] : memref<2x4x64x128xf32, #tpu.memory_space<vmem>> -> memref<1x1x64x128xf32, #tpu.memory_space<vmem>>
      %dma_wait3A_405 = tpu.memref_squeeze %dma_wait3A_404 : memref<1x1x64x128xf32, #tpu.memory_space<vmem>> -> memref<64x128xf32, #tpu.memory_space<vmem>>
      %dma_wait3A_406 = arith.constant 0 : i32
      %dma_wait3A_407 = arith.constant 0 : i32
      %dma_wait3A_408 = tpu.memref_slice %arg3[%dma_wait3A_406, %dma_wait3A_407] : memref<64x1000000xf32, #tpu.memory_space<hbm>> -> memref<64x128xf32, #tpu.memory_space<hbm>>
      tpu.wait_dma2 semaphore(%dma_wait3A_401 : memref<!tpu.dma_semaphore, #tpu.memory_space<semaphore_mem>>) src(%dma_wait3A_408 : memref<64x128xf32, #tpu.memory_space<hbm>>) dst(%dma_wait3A_405 : memref<64x128xf32, #tpu.memory_space<vmem>>)
      %add3A_409 = arith.constant 0 : i32
      %add3A_410 = arith.addi %add3A_409, %add3A_388 : i32
      %get3A_411 = arith.index_cast %add3A_410 : i32 to index
      %get3A_412 = tpu.vector_load %arg6[%get3A_411] {strides = array<i32>} : memref<1072xi32, #tpu.memory_space<vmem>>, vector<16xi32>,
      %slice3A_413 = vector.extract_strided_slice %get3A_412 {offsets = [0], sizes = [1], strides = [1]} : vector<16xi32> to vector<1xi32>
      %squeeze3A_414 = vector.extract %slice3A_413[0] : i32 from vector<1xi32>
      %and3A = arith.constant 127 : i32
      %and3A_415 = arith.andi %squeeze3A_414, %and3A : i32
      %broadcast_in_dim3A = vector.broadcast %and3A_415 : i32 to vector<16xi32>
      %and3A_416 = arith.constant 255 : i32
      %and3A_417 = arith.andi %add3A_388, %and3A_416 : i32
      %broadcast_in_dim3A_418 = vector.broadcast %and3A_417 : i32 to vector<16xi32>
      %broadcast_in_dim3A_419 = arith.constant 0 : i32
      %broadcast_in_dim3A_420 = vector.broadcast %broadcast_in_dim3A_419 : i32 to vector<16xi32>
      %iota3A = tpu.iota {dimensions = array<i32: 0>} : vector<16xi32>
      %add3A_421 = arith.constant 0 : i32
      %add3A_422 = vector.broadcast %add3A_421 : i32 to vector<16xi32>
      %add3A_423 = arith.addi %iota3A, %add3A_422 : vector<16xi32>
      %gather3A = arith.constant 0 : i32
      %gather3A_424 = arith.constant 0 : i32
      %gather3A_425 = arith.constant 0 : i32
      %gather3A_426 = arith.constant 0 : i32
      %gather3A_427 = tpu.memref_slice %arg7[%gather3A, %gather3A_424, %gather3A_425, %gather3A_426] : memref<2x4x64x128xf32, #tpu.memory_space<vmem>> -> memref<1x1x64x128xf32, #tpu.memory_space<vmem>>
      %gather3A_428 = tpu.memref_squeeze %gather3A_427 : memref<1x1x64x128xf32, #tpu.memory_space<vmem>> -> memref<64x128xf32, #tpu.memory_space<vmem>>
      %gather3A_429 = tpu.vector_load_idx %gather3A_428[%add3A_423, %broadcast_in_dim3A] : memref<64x128xf32, #tpu.memory_space<vmem>>[vector<16xi32>, vector<16xi32>], vector<16xf32>,
      tpu.vector_store_idx %arg8[%broadcast_in_dim3A_420, %add3A_423, %broadcast_in_dim3A_418], %gather3A_429 : memref<2x64x256xf32, #tpu.memory_space<vmem>>[vector<16xi32>, vector<16xi32>, vector<16xi32>], vector<16xf32>,
      %iota3A_430 = tpu.iota {dimensions = array<i32: 0>} : vector<16xi32>
      %add3A_431 = arith.constant 16 : i32
      %add3A_432 = vector.broadcast %add3A_431 : i32 to vector<16xi32>
      %add3A_433 = arith.addi %iota3A_430, %add3A_432 : vector<16xi32>
      %gather3A_434 = arith.constant 0 : i32
      %gather3A_435 = arith.constant 0 : i32
      %gather3A_436 = arith.constant 0 : i32
      %gather3A_437 = arith.constant 0 : i32
      %gather3A_438 = tpu.memref_slice %arg7[%gather3A_434, %gather3A_435, %gather3A_436, %gather3A_437] : memref<2x4x64x128xf32, #tpu.memory_space<vmem>> -> memref<1x1x64x128xf32, #tpu.memory_space<vmem>>
      %gather3A_439 = tpu.memref_squeeze %gather3A_438 : memref<1x1x64x128xf32, #tpu.memory_space<vmem>> -> memref<64x128xf32, #tpu.memory_space<vmem>>
      %gather3A_440 = tpu.vector_load_idx %gather3A_439[%add3A_433, %broadcast_in_dim3A] : memref<64x128xf32, #tpu.memory_space<vmem>>[vector<16xi32>, vector<16xi32>], vector<16xf32>,
      tpu.vector_store_idx %arg8[%broadcast_in_dim3A_420, %add3A_433, %broadcast_in_dim3A_418], %gather3A_440 : memref<2x64x256xf32, #tpu.memory_space<vmem>>[vector<16xi32>, vector<16xi32>, vector<16xi32>], vector<16xf32>,
      %iota3A_441 = tpu.iota {dimensions = array<i32: 0>} : vector<16xi32>
      %add3A_442 = arith.constant 32 : i32
      %add3A_443 = vector.broadcast %add3A_442 : i32 to vector<16xi32>
      %add3A_444 = arith.addi %iota3A_441, %add3A_443 : vector<16xi32>
      %gather3A_445 = arith.constant 0 : i32
      %gather3A_446 = arith.constant 0 : i32
      %gather3A_447 = arith.constant 0 : i32
      %gather3A_448 = arith.constant 0 : i32
      %gather3A_449 = tpu.memref_slice %arg7[%gather3A_445, %gather3A_446, %gather3A_447, %gather3A_448] : memref<2x4x64x128xf32, #tpu.memory_space<vmem>> -> memref<1x1x64x128xf32, #tpu.memory_space<vmem>>
      %gather3A_450 = tpu.memref_squeeze %gather3A_449 : memref<1x1x64x128xf32, #tpu.memory_space<vmem>> -> memref<64x128xf32, #tpu.memory_space<vmem>>
      %gather3A_451 = tpu.vector_load_idx %gather3A_450[%add3A_444, %broadcast_in_dim3A] : memref<64x128xf32, #tpu.memory_space<vmem>>[vector<16xi32>, vector<16xi32>], vector<16xf32>,
      tpu.vector_store_idx %arg8[%broadcast_in_dim3A_420, %add3A_444, %broadcast_in_dim3A_418], %gather3A_451 : memref<2x64x256xf32, #tpu.memory_space<vmem>>[vector<16xi32>, vector<16xi32>, vector<16xi32>], vector<16xf32>,
      %iota3A_452 = tpu.iota {dimensions = array<i32: 0>} : vector<16xi32>
      %add3A_453 = arith.constant 48 : i32
      %add3A_454 = vector.broadcast %add3A_453 : i32 to vector<16xi32>
      %add3A_455 = arith.addi %iota3A_452, %add3A_454 : vector<16xi32>
      %gather3A_456 = arith.constant 0 : i32
      %gather3A_457 = arith.constant 0 : i32
      %gather3A_458 = arith.constant 0 : i32
      %gather3A_459 = arith.constant 0 : i32
      %gather3A_460 = tpu.memref_slice %arg7[%gather3A_456, %gather3A_457, %gather3A_458, %gather3A_459] : memref<2x4x64x128xf32, #tpu.memory_space<vmem>> -> memref<1x1x64x128xf32, #tpu.memory_space<vmem>>
      %gather3A_461 = tpu.memref_squeeze %gather3A_460 : memref<1x1x64x128xf32, #tpu.memory_space<vmem>> -> memref<64x128xf32, #tpu.memory_space<vmem>>
      %gather3A_462 = tpu.vector_load_idx %gather3A_461[%add3A_455, %broadcast_in_dim3A] : memref<64x128xf32, #tpu.memory_space<vmem>>[vector<16xi32>, vector<16xi32>], vector<16xf32>,
      tpu.vector_store_idx %arg8[%broadcast_in_dim3A_420, %add3A_455, %broadcast_in_dim3A_418], %gather3A_462 : memref<2x64x256xf32, #tpu.memory_space<vmem>>[vector<16xi32>, vector<16xi32>, vector<16xi32>], vector<16xf32>,
      %add3A_463 = arith.constant 4 : i32
      %add3A_464 = arith.addi %add3A_388, %add3A_463 : i32
      %add3A_465 = arith.constant 0 : i32
      %add3A_466 = arith.addi %add3A_465, %add3A_464 : i32
      %get3A_467 = arith.index_cast %add3A_466 : i32 to index
      %get3A_468 = tpu.vector_load %arg6[%get3A_467] {strides = array<i32>} : memref<1072xi32, #tpu.memory_space<vmem>>, vector<16xi32>,
      %slice3A_469 = vector.extract_strided_slice %get3A_468 {offsets = [0], sizes = [1], strides = [1]} : vector<16xi32> to vector<1xi32>
      %squeeze3A_470 = vector.extract %slice3A_469[0] : i32 from vector<1xi32>
      %shift_right_arithmetic3A_471 = arith.constant 7 : i32
      %shift_right_arithmetic3A_472 = arith.shrsi %squeeze3A_470, %shift_right_arithmetic3A_471 : i32
      %shift_left3A_473 = arith.constant 7 : i32
      %shift_left3A_474 = arith.shli %shift_right_arithmetic3A_472, %shift_left3A_473 : i32
      %multiple_of3A_475 = tpu.assume_multiple %shift_left3A_474, 128 : i32
      %dma_start3A_476 = arith.constant 0 : i32
      %dma_start3A_477 = arith.constant 0 : i32
      %dma_start3A_478 = arith.constant 0 : i32
      %dma_start3A_479 = arith.constant 0 : i32
      %dma_start3A_480 = arith.constant 0 : i32
      %dma_start3A_481 = arith.constant 0 : i32
      %dma_start3A_482 = tpu.memref_slice %arg7[%dma_start3A_476, %dma_start3A_477, %dma_start3A_480, %dma_start3A_481] : memref<2x4x64x128xf32, #tpu.memory_space<vmem>> -> memref<1x1x64x128xf32, #tpu.memory_space<vmem>>
      %dma_start3A_483 = tpu.memref_squeeze %dma_start3A_482 : memref<1x1x64x128xf32, #tpu.memory_space<vmem>> -> memref<64x128xf32, #tpu.memory_space<vmem>>
      %dma_start3A_484 = arith.constant 0 : i32
      %dma_start3A_485 = tpu.memref_slice %arg3[%dma_start3A_484, %multiple_of3A_475] : memref<64x1000000xf32, #tpu.memory_space<hbm>> -> memref<64x128xf32, #tpu.memory_space<hbm>>
      %dma_start3A_486 = tpu.memref_slice %arg9[%dma_start3A_478, %dma_start3A_479] : memref<2x4x!tpu.dma_semaphore, #tpu.memory_space<semaphore_mem>> -> memref<1x1x!tpu.dma_semaphore, #tpu.memory_space<semaphore_mem>>
      %dma_start3A_487 = tpu.memref_squeeze %dma_start3A_486 : memref<1x1x!tpu.dma_semaphore, #tpu.memory_space<semaphore_mem>> -> memref<!tpu.dma_semaphore, #tpu.memory_space<semaphore_mem>>
      %dma_start3A_488 = arith.constant 0 : i32
      %dma_start3A_489 = arith.constant 0 : i32
      %dma_start3A_490 = tpu.memref_slice %arg7[%dma_start3A_476, %dma_start3A_477, %dma_start3A_488, %dma_start3A_489] : memref<2x4x64x128xf32, #tpu.memory_space<vmem>> -> memref<1x1x64x128xf32, #tpu.memory_space<vmem>>
      %dma_start3A_491 = tpu.memref_squeeze %dma_start3A_490 : memref<1x1x64x128xf32, #tpu.memory_space<vmem>> -> memref<64x128xf32, #tpu.memory_space<vmem>>
      %dma_start3A_492 = arith.constant 0 : i32
      %dma_start3A_493 = tpu.memref_slice %arg3[%dma_start3A_492, %multiple_of3A_475] : memref<64x1000000xf32, #tpu.memory_space<hbm>> -> memref<64x128xf32, #tpu.memory_space<hbm>>
      tpu.enqueue_dma source(%dma_start3A_493 : memref<64x128xf32, #tpu.memory_space<hbm>>) target(%dma_start3A_491 : memref<64x128xf32, #tpu.memory_space<vmem>>) target_semaphore(%dma_start3A_487 : memref<!tpu.dma_semaphore, #tpu.memory_space<semaphore_mem>>)
      %dma_wait3A_494 = arith.constant 1 : i32
      %dma_wait3A_495 = arith.constant 0 : i32
      %dma_wait3A_496 = arith.constant 1 : i32
      %dma_wait3A_497 = arith.constant 0 : i32
      %dma_wait3A_498 = arith.constant 0 : i32
      %dma_wait3A_499 = arith.constant 0 : i32
      %dma_wait3A_500 = tpu.memref_slice %arg7[%dma_wait3A_494, %dma_wait3A_495, %dma_wait3A_498, %dma_wait3A_499] : memref<2x4x64x128xf32, #tpu.memory_space<vmem>> -> memref<1x1x64x128xf32, #tpu.memory_space<vmem>>
      %dma_wait3A_501 = tpu.memref_squeeze %dma_wait3A_500 : memref<1x1x64x128xf32, #tpu.memory_space<vmem>> -> memref<64x128xf32, #tpu.memory_space<vmem>>
      %dma_wait3A_502 = arith.constant 0 : i32
      %dma_wait3A_503 = arith.constant 0 : i32
      %dma_wait3A_504 = tpu.memref_slice %arg4[%dma_wait3A_502, %dma_wait3A_503] : memref<64x1000001xf32, #tpu.memory_space<hbm>> -> memref<64x128xf32, #tpu.memory_space<hbm>>
      %dma_wait3A_505 = tpu.memref_slice %arg9[%dma_wait3A_496, %dma_wait3A_497] : memref<2x4x!tpu.dma_semaphore, #tpu.memory_space<semaphore_mem>> -> memref<1x1x!tpu.dma_semaphore, #tpu.memory_space<semaphore_mem>>
      %dma_wait3A_506 = tpu.memref_squeeze %dma_wait3A_505 : memref<1x1x!tpu.dma_semaphore, #tpu.memory_space<semaphore_mem>> -> memref<!tpu.dma_semaphore, #tpu.memory_space<semaphore_mem>>
      %dma_wait3A_507 = arith.constant 0 : i32
      %dma_wait3A_508 = arith.constant 0 : i32
      %dma_wait3A_509 = tpu.memref_slice %arg7[%dma_wait3A_494, %dma_wait3A_495, %dma_wait3A_507, %dma_wait3A_508] : memref<2x4x64x128xf32, #tpu.memory_space<vmem>> -> memref<1x1x64x128xf32, #tpu.memory_space<vmem>>
      %dma_wait3A_510 = tpu.memref_squeeze %dma_wait3A_509 : memref<1x1x64x128xf32, #tpu.memory_space<vmem>> -> memref<64x128xf32, #tpu.memory_space<vmem>>
      %dma_wait3A_511 = arith.constant 0 : i32
      %dma_wait3A_512 = arith.constant 0 : i32
      %dma_wait3A_513 = tpu.memref_slice %arg4[%dma_wait3A_511, %dma_wait3A_512] : memref<64x1000001xf32, #tpu.memory_space<hbm>> -> memref<64x128xf32, #tpu.memory_space<hbm>>
      tpu.wait_dma2 semaphore(%dma_wait3A_506 : memref<!tpu.dma_semaphore, #tpu.memory_space<semaphore_mem>>) src(%dma_wait3A_513 : memref<64x128xf32, #tpu.memory_space<hbm>>) dst(%dma_wait3A_510 : memref<64x128xf32, #tpu.memory_space<vmem>>)
      %add3A_514 = arith.constant 512 : i32
      %add3A_515 = arith.addi %add3A_514, %add3A_388 : i32
      %get3A_516 = arith.index_cast %add3A_515 : i32 to index
      %get3A_517 = tpu.vector_load %arg6[%get3A_516] {strides = array<i32>} : memref<1072xi32, #tpu.memory_space<vmem>>, vector<16xi32>,
      %slice3A_518 = vector.extract_strided_slice %get3A_517 {offsets = [0], sizes = [1], strides = [1]} : vector<16xi32> to vector<1xi32>
      %squeeze3A_519 = vector.extract %slice3A_518[0] : i32 from vector<1xi32>
      %and3A_520 = arith.constant 127 : i32
      %and3A_521 = arith.andi %squeeze3A_519, %and3A_520 : i32
      %broadcast_in_dim3A_522 = vector.broadcast %and3A_521 : i32 to vector<16xi32>
      %and3A_523 = arith.constant 255 : i32
      %and3A_524 = arith.andi %add3A_388, %and3A_523 : i32
      %broadcast_in_dim3A_525 = vector.broadcast %and3A_524 : i32 to vector<16xi32>
      %broadcast_in_dim3A_526 = arith.constant 1 : i32
      %broadcast_in_dim3A_527 = vector.broadcast %broadcast_in_dim3A_526 : i32 to vector<16xi32>
      %iota3A_528 = tpu.iota {dimensions = array<i32: 0>} : vector<16xi32>
      %add3A_529 = arith.constant 0 : i32
      %add3A_530 = vector.broadcast %add3A_529 : i32 to vector<16xi32>
      %add3A_531 = arith.addi %iota3A_528, %add3A_530 : vector<16xi32>
      %gather3A_532 = arith.constant 1 : i32
      %gather3A_533 = arith.constant 0 : i32
      %gather3A_534 = arith.constant 0 : i32
      %gather3A_535 = arith.constant 0 : i32
      %gather3A_536 = tpu.memref_slice %arg7[%gather3A_532, %gather3A_533, %gather3A_534, %gather3A_535] : memref<2x4x64x128xf32, #tpu.memory_space<vmem>> -> memref<1x1x64x128xf32, #tpu.memory_space<vmem>>
      %gather3A_537 = tpu.memref_squeeze %gather3A_536 : memref<1x1x64x128xf32, #tpu.memory_space<vmem>> -> memref<64x128xf32, #tpu.memory_space<vmem>>
      %gather3A_538 = tpu.vector_load_idx %gather3A_537[%add3A_531, %broadcast_in_dim3A_522] : memref<64x128xf32, #tpu.memory_space<vmem>>[vector<16xi32>, vector<16xi32>], vector<16xf32>,
      tpu.vector_store_idx %arg8[%broadcast_in_dim3A_527, %add3A_531, %broadcast_in_dim3A_525], %gather3A_538 : memref<2x64x256xf32, #tpu.memory_space<vmem>>[vector<16xi32>, vector<16xi32>, vector<16xi32>], vector<16xf32>,
      %iota3A_539 = tpu.iota {dimensions = array<i32: 0>} : vector<16xi32>
      %add3A_540 = arith.constant 16 : i32
      %add3A_541 = vector.broadcast %add3A_540 : i32 to vector<16xi32>
      %add3A_542 = arith.addi %iota3A_539, %add3A_541 : vector<16xi32>
      %gather3A_543 = arith.constant 1 : i32
      %gather3A_544 = arith.constant 0 : i32
      %gather3A_545 = arith.constant 0 : i32
      %gather3A_546 = arith.constant 0 : i32
      %gather3A_547 = tpu.memref_slice %arg7[%gather3A_543, %gather3A_544, %gather3A_545, %gather3A_546] : memref<2x4x64x128xf32, #tpu.memory_space<vmem>> -> memref<1x1x64x128xf32, #tpu.memory_space<vmem>>
      %gather3A_548 = tpu.memref_squeeze %gather3A_547 : memref<1x1x64x128xf32, #tpu.memory_space<vmem>> -> memref<64x128xf32, #tpu.memory_space<vmem>>
      %gather3A_549 = tpu.vector_load_idx %gather3A_548[%add3A_542, %broadcast_in_dim3A_522] : memref<64x128xf32, #tpu.memory_space<vmem>>[vector<16xi32>, vector<16xi32>], vector<16xf32>,
      tpu.vector_store_idx %arg8[%broadcast_in_dim3A_527, %add3A_542, %broadcast_in_dim3A_525], %gather3A_549 : memref<2x64x256xf32, #tpu.memory_space<vmem>>[vector<16xi32>, vector<16xi32>, vector<16xi32>], vector<16xf32>,
      %iota3A_550 = tpu.iota {dimensions = array<i32: 0>} : vector<16xi32>
      %add3A_551 = arith.constant 32 : i32
      %add3A_552 = vector.broadcast %add3A_551 : i32 to vector<16xi32>
      %add3A_553 = arith.addi %iota3A_550, %add3A_552 : vector<16xi32>
      %gather3A_554 = arith.constant 1 : i32
      %gather3A_555 = arith.constant 0 : i32
      %gather3A_556 = arith.constant 0 : i32
      %gather3A_557 = arith.constant 0 : i32
      %gather3A_558 = tpu.memref_slice %arg7[%gather3A_554, %gather3A_555, %gather3A_556, %gather3A_557] : memref<2x4x64x128xf32, #tpu.memory_space<vmem>> -> memref<1x1x64x128xf32, #tpu.memory_space<vmem>>
      %gather3A_559 = tpu.memref_squeeze %gather3A_558 : memref<1x1x64x128xf32, #tpu.memory_space<vmem>> -> memref<64x128xf32, #tpu.memory_space<vmem>>
      %gather3A_560 = tpu.vector_load_idx %gather3A_559[%add3A_553, %broadcast_in_dim3A_522] : memref<64x128xf32, #tpu.memory_space<vmem>>[vector<16xi32>, vector<16xi32>], vector<16xf32>,
      tpu.vector_store_idx %arg8[%broadcast_in_dim3A_527, %add3A_553, %broadcast_in_dim3A_525], %gather3A_560 : memref<2x64x256xf32, #tpu.memory_space<vmem>>[vector<16xi32>, vector<16xi32>, vector<16xi32>], vector<16xf32>,
      %iota3A_561 = tpu.iota {dimensions = array<i32: 0>} : vector<16xi32>
      %add3A_562 = arith.constant 48 : i32
      %add3A_563 = vector.broadcast %add3A_562 : i32 to vector<16xi32>
      %add3A_564 = arith.addi %iota3A_561, %add3A_563 : vector<16xi32>
      %gather3A_565 = arith.constant 1 : i32
      %gather3A_566 = arith.constant 0 : i32
      %gather3A_567 = arith.constant 0 : i32
      %gather3A_568 = arith.constant 0 : i32
      %gather3A_569 = tpu.memref_slice %arg7[%gather3A_565, %gather3A_566, %gather3A_567, %gather3A_568] : memref<2x4x64x128xf32, #tpu.memory_space<vmem>> -> memref<1x1x64x128xf32, #tpu.memory_space<vmem>>
      %gather3A_570 = tpu.memref_squeeze %gather3A_569 : memref<1x1x64x128xf32, #tpu.memory_space<vmem>> -> memref<64x128xf32, #tpu.memory_space<vmem>>
      %gather3A_571 = tpu.vector_load_idx %gather3A_570[%add3A_564, %broadcast_in_dim3A_522] : memref<64x128xf32, #tpu.memory_space<vmem>>[vector<16xi32>, vector<16xi32>], vector<16xf32>,
      tpu.vector_store_idx %arg8[%broadcast_in_dim3A_527, %add3A_564, %broadcast_in_dim3A_525], %gather3A_571 : memref<2x64x256xf32, #tpu.memory_space<vmem>>[vector<16xi32>, vector<16xi32>, vector<16xi32>], vector<16xf32>,
      %add3A_572 = arith.constant 4 : i32
      %add3A_573 = arith.addi %add3A_388, %add3A_572 : i32
      %add3A_574 = arith.constant 512 : i32
      %add3A_575 = arith.addi %add3A_574, %add3A_573 : i32
      %get3A_576 = arith.index_cast %add3A_575 : i32 to index
      %get3A_577 = tpu.vector_load %arg6[%get3A_576] {strides = array<i32>} : memref<1072xi32, #tpu.memory_space<vmem>>, vector<16xi32>,
      %slice3A_578 = vector.extract_strided_slice %get3A_577 {offsets = [0], sizes = [1], strides = [1]} : vector<16xi32> to vector<1xi32>
      %squeeze3A_579 = vector.extract %slice3A_578[0] : i32 from vector<1xi32>
      %shift_right_arithmetic3A_580 = arith.constant 7 : i32
      %shift_right_arithmetic3A_581 = arith.shrsi %squeeze3A_579, %shift_right_arithmetic3A_580 : i32
      %shift_left3A_582 = arith.constant 7 : i32
      %shift_left3A_583 = arith.shli %shift_right_arithmetic3A_581, %shift_left3A_582 : i32
      %multiple_of3A_584 = tpu.assume_multiple %shift_left3A_583, 128 : i32
      %dma_start3A_585 = arith.constant 1 : i32
      %dma_start3A_586 = arith.constant 0 : i32
      %dma_start3A_587 = arith.constant 1 : i32
      %dma_start3A_588 = arith.constant 0 : i32
      %dma_start3A_589 = arith.constant 0 : i32
      %dma_start3A_590 = arith.constant 0 : i32
      %dma_start3A_591 = tpu.memref_slice %arg7[%dma_start3A_585, %dma_start3A_586, %dma_start3A_589, %dma_start3A_590] : memref<2x4x64x128xf32, #tpu.memory_space<vmem>> -> memref<1x1x64x128xf32, #tpu.memory_space<vmem>>
      %dma_start3A_592 = tpu.memref_squeeze %dma_start3A_591 : memref<1x1x64x128xf32, #tpu.memory_space<vmem>> -> memref<64x128xf32, #tpu.memory_space<vmem>>
      %dma_start3A_593 = arith.constant 0 : i32
      %dma_start3A_594 = tpu.memref_slice %arg4[%dma_start3A_593, %multiple_of3A_584] : memref<64x1000001xf32, #tpu.memory_space<hbm>> -> memref<64x128xf32, #tpu.memory_space<hbm>>
      %dma_start3A_595 = tpu.memref_slice %arg9[%dma_start3A_587, %dma_start3A_588] : memref<2x4x!tpu.dma_semaphore, #tpu.memory_space<semaphore_mem>> -> memref<1x1x!tpu.dma_semaphore, #tpu.memory_space<semaphore_mem>>
      %dma_start3A_596 = tpu.memref_squeeze %dma_start3A_595 : memref<1x1x!tpu.dma_semaphore, #tpu.memory_space<semaphore_mem>> -> memref<!tpu.dma_semaphore, #tpu.memory_space<semaphore_mem>>
      %dma_start3A_597 = arith.constant 0 : i32
      %dma_start3A_598 = arith.constant 0 : i32
      %dma_start3A_599 = tpu.memref_slice %arg7[%dma_start3A_585, %dma_start3A_586, %dma_start3A_597, %dma_start3A_598] : memref<2x4x64x128xf32, #tpu.memory_space<vmem>> -> memref<1x1x64x128xf32, #tpu.memory_space<vmem>>
      %dma_start3A_600 = tpu.memref_squeeze %dma_start3A_599 : memref<1x1x64x128xf32, #tpu.memory_space<vmem>> -> memref<64x128xf32, #tpu.memory_space<vmem>>
      %dma_start3A_601 = arith.constant 0 : i32
      %dma_start3A_602 = tpu.memref_slice %arg4[%dma_start3A_601, %multiple_of3A_584] : memref<64x1000001xf32, #tpu.memory_space<hbm>> -> memref<64x128xf32, #tpu.memory_space<hbm>>
      tpu.enqueue_dma source(%dma_start3A_602 : memref<64x128xf32, #tpu.memory_space<hbm>>) target(%dma_start3A_600 : memref<64x128xf32, #tpu.memory_space<vmem>>) target_semaphore(%dma_start3A_596 : memref<!tpu.dma_semaphore, #tpu.memory_space<semaphore_mem>>)
      %mul3A_603 = arith.constant 4 : i32
      %mul3A_604 = arith.muli %scan3A_384, %mul3A_603 : i32
      %add3A_605 = arith.constant 1 : i32
      %add3A_606 = arith.addi %mul3A_604, %add3A_605 : i32
      %dma_wait3A_607 = arith.constant 0 : i32
      %dma_wait3A_608 = arith.constant 1 : i32
      %dma_wait3A_609 = arith.constant 0 : i32
      %dma_wait3A_610 = arith.constant 1 : i32
      %dma_wait3A_611 = arith.constant 0 : i32
      %dma_wait3A_612 = arith.constant 0 : i32
      %dma_wait3A_613 = tpu.memref_slice %arg7[%dma_wait3A_607, %dma_wait3A_608, %dma_wait3A_611, %dma_wait3A_612] : memref<2x4x64x128xf32, #tpu.memory_space<vmem>> -> memref<1x1x64x128xf32, #tpu.memory_space<vmem>>
      %dma_wait3A_614 = tpu.memref_squeeze %dma_wait3A_613 : memref<1x1x64x128xf32, #tpu.memory_space<vmem>> -> memref<64x128xf32, #tpu.memory_space<vmem>>
      %dma_wait3A_615 = arith.constant 0 : i32
      %dma_wait3A_616 = arith.constant 0 : i32
      %dma_wait3A_617 = tpu.memref_slice %arg3[%dma_wait3A_615, %dma_wait3A_616] : memref<64x1000000xf32, #tpu.memory_space<hbm>> -> memref<64x128xf32, #tpu.memory_space<hbm>>
      %dma_wait3A_618 = tpu.memref_slice %arg9[%dma_wait3A_609, %dma_wait3A_610] : memref<2x4x!tpu.dma_semaphore, #tpu.memory_space<semaphore_mem>> -> memref<1x1x!tpu.dma_semaphore, #tpu.memory_space<semaphore_mem>>
      %dma_wait3A_619 = tpu.memref_squeeze %dma_wait3A_618 : memref<1x1x!tpu.dma_semaphore, #tpu.memory_space<semaphore_mem>> -> memref<!tpu.dma_semaphore, #tpu.memory_space<semaphore_mem>>
      %dma_wait3A_620 = arith.constant 0 : i32
      %dma_wait3A_621 = arith.constant 0 : i32
      %dma_wait3A_622 = tpu.memref_slice %arg7[%dma_wait3A_607, %dma_wait3A_608, %dma_wait3A_620, %dma_wait3A_621] : memref<2x4x64x128xf32, #tpu.memory_space<vmem>> -> memref<1x1x64x128xf32, #tpu.memory_space<vmem>>
      %dma_wait3A_623 = tpu.memref_squeeze %dma_wait3A_622 : memref<1x1x64x128xf32, #tpu.memory_space<vmem>> -> memref<64x128xf32, #tpu.memory_space<vmem>>
      %dma_wait3A_624 = arith.constant 0 : i32
      %dma_wait3A_625 = arith.constant 0 : i32
      %dma_wait3A_626 = tpu.memref_slice %arg3[%dma_wait3A_624, %dma_wait3A_625] : memref<64x1000000xf32, #tpu.memory_space<hbm>> -> memref<64x128xf32, #tpu.memory_space<hbm>>
      tpu.wait_dma2 semaphore(%dma_wait3A_619 : memref<!tpu.dma_semaphore, #tpu.memory_space<semaphore_mem>>) src(%dma_wait3A_626 : memref<64x128xf32, #tpu.memory_space<hbm>>) dst(%dma_wait3A_623 : memref<64x128xf32, #tpu.memory_space<vmem>>)
      %add3A_627 = arith.constant 0 : i32
      %add3A_628 = arith.addi %add3A_627, %add3A_606 : i32
      %get3A_629 = arith.index_cast %add3A_628 : i32 to index
      %get3A_630 = tpu.vector_load %arg6[%get3A_629] {strides = array<i32>} : memref<1072xi32, #tpu.memory_space<vmem>>, vector<16xi32>,
      %slice3A_631 = vector.extract_strided_slice %get3A_630 {offsets = [0], sizes = [1], strides = [1]} : vector<16xi32> to vector<1xi32>
      %squeeze3A_632 = vector.extract %slice3A_631[0] : i32 from vector<1xi32>
      %and3A_633 = arith.constant 127 : i32
      %and3A_634 = arith.andi %squeeze3A_632, %and3A_633 : i32
      %broadcast_in_dim3A_635 = vector.broadcast %and3A_634 : i32 to vector<16xi32>
      %and3A_636 = arith.constant 255 : i32
      %and3A_637 = arith.andi %add3A_606, %and3A_636 : i32
      %broadcast_in_dim3A_638 = vector.broadcast %and3A_637 : i32 to vector<16xi32>
      %broadcast_in_dim3A_639 = arith.constant 0 : i32
      %broadcast_in_dim3A_640 = vector.broadcast %broadcast_in_dim3A_639 : i32 to vector<16xi32>
      %iota3A_641 = tpu.iota {dimensions = array<i32: 0>} : vector<16xi32>
      %add3A_642 = arith.constant 0 : i32
      %add3A_643 = vector.broadcast %add3A_642 : i32 to vector<16xi32>
      %add3A_644 = arith.addi %iota3A_641, %add3A_643 : vector<16xi32>
      %gather3A_645 = arith.constant 0 : i32
      %gather3A_646 = arith.constant 1 : i32
      %gather3A_647 = arith.constant 0 : i32
      %gather3A_648 = arith.constant 0 : i32
      %gather3A_649 = tpu.memref_slice %arg7[%gather3A_645, %gather3A_646, %gather3A_647, %gather3A_648] : memref<2x4x64x128xf32, #tpu.memory_space<vmem>> -> memref<1x1x64x128xf32, #tpu.memory_space<vmem>>
      %gather3A_650 = tpu.memref_squeeze %gather3A_649 : memref<1x1x64x128xf32, #tpu.memory_space<vmem>> -> memref<64x128xf32, #tpu.memory_space<vmem>>
      %gather3A_651 = tpu.vector_load_idx %gather3A_650[%add3A_644, %broadcast_in_dim3A_635] : memref<64x128xf32, #tpu.memory_space<vmem>>[vector<16xi32>, vector<16xi32>], vector<16xf32>,
      tpu.vector_store_idx %arg8[%broadcast_in_dim3A_640, %add3A_644, %broadcast_in_dim3A_638], %gather3A_651 : memref<2x64x256xf32, #tpu.memory_space<vmem>>[vector<16xi32>, vector<16xi32>, vector<16xi32>], vector<16xf32>,
      %iota3A_652 = tpu.iota {dimensions = array<i32: 0>} : vector<16xi32>
      %add3A_653 = arith.constant 16 : i32
      %add3A_654 = vector.broadcast %add3A_653 : i32 to vector<16xi32>
      %add3A_655 = arith.addi %iota3A_652, %add3A_654 : vector<16xi32>
      %gather3A_656 = arith.constant 0 : i32
      %gather3A_657 = arith.constant 1 : i32
      %gather3A_658 = arith.constant 0 : i32
      %gather3A_659 = arith.constant 0 : i32
      %gather3A_660 = tpu.memref_slice %arg7[%gather3A_656, %gather3A_657, %gather3A_658, %gather3A_659] : memref<2x4x64x128xf32, #tpu.memory_space<vmem>> -> memref<1x1x64x128xf32, #tpu.memory_space<vmem>>
      %gather3A_661 = tpu.memref_squeeze %gather3A_660 : memref<1x1x64x128xf32, #tpu.memory_space<vmem>> -> memref<64x128xf32, #tpu.memory_space<vmem>>
      %gather3A_662 = tpu.vector_load_idx %gather3A_661[%add3A_655, %broadcast_in_dim3A_635] : memref<64x128xf32, #tpu.memory_space<vmem>>[vector<16xi32>, vector<16xi32>], vector<16xf32>,
      tpu.vector_store_idx %arg8[%broadcast_in_dim3A_640, %add3A_655, %broadcast_in_dim3A_638], %gather3A_662 : memref<2x64x256xf32, #tpu.memory_space<vmem>>[vector<16xi32>, vector<16xi32>, vector<16xi32>], vector<16xf32>,
      %iota3A_663 = tpu.iota {dimensions = array<i32: 0>} : vector<16xi32>
      %add3A_664 = arith.constant 32 : i32
      %add3A_665 = vector.broadcast %add3A_664 : i32 to vector<16xi32>
      %add3A_666 = arith.addi %iota3A_663, %add3A_665 : vector<16xi32>
      %gather3A_667 = arith.constant 0 : i32
      %gather3A_668 = arith.constant 1 : i32
      %gather3A_669 = arith.constant 0 : i32
      %gather3A_670 = arith.constant 0 : i32
      %gather3A_671 = tpu.memref_slice %arg7[%gather3A_667, %gather3A_668, %gather3A_669, %gather3A_670] : memref<2x4x64x128xf32, #tpu.memory_space<vmem>> -> memref<1x1x64x128xf32, #tpu.memory_space<vmem>>
      %gather3A_672 = tpu.memref_squeeze %gather3A_671 : memref<1x1x64x128xf32, #tpu.memory_space<vmem>> -> memref<64x128xf32, #tpu.memory_space<vmem>>
      %gather3A_673 = tpu.vector_load_idx %gather3A_672[%add3A_666, %broadcast_in_dim3A_635] : memref<64x128xf32, #tpu.memory_space<vmem>>[vector<16xi32>, vector<16xi32>], vector<16xf32>,
      tpu.vector_store_idx %arg8[%broadcast_in_dim3A_640, %add3A_666, %broadcast_in_dim3A_638], %gather3A_673 : memref<2x64x256xf32, #tpu.memory_space<vmem>>[vector<16xi32>, vector<16xi32>, vector<16xi32>], vector<16xf32>,
      %iota3A_674 = tpu.iota {dimensions = array<i32: 0>} : vector<16xi32>
      %add3A_675 = arith.constant 48 : i32
      %add3A_676 = vector.broadcast %add3A_675 : i32 to vector<16xi32>
      %add3A_677 = arith.addi %iota3A_674, %add3A_676 : vector<16xi32>
      %gather3A_678 = arith.constant 0 : i32
      %gather3A_679 = arith.constant 1 : i32
      %gather3A_680 = arith.constant 0 : i32
      %gather3A_681 = arith.constant 0 : i32
      %gather3A_682 = tpu.memref_slice %arg7[%gather3A_678, %gather3A_679, %gather3A_680, %gather3A_681] : memref<2x4x64x128xf32, #tpu.memory_space<vmem>> -> memref<1x1x64x128xf32, #tpu.memory_space<vmem>>
      %gather3A_683 = tpu.memref_squeeze %gather3A_682 : memref<1x1x64x128xf32, #tpu.memory_space<vmem>> -> memref<64x128xf32, #tpu.memory_space<vmem>>
      %gather3A_684 = tpu.vector_load_idx %gather3A_683[%add3A_677, %broadcast_in_dim3A_635] : memref<64x128xf32, #tpu.memory_space<vmem>>[vector<16xi32>, vector<16xi32>], vector<16xf32>,
      tpu.vector_store_idx %arg8[%broadcast_in_dim3A_640, %add3A_677, %broadcast_in_dim3A_638], %gather3A_684 : memref<2x64x256xf32, #tpu.memory_space<vmem>>[vector<16xi32>, vector<16xi32>, vector<16xi32>], vector<16xf32>,
      %add3A_685 = arith.constant 4 : i32
      %add3A_686 = arith.addi %add3A_606, %add3A_685 : i32
      %add3A_687 = arith.constant 0 : i32
      %add3A_688 = arith.addi %add3A_687, %add3A_686 : i32
      %get3A_689 = arith.index_cast %add3A_688 : i32 to index
      %get3A_690 = tpu.vector_load %arg6[%get3A_689] {strides = array<i32>} : memref<1072xi32, #tpu.memory_space<vmem>>, vector<16xi32>,
      %slice3A_691 = vector.extract_strided_slice %get3A_690 {offsets = [0], sizes = [1], strides = [1]} : vector<16xi32> to vector<1xi32>
      %squeeze3A_692 = vector.extract %slice3A_691[0] : i32 from vector<1xi32>
      %shift_right_arithmetic3A_693 = arith.constant 7 : i32
      %shift_right_arithmetic3A_694 = arith.shrsi %squeeze3A_692, %shift_right_arithmetic3A_693 : i32
      %shift_left3A_695 = arith.constant 7 : i32
      %shift_left3A_696 = arith.shli %shift_right_arithmetic3A_694, %shift_left3A_695 : i32
      %multiple_of3A_697 = tpu.assume_multiple %shift_left3A_696, 128 : i32
      %dma_start3A_698 = arith.constant 0 : i32
      %dma_start3A_699 = arith.constant 1 : i32
      %dma_start3A_700 = arith.constant 0 : i32
      %dma_start3A_701 = arith.constant 1 : i32
      %dma_start3A_702 = arith.constant 0 : i32
      %dma_start3A_703 = arith.constant 0 : i32
      %dma_start3A_704 = tpu.memref_slice %arg7[%dma_start3A_698, %dma_start3A_699, %dma_start3A_702, %dma_start3A_703] : memref<2x4x64x128xf32, #tpu.memory_space<vmem>> -> memref<1x1x64x128xf32, #tpu.memory_space<vmem>>
      %dma_start3A_705 = tpu.memref_squeeze %dma_start3A_704 : memref<1x1x64x128xf32, #tpu.memory_space<vmem>> -> memref<64x128xf32, #tpu.memory_space<vmem>>
      %dma_start3A_706 = arith.constant 0 : i32
      %dma_start3A_707 = tpu.memref_slice %arg3[%dma_start3A_706, %multiple_of3A_697] : memref<64x1000000xf32, #tpu.memory_space<hbm>> -> memref<64x128xf32, #tpu.memory_space<hbm>>
      %dma_start3A_708 = tpu.memref_slice %arg9[%dma_start3A_700, %dma_start3A_701] : memref<2x4x!tpu.dma_semaphore, #tpu.memory_space<semaphore_mem>> -> memref<1x1x!tpu.dma_semaphore, #tpu.memory_space<semaphore_mem>>
      %dma_start3A_709 = tpu.memref_squeeze %dma_start3A_708 : memref<1x1x!tpu.dma_semaphore, #tpu.memory_space<semaphore_mem>> -> memref<!tpu.dma_semaphore, #tpu.memory_space<semaphore_mem>>
      %dma_start3A_710 = arith.constant 0 : i32
      %dma_start3A_711 = arith.constant 0 : i32
      %dma_start3A_712 = tpu.memref_slice %arg7[%dma_start3A_698, %dma_start3A_699, %dma_start3A_710, %dma_start3A_711] : memref<2x4x64x128xf32, #tpu.memory_space<vmem>> -> memref<1x1x64x128xf32, #tpu.memory_space<vmem>>
      %dma_start3A_713 = tpu.memref_squeeze %dma_start3A_712 : memref<1x1x64x128xf32, #tpu.memory_space<vmem>> -> memref<64x128xf32, #tpu.memory_space<vmem>>
      %dma_start3A_714 = arith.constant 0 : i32
      %dma_start3A_715 = tpu.memref_slice %arg3[%dma_start3A_714, %multiple_of3A_697] : memref<64x1000000xf32, #tpu.memory_space<hbm>> -> memref<64x128xf32, #tpu.memory_space<hbm>>
      tpu.enqueue_dma source(%dma_start3A_715 : memref<64x128xf32, #tpu.memory_space<hbm>>) target(%dma_start3A_713 : memref<64x128xf32, #tpu.memory_space<vmem>>) target_semaphore(%dma_start3A_709 : memref<!tpu.dma_semaphore, #tpu.memory_space<semaphore_mem>>)
      %dma_wait3A_716 = arith.constant 1 : i32
      %dma_wait3A_717 = arith.constant 1 : i32
      %dma_wait3A_718 = arith.constant 1 : i32
      %dma_wait3A_719 = arith.constant 1 : i32
      %dma_wait3A_720 = arith.constant 0 : i32
      %dma_wait3A_721 = arith.constant 0 : i32
      %dma_wait3A_722 = tpu.memref_slice %arg7[%dma_wait3A_716, %dma_wait3A_717, %dma_wait3A_720, %dma_wait3A_721] : memref<2x4x64x128xf32, #tpu.memory_space<vmem>> -> memref<1x1x64x128xf32, #tpu.memory_space<vmem>>
      %dma_wait3A_723 = tpu.memref_squeeze %dma_wait3A_722 : memref<1x1x64x128xf32, #tpu.memory_space<vmem>> -> memref<64x128xf32, #tpu.memory_space<vmem>>
      %dma_wait3A_724 = arith.constant 0 : i32
      %dma_wait3A_725 = arith.constant 0 : i32
      %dma_wait3A_726 = tpu.memref_slice %arg4[%dma_wait3A_724, %dma_wait3A_725] : memref<64x1000001xf32, #tpu.memory_space<hbm>> -> memref<64x128xf32, #tpu.memory_space<hbm>>
      %dma_wait3A_727 = tpu.memref_slice %arg9[%dma_wait3A_718, %dma_wait3A_719] : memref<2x4x!tpu.dma_semaphore, #tpu.memory_space<semaphore_mem>> -> memref<1x1x!tpu.dma_semaphore, #tpu.memory_space<semaphore_mem>>
      %dma_wait3A_728 = tpu.memref_squeeze %dma_wait3A_727 : memref<1x1x!tpu.dma_semaphore, #tpu.memory_space<semaphore_mem>> -> memref<!tpu.dma_semaphore, #tpu.memory_space<semaphore_mem>>
      %dma_wait3A_729 = arith.constant 0 : i32
      %dma_wait3A_730 = arith.constant 0 : i32
      %dma_wait3A_731 = tpu.memref_slice %arg7[%dma_wait3A_716, %dma_wait3A_717, %dma_wait3A_729, %dma_wait3A_730] : memref<2x4x64x128xf32, #tpu.memory_space<vmem>> -> memref<1x1x64x128xf32, #tpu.memory_space<vmem>>
      %dma_wait3A_732 = tpu.memref_squeeze %dma_wait3A_731 : memref<1x1x64x128xf32, #tpu.memory_space<vmem>> -> memref<64x128xf32, #tpu.memory_space<vmem>>
      %dma_wait3A_733 = arith.constant 0 : i32
      %dma_wait3A_734 = arith.constant 0 : i32
      %dma_wait3A_735 = tpu.memref_slice %arg4[%dma_wait3A_733, %dma_wait3A_734] : memref<64x1000001xf32, #tpu.memory_space<hbm>> -> memref<64x128xf32, #tpu.memory_space<hbm>>
      tpu.wait_dma2 semaphore(%dma_wait3A_728 : memref<!tpu.dma_semaphore, #tpu.memory_space<semaphore_mem>>) src(%dma_wait3A_735 : memref<64x128xf32, #tpu.memory_space<hbm>>) dst(%dma_wait3A_732 : memref<64x128xf32, #tpu.memory_space<vmem>>)
      %add3A_736 = arith.constant 512 : i32
      %add3A_737 = arith.addi %add3A_736, %add3A_606 : i32
      %get3A_738 = arith.index_cast %add3A_737 : i32 to index
      %get3A_739 = tpu.vector_load %arg6[%get3A_738] {strides = array<i32>} : memref<1072xi32, #tpu.memory_space<vmem>>, vector<16xi32>,
      %slice3A_740 = vector.extract_strided_slice %get3A_739 {offsets = [0], sizes = [1], strides = [1]} : vector<16xi32> to vector<1xi32>
      %squeeze3A_741 = vector.extract %slice3A_740[0] : i32 from vector<1xi32>
      %and3A_742 = arith.constant 127 : i32
      %and3A_743 = arith.andi %squeeze3A_741, %and3A_742 : i32
      %broadcast_in_dim3A_744 = vector.broadcast %and3A_743 : i32 to vector<16xi32>
      %and3A_745 = arith.constant 255 : i32
      %and3A_746 = arith.andi %add3A_606, %and3A_745 : i32
      %broadcast_in_dim3A_747 = vector.broadcast %and3A_746 : i32 to vector<16xi32>
      %broadcast_in_dim3A_748 = arith.constant 1 : i32
      %broadcast_in_dim3A_749 = vector.broadcast %broadcast_in_dim3A_748 : i32 to vector<16xi32>
      %iota3A_750 = tpu.iota {dimensions = array<i32: 0>} : vector<16xi32>
      %add3A_751 = arith.constant 0 : i32
      %add3A_752 = vector.broadcast %add3A_751 : i32 to vector<16xi32>
      %add3A_753 = arith.addi %iota3A_750, %add3A_752 : vector<16xi32>
      %gather3A_754 = arith.constant 1 : i32
      %gather3A_755 = arith.constant 1 : i32
      %gather3A_756 = arith.constant 0 : i32
      %gather3A_757 = arith.constant 0 : i32
      %gather3A_758 = tpu.memref_slice %arg7[%gather3A_754, %gather3A_755, %gather3A_756, %gather3A_757] : memref<2x4x64x128xf32, #tpu.memory_space<vmem>> -> memref<1x1x64x128xf32, #tpu.memory_space<vmem>>
      %gather3A_759 = tpu.memref_squeeze %gather3A_758 : memref<1x1x64x128xf32, #tpu.memory_space<vmem>> -> memref<64x128xf32, #tpu.memory_space<vmem>>
      %gather3A_760 = tpu.vector_load_idx %gather3A_759[%add3A_753, %broadcast_in_dim3A_744] : memref<64x128xf32, #tpu.memory_space<vmem>>[vector<16xi32>, vector<16xi32>], vector<16xf32>,
      tpu.vector_store_idx %arg8[%broadcast_in_dim3A_749, %add3A_753, %broadcast_in_dim3A_747], %gather3A_760 : memref<2x64x256xf32, #tpu.memory_space<vmem>>[vector<16xi32>, vector<16xi32>, vector<16xi32>], vector<16xf32>,
      %iota3A_761 = tpu.iota {dimensions = array<i32: 0>} : vector<16xi32>
      %add3A_762 = arith.constant 16 : i32
      %add3A_763 = vector.broadcast %add3A_762 : i32 to vector<16xi32>
      %add3A_764 = arith.addi %iota3A_761, %add3A_763 : vector<16xi32>
      %gather3A_765 = arith.constant 1 : i32
      %gather3A_766 = arith.constant 1 : i32
      %gather3A_767 = arith.constant 0 : i32
      %gather3A_768 = arith.constant 0 : i32
      %gather3A_769 = tpu.memref_slice %arg7[%gather3A_765, %gather3A_766, %gather3A_767, %gather3A_768] : memref<2x4x64x128xf32, #tpu.memory_space<vmem>> -> memref<1x1x64x128xf32, #tpu.memory_space<vmem>>
      %gather3A_770 = tpu.memref_squeeze %gather3A_769 : memref<1x1x64x128xf32, #tpu.memory_space<vmem>> -> memref<64x128xf32, #tpu.memory_space<vmem>>
      %gather3A_771 = tpu.vector_load_idx %gather3A_770[%add3A_764, %broadcast_in_dim3A_744] : memref<64x128xf32, #tpu.memory_space<vmem>>[vector<16xi32>, vector<16xi32>], vector<16xf32>,
      tpu.vector_store_idx %arg8[%broadcast_in_dim3A_749, %add3A_764, %broadcast_in_dim3A_747], %gather3A_771 : memref<2x64x256xf32, #tpu.memory_space<vmem>>[vector<16xi32>, vector<16xi32>, vector<16xi32>], vector<16xf32>,
      %iota3A_772 = tpu.iota {dimensions = array<i32: 0>} : vector<16xi32>
      %add3A_773 = arith.constant 32 : i32
      %add3A_774 = vector.broadcast %add3A_773 : i32 to vector<16xi32>
      %add3A_775 = arith.addi %iota3A_772, %add3A_774 : vector<16xi32>
      %gather3A_776 = arith.constant 1 : i32
      %gather3A_777 = arith.constant 1 : i32
      %gather3A_778 = arith.constant 0 : i32
      %gather3A_779 = arith.constant 0 : i32
      %gather3A_780 = tpu.memref_slice %arg7[%gather3A_776, %gather3A_777, %gather3A_778, %gather3A_779] : memref<2x4x64x128xf32, #tpu.memory_space<vmem>> -> memref<1x1x64x128xf32, #tpu.memory_space<vmem>>
      %gather3A_781 = tpu.memref_squeeze %gather3A_780 : memref<1x1x64x128xf32, #tpu.memory_space<vmem>> -> memref<64x128xf32, #tpu.memory_space<vmem>>
      %gather3A_782 = tpu.vector_load_idx %gather3A_781[%add3A_775, %broadcast_in_dim3A_744] : memref<64x128xf32, #tpu.memory_space<vmem>>[vector<16xi32>, vector<16xi32>], vector<16xf32>,
      tpu.vector_store_idx %arg8[%broadcast_in_dim3A_749, %add3A_775, %broadcast_in_dim3A_747], %gather3A_782 : memref<2x64x256xf32, #tpu.memory_space<vmem>>[vector<16xi32>, vector<16xi32>, vector<16xi32>], vector<16xf32>,
      %iota3A_783 = tpu.iota {dimensions = array<i32: 0>} : vector<16xi32>
      %add3A_784 = arith.constant 48 : i32
      %add3A_785 = vector.broadcast %add3A_784 : i32 to vector<16xi32>
      %add3A_786 = arith.addi %iota3A_783, %add3A_785 : vector<16xi32>
      %gather3A_787 = arith.constant 1 : i32
      %gather3A_788 = arith.constant 1 : i32
      %gather3A_789 = arith.constant 0 : i32
      %gather3A_790 = arith.constant 0 : i32
      %gather3A_791 = tpu.memref_slice %arg7[%gather3A_787, %gather3A_788, %gather3A_789, %gather3A_790] : memref<2x4x64x128xf32, #tpu.memory_space<vmem>> -> memref<1x1x64x128xf32, #tpu.memory_space<vmem>>
      %gather3A_792 = tpu.memref_squeeze %gather3A_791 : memref<1x1x64x128xf32, #tpu.memory_space<vmem>> -> memref<64x128xf32, #tpu.memory_space<vmem>>
      %gather3A_793 = tpu.vector_load_idx %gather3A_792[%add3A_786, %broadcast_in_dim3A_744] : memref<64x128xf32, #tpu.memory_space<vmem>>[vector<16xi32>, vector<16xi32>], vector<16xf32>,
      tpu.vector_store_idx %arg8[%broadcast_in_dim3A_749, %add3A_786, %broadcast_in_dim3A_747], %gather3A_793 : memref<2x64x256xf32, #tpu.memory_space<vmem>>[vector<16xi32>, vector<16xi32>, vector<16xi32>], vector<16xf32>,
      %add3A_794 = arith.constant 4 : i32
      %add3A_795 = arith.addi %add3A_606, %add3A_794 : i32
      %add3A_796 = arith.constant 512 : i32
      %add3A_797 = arith.addi %add3A_796, %add3A_795 : i32
      %get3A_798 = arith.index_cast %add3A_797 : i32 to index
      %get3A_799 = tpu.vector_load %arg6[%get3A_798] {strides = array<i32>} : memref<1072xi32, #tpu.memory_space<vmem>>, vector<16xi32>,
      %slice3A_800 = vector.extract_strided_slice %get3A_799 {offsets = [0], sizes = [1], strides = [1]} : vector<16xi32> to vector<1xi32>
      %squeeze3A_801 = vector.extract %slice3A_800[0] : i32 from vector<1xi32>
      %shift_right_arithmetic3A_802 = arith.constant 7 : i32
      %shift_right_arithmetic3A_803 = arith.shrsi %squeeze3A_801, %shift_right_arithmetic3A_802 : i32
      %shift_left3A_804 = arith.constant 7 : i32
      %shift_left3A_805 = arith.shli %shift_right_arithmetic3A_803, %shift_left3A_804 : i32
      %multiple_of3A_806 = tpu.assume_multiple %shift_left3A_805, 128 : i32
      %dma_start3A_807 = arith.constant 1 : i32
      %dma_start3A_808 = arith.constant 1 : i32
      %dma_start3A_809 = arith.constant 1 : i32
      %dma_start3A_810 = arith.constant 1 : i32
      %dma_start3A_811 = arith.constant 0 : i32
      %dma_start3A_812 = arith.constant 0 : i32
      %dma_start3A_813 = tpu.memref_slice %arg7[%dma_start3A_807, %dma_start3A_808, %dma_start3A_811, %dma_start3A_812] : memref<2x4x64x128xf32, #tpu.memory_space<vmem>> -> memref<1x1x64x128xf32, #tpu.memory_space<vmem>>
      %dma_start3A_814 = tpu.memref_squeeze %dma_start3A_813 : memref<1x1x64x128xf32, #tpu.memory_space<vmem>> -> memref<64x128xf32, #tpu.memory_space<vmem>>
      %dma_start3A_815 = arith.constant 0 : i32
      %dma_start3A_816 = tpu.memref_slice %arg4[%dma_start3A_815, %multiple_of3A_806] : memref<64x1000001xf32, #tpu.memory_space<hbm>> -> memref<64x128xf32, #tpu.memory_space<hbm>>
      %dma_start3A_817 = tpu.memref_slice %arg9[%dma_start3A_809, %dma_start3A_810] : memref<2x4x!tpu.dma_semaphore, #tpu.memory_space<semaphore_mem>> -> memref<1x1x!tpu.dma_semaphore, #tpu.memory_space<semaphore_mem>>
      %dma_start3A_818 = tpu.memref_squeeze %dma_start3A_817 : memref<1x1x!tpu.dma_semaphore, #tpu.memory_space<semaphore_mem>> -> memref<!tpu.dma_semaphore, #tpu.memory_space<semaphore_mem>>
      %dma_start3A_819 = arith.constant 0 : i32
      %dma_start3A_820 = arith.constant 0 : i32
      %dma_start3A_821 = tpu.memref_slice %arg7[%dma_start3A_807, %dma_start3A_808, %dma_start3A_819, %dma_start3A_820] : memref<2x4x64x128xf32, #tpu.memory_space<vmem>> -> memref<1x1x64x128xf32, #tpu.memory_space<vmem>>
      %dma_start3A_822 = tpu.memref_squeeze %dma_start3A_821 : memref<1x1x64x128xf32, #tpu.memory_space<vmem>> -> memref<64x128xf32, #tpu.memory_space<vmem>>
      %dma_start3A_823 = arith.constant 0 : i32
      %dma_start3A_824 = tpu.memref_slice %arg4[%dma_start3A_823, %multiple_of3A_806] : memref<64x1000001xf32, #tpu.memory_space<hbm>> -> memref<64x128xf32, #tpu.memory_space<hbm>>
      tpu.enqueue_dma source(%dma_start3A_824 : memref<64x128xf32, #tpu.memory_space<hbm>>) target(%dma_start3A_822 : memref<64x128xf32, #tpu.memory_space<vmem>>) target_semaphore(%dma_start3A_818 : memref<!tpu.dma_semaphore, #tpu.memory_space<semaphore_mem>>)
      %mul3A_825 = arith.constant 4 : i32
      %mul3A_826 = arith.muli %scan3A_384, %mul3A_825 : i32
      %add3A_827 = arith.constant 2 : i32
      %add3A_828 = arith.addi %mul3A_826, %add3A_827 : i32
      %dma_wait3A_829 = arith.constant 0 : i32
      %dma_wait3A_830 = arith.constant 2 : i32
      %dma_wait3A_831 = arith.constant 0 : i32
      %dma_wait3A_832 = arith.constant 2 : i32
      %dma_wait3A_833 = arith.constant 0 : i32
      %dma_wait3A_834 = arith.constant 0 : i32
      %dma_wait3A_835 = tpu.memref_slice %arg7[%dma_wait3A_829, %dma_wait3A_830, %dma_wait3A_833, %dma_wait3A_834] : memref<2x4x64x128xf32, #tpu.memory_space<vmem>> -> memref<1x1x64x128xf32, #tpu.memory_space<vmem>>
      %dma_wait3A_836 = tpu.memref_squeeze %dma_wait3A_835 : memref<1x1x64x128xf32, #tpu.memory_space<vmem>> -> memref<64x128xf32, #tpu.memory_space<vmem>>
      %dma_wait3A_837 = arith.constant 0 : i32
      %dma_wait3A_838 = arith.constant 0 : i32
      %dma_wait3A_839 = tpu.memref_slice %arg3[%dma_wait3A_837, %dma_wait3A_838] : memref<64x1000000xf32, #tpu.memory_space<hbm>> -> memref<64x128xf32, #tpu.memory_space<hbm>>
      %dma_wait3A_840 = tpu.memref_slice %arg9[%dma_wait3A_831, %dma_wait3A_832] : memref<2x4x!tpu.dma_semaphore, #tpu.memory_space<semaphore_mem>> -> memref<1x1x!tpu.dma_semaphore, #tpu.memory_space<semaphore_mem>>
      %dma_wait3A_841 = tpu.memref_squeeze %dma_wait3A_840 : memref<1x1x!tpu.dma_semaphore, #tpu.memory_space<semaphore_mem>> -> memref<!tpu.dma_semaphore, #tpu.memory_space<semaphore_mem>>
      %dma_wait3A_842 = arith.constant 0 : i32
      %dma_wait3A_843 = arith.constant 0 : i32
      %dma_wait3A_844 = tpu.memref_slice %arg7[%dma_wait3A_829, %dma_wait3A_830, %dma_wait3A_842, %dma_wait3A_843] : memref<2x4x64x128xf32, #tpu.memory_space<vmem>> -> memref<1x1x64x128xf32, #tpu.memory_space<vmem>>
      %dma_wait3A_845 = tpu.memref_squeeze %dma_wait3A_844 : memref<1x1x64x128xf32, #tpu.memory_space<vmem>> -> memref<64x128xf32, #tpu.memory_space<vmem>>
      %dma_wait3A_846 = arith.constant 0 : i32
      %dma_wait3A_847 = arith.constant 0 : i32
      %dma_wait3A_848 = tpu.memref_slice %arg3[%dma_wait3A_846, %dma_wait3A_847] : memref<64x1000000xf32, #tpu.memory_space<hbm>> -> memref<64x128xf32, #tpu.memory_space<hbm>>
      tpu.wait_dma2 semaphore(%dma_wait3A_841 : memref<!tpu.dma_semaphore, #tpu.memory_space<semaphore_mem>>) src(%dma_wait3A_848 : memref<64x128xf32, #tpu.memory_space<hbm>>) dst(%dma_wait3A_845 : memref<64x128xf32, #tpu.memory_space<vmem>>)
      %add3A_849 = arith.constant 0 : i32
      %add3A_850 = arith.addi %add3A_849, %add3A_828 : i32
      %get3A_851 = arith.index_cast %add3A_850 : i32 to index
      %get3A_852 = tpu.vector_load %arg6[%get3A_851] {strides = array<i32>} : memref<1072xi32, #tpu.memory_space<vmem>>, vector<16xi32>,
      %slice3A_853 = vector.extract_strided_slice %get3A_852 {offsets = [0], sizes = [1], strides = [1]} : vector<16xi32> to vector<1xi32>
      %squeeze3A_854 = vector.extract %slice3A_853[0] : i32 from vector<1xi32>
      %and3A_855 = arith.constant 127 : i32
      %and3A_856 = arith.andi %squeeze3A_854, %and3A_855 : i32
      %broadcast_in_dim3A_857 = vector.broadcast %and3A_856 : i32 to vector<16xi32>
      %and3A_858 = arith.constant 255 : i32
      %and3A_859 = arith.andi %add3A_828, %and3A_858 : i32
      %broadcast_in_dim3A_860 = vector.broadcast %and3A_859 : i32 to vector<16xi32>
      %broadcast_in_dim3A_861 = arith.constant 0 : i32
      %broadcast_in_dim3A_862 = vector.broadcast %broadcast_in_dim3A_861 : i32 to vector<16xi32>
      %iota3A_863 = tpu.iota {dimensions = array<i32: 0>} : vector<16xi32>
      %add3A_864 = arith.constant 0 : i32
      %add3A_865 = vector.broadcast %add3A_864 : i32 to vector<16xi32>
      %add3A_866 = arith.addi %iota3A_863, %add3A_865 : vector<16xi32>
      %gather3A_867 = arith.constant 0 : i32
      %gather3A_868 = arith.constant 2 : i32
      %gather3A_869 = arith.constant 0 : i32
      %gather3A_870 = arith.constant 0 : i32
      %gather3A_871 = tpu.memref_slice %arg7[%gather3A_867, %gather3A_868, %gather3A_869, %gather3A_870] : memref<2x4x64x128xf32, #tpu.memory_space<vmem>> -> memref<1x1x64x128xf32, #tpu.memory_space<vmem>>
      %gather3A_872 = tpu.memref_squeeze %gather3A_871 : memref<1x1x64x128xf32, #tpu.memory_space<vmem>> -> memref<64x128xf32, #tpu.memory_space<vmem>>
      %gather3A_873 = tpu.vector_load_idx %gather3A_872[%add3A_866, %broadcast_in_dim3A_857] : memref<64x128xf32, #tpu.memory_space<vmem>>[vector<16xi32>, vector<16xi32>], vector<16xf32>,
      tpu.vector_store_idx %arg8[%broadcast_in_dim3A_862, %add3A_866, %broadcast_in_dim3A_860], %gather3A_873 : memref<2x64x256xf32, #tpu.memory_space<vmem>>[vector<16xi32>, vector<16xi32>, vector<16xi32>], vector<16xf32>,
      %iota3A_874 = tpu.iota {dimensions = array<i32: 0>} : vector<16xi32>
      %add3A_875 = arith.constant 16 : i32
      %add3A_876 = vector.broadcast %add3A_875 : i32 to vector<16xi32>
      %add3A_877 = arith.addi %iota3A_874, %add3A_876 : vector<16xi32>
      %gather3A_878 = arith.constant 0 : i32
      %gather3A_879 = arith.constant 2 : i32
      %gather3A_880 = arith.constant 0 : i32
      %gather3A_881 = arith.constant 0 : i32
      %gather3A_882 = tpu.memref_slice %arg7[%gather3A_878, %gather3A_879, %gather3A_880, %gather3A_881] : memref<2x4x64x128xf32, #tpu.memory_space<vmem>> -> memref<1x1x64x128xf32, #tpu.memory_space<vmem>>
      %gather3A_883 = tpu.memref_squeeze %gather3A_882 : memref<1x1x64x128xf32, #tpu.memory_space<vmem>> -> memref<64x128xf32, #tpu.memory_space<vmem>>
      %gather3A_884 = tpu.vector_load_idx %gather3A_883[%add3A_877, %broadcast_in_dim3A_857] : memref<64x128xf32, #tpu.memory_space<vmem>>[vector<16xi32>, vector<16xi32>], vector<16xf32>,
      tpu.vector_store_idx %arg8[%broadcast_in_dim3A_862, %add3A_877, %broadcast_in_dim3A_860], %gather3A_884 : memref<2x64x256xf32, #tpu.memory_space<vmem>>[vector<16xi32>, vector<16xi32>, vector<16xi32>], vector<16xf32>,
      %iota3A_885 = tpu.iota {dimensions = array<i32: 0>} : vector<16xi32>
      %add3A_886 = arith.constant 32 : i32
      %add3A_887 = vector.broadcast %add3A_886 : i32 to vector<16xi32>
      %add3A_888 = arith.addi %iota3A_885, %add3A_887 : vector<16xi32>
      %gather3A_889 = arith.constant 0 : i32
      %gather3A_890 = arith.constant 2 : i32
      %gather3A_891 = arith.constant 0 : i32
      %gather3A_892 = arith.constant 0 : i32
      %gather3A_893 = tpu.memref_slice %arg7[%gather3A_889, %gather3A_890, %gather3A_891, %gather3A_892] : memref<2x4x64x128xf32, #tpu.memory_space<vmem>> -> memref<1x1x64x128xf32, #tpu.memory_space<vmem>>
      %gather3A_894 = tpu.memref_squeeze %gather3A_893 : memref<1x1x64x128xf32, #tpu.memory_space<vmem>> -> memref<64x128xf32, #tpu.memory_space<vmem>>
      %gather3A_895 = tpu.vector_load_idx %gather3A_894[%add3A_888, %broadcast_in_dim3A_857] : memref<64x128xf32, #tpu.memory_space<vmem>>[vector<16xi32>, vector<16xi32>], vector<16xf32>,
      tpu.vector_store_idx %arg8[%broadcast_in_dim3A_862, %add3A_888, %broadcast_in_dim3A_860], %gather3A_895 : memref<2x64x256xf32, #tpu.memory_space<vmem>>[vector<16xi32>, vector<16xi32>, vector<16xi32>], vector<16xf32>,
      %iota3A_896 = tpu.iota {dimensions = array<i32: 0>} : vector<16xi32>
      %add3A_897 = arith.constant 48 : i32
      %add3A_898 = vector.broadcast %add3A_897 : i32 to vector<16xi32>
      %add3A_899 = arith.addi %iota3A_896, %add3A_898 : vector<16xi32>
      %gather3A_900 = arith.constant 0 : i32
      %gather3A_901 = arith.constant 2 : i32
      %gather3A_902 = arith.constant 0 : i32
      %gather3A_903 = arith.constant 0 : i32
      %gather3A_904 = tpu.memref_slice %arg7[%gather3A_900, %gather3A_901, %gather3A_902, %gather3A_903] : memref<2x4x64x128xf32, #tpu.memory_space<vmem>> -> memref<1x1x64x128xf32, #tpu.memory_space<vmem>>
      %gather3A_905 = tpu.memref_squeeze %gather3A_904 : memref<1x1x64x128xf32, #tpu.memory_space<vmem>> -> memref<64x128xf32, #tpu.memory_space<vmem>>
      %gather3A_906 = tpu.vector_load_idx %gather3A_905[%add3A_899, %broadcast_in_dim3A_857] : memref<64x128xf32, #tpu.memory_space<vmem>>[vector<16xi32>, vector<16xi32>], vector<16xf32>,
      tpu.vector_store_idx %arg8[%broadcast_in_dim3A_862, %add3A_899, %broadcast_in_dim3A_860], %gather3A_906 : memref<2x64x256xf32, #tpu.memory_space<vmem>>[vector<16xi32>, vector<16xi32>, vector<16xi32>], vector<16xf32>,
      %add3A_907 = arith.constant 4 : i32
      %add3A_908 = arith.addi %add3A_828, %add3A_907 : i32
      %add3A_909 = arith.constant 0 : i32
      %add3A_910 = arith.addi %add3A_909, %add3A_908 : i32
      %get3A_911 = arith.index_cast %add3A_910 : i32 to index
      %get3A_912 = tpu.vector_load %arg6[%get3A_911] {strides = array<i32>} : memref<1072xi32, #tpu.memory_space<vmem>>, vector<16xi32>,
      %slice3A_913 = vector.extract_strided_slice %get3A_912 {offsets = [0], sizes = [1], strides = [1]} : vector<16xi32> to vector<1xi32>
      %squeeze3A_914 = vector.extract %slice3A_913[0] : i32 from vector<1xi32>
      %shift_right_arithmetic3A_915 = arith.constant 7 : i32
      %shift_right_arithmetic3A_916 = arith.shrsi %squeeze3A_914, %shift_right_arithmetic3A_915 : i32
      %shift_left3A_917 = arith.constant 7 : i32
      %shift_left3A_918 = arith.shli %shift_right_arithmetic3A_916, %shift_left3A_917 : i32
      %multiple_of3A_919 = tpu.assume_multiple %shift_left3A_918, 128 : i32
      %dma_start3A_920 = arith.constant 0 : i32
      %dma_start3A_921 = arith.constant 2 : i32
      %dma_start3A_922 = arith.constant 0 : i32
      %dma_start3A_923 = arith.constant 2 : i32
      %dma_start3A_924 = arith.constant 0 : i32
      %dma_start3A_925 = arith.constant 0 : i32
      %dma_start3A_926 = tpu.memref_slice %arg7[%dma_start3A_920, %dma_start3A_921, %dma_start3A_924, %dma_start3A_925] : memref<2x4x64x128xf32, #tpu.memory_space<vmem>> -> memref<1x1x64x128xf32, #tpu.memory_space<vmem>>
      %dma_start3A_927 = tpu.memref_squeeze %dma_start3A_926 : memref<1x1x64x128xf32, #tpu.memory_space<vmem>> -> memref<64x128xf32, #tpu.memory_space<vmem>>
      %dma_start3A_928 = arith.constant 0 : i32
      %dma_start3A_929 = tpu.memref_slice %arg3[%dma_start3A_928, %multiple_of3A_919] : memref<64x1000000xf32, #tpu.memory_space<hbm>> -> memref<64x128xf32, #tpu.memory_space<hbm>>
      %dma_start3A_930 = tpu.memref_slice %arg9[%dma_start3A_922, %dma_start3A_923] : memref<2x4x!tpu.dma_semaphore, #tpu.memory_space<semaphore_mem>> -> memref<1x1x!tpu.dma_semaphore, #tpu.memory_space<semaphore_mem>>
      %dma_start3A_931 = tpu.memref_squeeze %dma_start3A_930 : memref<1x1x!tpu.dma_semaphore, #tpu.memory_space<semaphore_mem>> -> memref<!tpu.dma_semaphore, #tpu.memory_space<semaphore_mem>>
      %dma_start3A_932 = arith.constant 0 : i32
      %dma_start3A_933 = arith.constant 0 : i32
      %dma_start3A_934 = tpu.memref_slice %arg7[%dma_start3A_920, %dma_start3A_921, %dma_start3A_932, %dma_start3A_933] : memref<2x4x64x128xf32, #tpu.memory_space<vmem>> -> memref<1x1x64x128xf32, #tpu.memory_space<vmem>>
      %dma_start3A_935 = tpu.memref_squeeze %dma_start3A_934 : memref<1x1x64x128xf32, #tpu.memory_space<vmem>> -> memref<64x128xf32, #tpu.memory_space<vmem>>
      %dma_start3A_936 = arith.constant 0 : i32
      %dma_start3A_937 = tpu.memref_slice %arg3[%dma_start3A_936, %multiple_of3A_919] : memref<64x1000000xf32, #tpu.memory_space<hbm>> -> memref<64x128xf32, #tpu.memory_space<hbm>>
      tpu.enqueue_dma source(%dma_start3A_937 : memref<64x128xf32, #tpu.memory_space<hbm>>) target(%dma_start3A_935 : memref<64x128xf32, #tpu.memory_space<vmem>>) target_semaphore(%dma_start3A_931 : memref<!tpu.dma_semaphore, #tpu.memory_space<semaphore_mem>>)
      %dma_wait3A_938 = arith.constant 1 : i32
      %dma_wait3A_939 = arith.constant 2 : i32
      %dma_wait3A_940 = arith.constant 1 : i32
      %dma_wait3A_941 = arith.constant 2 : i32
      %dma_wait3A_942 = arith.constant 0 : i32
      %dma_wait3A_943 = arith.constant 0 : i32
      %dma_wait3A_944 = tpu.memref_slice %arg7[%dma_wait3A_938, %dma_wait3A_939, %dma_wait3A_942, %dma_wait3A_943] : memref<2x4x64x128xf32, #tpu.memory_space<vmem>> -> memref<1x1x64x128xf32, #tpu.memory_space<vmem>>
      %dma_wait3A_945 = tpu.memref_squeeze %dma_wait3A_944 : memref<1x1x64x128xf32, #tpu.memory_space<vmem>> -> memref<64x128xf32, #tpu.memory_space<vmem>>
      %dma_wait3A_946 = arith.constant 0 : i32
      %dma_wait3A_947 = arith.constant 0 : i32
      %dma_wait3A_948 = tpu.memref_slice %arg4[%dma_wait3A_946, %dma_wait3A_947] : memref<64x1000001xf32, #tpu.memory_space<hbm>> -> memref<64x128xf32, #tpu.memory_space<hbm>>
      %dma_wait3A_949 = tpu.memref_slice %arg9[%dma_wait3A_940, %dma_wait3A_941] : memref<2x4x!tpu.dma_semaphore, #tpu.memory_space<semaphore_mem>> -> memref<1x1x!tpu.dma_semaphore, #tpu.memory_space<semaphore_mem>>
      %dma_wait3A_950 = tpu.memref_squeeze %dma_wait3A_949 : memref<1x1x!tpu.dma_semaphore, #tpu.memory_space<semaphore_mem>> -> memref<!tpu.dma_semaphore, #tpu.memory_space<semaphore_mem>>
      %dma_wait3A_951 = arith.constant 0 : i32
      %dma_wait3A_952 = arith.constant 0 : i32
      %dma_wait3A_953 = tpu.memref_slice %arg7[%dma_wait3A_938, %dma_wait3A_939, %dma_wait3A_951, %dma_wait3A_952] : memref<2x4x64x128xf32, #tpu.memory_space<vmem>> -> memref<1x1x64x128xf32, #tpu.memory_space<vmem>>
      %dma_wait3A_954 = tpu.memref_squeeze %dma_wait3A_953 : memref<1x1x64x128xf32, #tpu.memory_space<vmem>> -> memref<64x128xf32, #tpu.memory_space<vmem>>
      %dma_wait3A_955 = arith.constant 0 : i32
      %dma_wait3A_956 = arith.constant 0 : i32
      %dma_wait3A_957 = tpu.memref_slice %arg4[%dma_wait3A_955, %dma_wait3A_956] : memref<64x1000001xf32, #tpu.memory_space<hbm>> -> memref<64x128xf32, #tpu.memory_space<hbm>>
      tpu.wait_dma2 semaphore(%dma_wait3A_950 : memref<!tpu.dma_semaphore, #tpu.memory_space<semaphore_mem>>) src(%dma_wait3A_957 : memref<64x128xf32, #tpu.memory_space<hbm>>) dst(%dma_wait3A_954 : memref<64x128xf32, #tpu.memory_space<vmem>>)
      %add3A_958 = arith.constant 512 : i32
      %add3A_959 = arith.addi %add3A_958, %add3A_828 : i32
      %get3A_960 = arith.index_cast %add3A_959 : i32 to index
      %get3A_961 = tpu.vector_load %arg6[%get3A_960] {strides = array<i32>} : memref<1072xi32, #tpu.memory_space<vmem>>, vector<16xi32>,
      %slice3A_962 = vector.extract_strided_slice %get3A_961 {offsets = [0], sizes = [1], strides = [1]} : vector<16xi32> to vector<1xi32>
      %squeeze3A_963 = vector.extract %slice3A_962[0] : i32 from vector<1xi32>
      %and3A_964 = arith.constant 127 : i32
      %and3A_965 = arith.andi %squeeze3A_963, %and3A_964 : i32
      %broadcast_in_dim3A_966 = vector.broadcast %and3A_965 : i32 to vector<16xi32>
      %and3A_967 = arith.constant 255 : i32
      %and3A_968 = arith.andi %add3A_828, %and3A_967 : i32
      %broadcast_in_dim3A_969 = vector.broadcast %and3A_968 : i32 to vector<16xi32>
      %broadcast_in_dim3A_970 = arith.constant 1 : i32
      %broadcast_in_dim3A_971 = vector.broadcast %broadcast_in_dim3A_970 : i32 to vector<16xi32>
      %iota3A_972 = tpu.iota {dimensions = array<i32: 0>} : vector<16xi32>
      %add3A_973 = arith.constant 0 : i32
      %add3A_974 = vector.broadcast %add3A_973 : i32 to vector<16xi32>
      %add3A_975 = arith.addi %iota3A_972, %add3A_974 : vector<16xi32>
      %gather3A_976 = arith.constant 1 : i32
      %gather3A_977 = arith.constant 2 : i32
      %gather3A_978 = arith.constant 0 : i32
      %gather3A_979 = arith.constant 0 : i32
      %gather3A_980 = tpu.memref_slice %arg7[%gather3A_976, %gather3A_977, %gather3A_978, %gather3A_979] : memref<2x4x64x128xf32, #tpu.memory_space<vmem>> -> memref<1x1x64x128xf32, #tpu.memory_space<vmem>>
      %gather3A_981 = tpu.memref_squeeze %gather3A_980 : memref<1x1x64x128xf32, #tpu.memory_space<vmem>> -> memref<64x128xf32, #tpu.memory_space<vmem>>
      %gather3A_982 = tpu.vector_load_idx %gather3A_981[%add3A_975, %broadcast_in_dim3A_966] : memref<64x128xf32, #tpu.memory_space<vmem>>[vector<16xi32>, vector<16xi32>], vector<16xf32>,
      tpu.vector_store_idx %arg8[%broadcast_in_dim3A_971, %add3A_975, %broadcast_in_dim3A_969], %gather3A_982 : memref<2x64x256xf32, #tpu.memory_space<vmem>>[vector<16xi32>, vector<16xi32>, vector<16xi32>], vector<16xf32>,
      %iota3A_983 = tpu.iota {dimensions = array<i32: 0>} : vector<16xi32>
      %add3A_984 = arith.constant 16 : i32
      %add3A_985 = vector.broadcast %add3A_984 : i32 to vector<16xi32>
      %add3A_986 = arith.addi %iota3A_983, %add3A_985 : vector<16xi32>
      %gather3A_987 = arith.constant 1 : i32
      %gather3A_988 = arith.constant 2 : i32
      %gather3A_989 = arith.constant 0 : i32
      %gather3A_990 = arith.constant 0 : i32
      %gather3A_991 = tpu.memref_slice %arg7[%gather3A_987, %gather3A_988, %gather3A_989, %gather3A_990] : memref<2x4x64x128xf32, #tpu.memory_space<vmem>> -> memref<1x1x64x128xf32, #tpu.memory_space<vmem>>
      %gather3A_992 = tpu.memref_squeeze %gather3A_991 : memref<1x1x64x128xf32, #tpu.memory_space<vmem>> -> memref<64x128xf32, #tpu.memory_space<vmem>>
      %gather3A_993 = tpu.vector_load_idx %gather3A_992[%add3A_986, %broadcast_in_dim3A_966] : memref<64x128xf32, #tpu.memory_space<vmem>>[vector<16xi32>, vector<16xi32>], vector<16xf32>,
      tpu.vector_store_idx %arg8[%broadcast_in_dim3A_971, %add3A_986, %broadcast_in_dim3A_969], %gather3A_993 : memref<2x64x256xf32, #tpu.memory_space<vmem>>[vector<16xi32>, vector<16xi32>, vector<16xi32>], vector<16xf32>,
      %iota3A_994 = tpu.iota {dimensions = array<i32: 0>} : vector<16xi32>
      %add3A_995 = arith.constant 32 : i32
      %add3A_996 = vector.broadcast %add3A_995 : i32 to vector<16xi32>
      %add3A_997 = arith.addi %iota3A_994, %add3A_996 : vector<16xi32>
      %gather3A_998 = arith.constant 1 : i32
      %gather3A_999 = arith.constant 2 : i32
      %gather3A_1000 = arith.constant 0 : i32
      %gather3A_1001 = arith.constant 0 : i32
      %gather3A_1002 = tpu.memref_slice %arg7[%gather3A_998, %gather3A_999, %gather3A_1000, %gather3A_1001] : memref<2x4x64x128xf32, #tpu.memory_space<vmem>> -> memref<1x1x64x128xf32, #tpu.memory_space<vmem>>
      %gather3A_1003 = tpu.memref_squeeze %gather3A_1002 : memref<1x1x64x128xf32, #tpu.memory_space<vmem>> -> memref<64x128xf32, #tpu.memory_space<vmem>>
      %gather3A_1004 = tpu.vector_load_idx %gather3A_1003[%add3A_997, %broadcast_in_dim3A_966] : memref<64x128xf32, #tpu.memory_space<vmem>>[vector<16xi32>, vector<16xi32>], vector<16xf32>,
      tpu.vector_store_idx %arg8[%broadcast_in_dim3A_971, %add3A_997, %broadcast_in_dim3A_969], %gather3A_1004 : memref<2x64x256xf32, #tpu.memory_space<vmem>>[vector<16xi32>, vector<16xi32>, vector<16xi32>], vector<16xf32>,
      %iota3A_1005 = tpu.iota {dimensions = array<i32: 0>} : vector<16xi32>
      %add3A_1006 = arith.constant 48 : i32
      %add3A_1007 = vector.broadcast %add3A_1006 : i32 to vector<16xi32>
      %add3A_1008 = arith.addi %iota3A_1005, %add3A_1007 : vector<16xi32>
      %gather3A_1009 = arith.constant 1 : i32
      %gather3A_1010 = arith.constant 2 : i32
      %gather3A_1011 = arith.constant 0 : i32
      %gather3A_1012 = arith.constant 0 : i32
      %gather3A_1013 = tpu.memref_slice %arg7[%gather3A_1009, %gather3A_1010, %gather3A_1011, %gather3A_1012] : memref<2x4x64x128xf32, #tpu.memory_space<vmem>> -> memref<1x1x64x128xf32, #tpu.memory_space<vmem>>
      %gather3A_1014 = tpu.memref_squeeze %gather3A_1013 : memref<1x1x64x128xf32, #tpu.memory_space<vmem>> -> memref<64x128xf32, #tpu.memory_space<vmem>>
      %gather3A_1015 = tpu.vector_load_idx %gather3A_1014[%add3A_1008, %broadcast_in_dim3A_966] : memref<64x128xf32, #tpu.memory_space<vmem>>[vector<16xi32>, vector<16xi32>], vector<16xf32>,
      tpu.vector_store_idx %arg8[%broadcast_in_dim3A_971, %add3A_1008, %broadcast_in_dim3A_969], %gather3A_1015 : memref<2x64x256xf32, #tpu.memory_space<vmem>>[vector<16xi32>, vector<16xi32>, vector<16xi32>], vector<16xf32>,
      %add3A_1016 = arith.constant 4 : i32
      %add3A_1017 = arith.addi %add3A_828, %add3A_1016 : i32
      %add3A_1018 = arith.constant 512 : i32
      %add3A_1019 = arith.addi %add3A_1018, %add3A_1017 : i32
      %get3A_1020 = arith.index_cast %add3A_1019 : i32 to index
      %get3A_1021 = tpu.vector_load %arg6[%get3A_1020] {strides = array<i32>} : memref<1072xi32, #tpu.memory_space<vmem>>, vector<16xi32>,
      %slice3A_1022 = vector.extract_strided_slice %get3A_1021 {offsets = [0], sizes = [1], strides = [1]} : vector<16xi32> to vector<1xi32>
      %squeeze3A_1023 = vector.extract %slice3A_1022[0] : i32 from vector<1xi32>
      %shift_right_arithmetic3A_1024 = arith.constant 7 : i32
      %shift_right_arithmetic3A_1025 = arith.shrsi %squeeze3A_1023, %shift_right_arithmetic3A_1024 : i32
      %shift_left3A_1026 = arith.constant 7 : i32
      %shift_left3A_1027 = arith.shli %shift_right_arithmetic3A_1025, %shift_left3A_1026 : i32
      %multiple_of3A_1028 = tpu.assume_multiple %shift_left3A_1027, 128 : i32
      %dma_start3A_1029 = arith.constant 1 : i32
      %dma_start3A_1030 = arith.constant 2 : i32
      %dma_start3A_1031 = arith.constant 1 : i32
      %dma_start3A_1032 = arith.constant 2 : i32
      %dma_start3A_1033 = arith.constant 0 : i32
      %dma_start3A_1034 = arith.constant 0 : i32
      %dma_start3A_1035 = tpu.memref_slice %arg7[%dma_start3A_1029, %dma_start3A_1030, %dma_start3A_1033, %dma_start3A_1034] : memref<2x4x64x128xf32, #tpu.memory_space<vmem>> -> memref<1x1x64x128xf32, #tpu.memory_space<vmem>>
      %dma_start3A_1036 = tpu.memref_squeeze %dma_start3A_1035 : memref<1x1x64x128xf32, #tpu.memory_space<vmem>> -> memref<64x128xf32, #tpu.memory_space<vmem>>
      %dma_start3A_1037 = arith.constant 0 : i32
      %dma_start3A_1038 = tpu.memref_slice %arg4[%dma_start3A_1037, %multiple_of3A_1028] : memref<64x1000001xf32, #tpu.memory_space<hbm>> -> memref<64x128xf32, #tpu.memory_space<hbm>>
      %dma_start3A_1039 = tpu.memref_slice %arg9[%dma_start3A_1031, %dma_start3A_1032] : memref<2x4x!tpu.dma_semaphore, #tpu.memory_space<semaphore_mem>> -> memref<1x1x!tpu.dma_semaphore, #tpu.memory_space<semaphore_mem>>
      %dma_start3A_1040 = tpu.memref_squeeze %dma_start3A_1039 : memref<1x1x!tpu.dma_semaphore, #tpu.memory_space<semaphore_mem>> -> memref<!tpu.dma_semaphore, #tpu.memory_space<semaphore_mem>>
      %dma_start3A_1041 = arith.constant 0 : i32
      %dma_start3A_1042 = arith.constant 0 : i32
      %dma_start3A_1043 = tpu.memref_slice %arg7[%dma_start3A_1029, %dma_start3A_1030, %dma_start3A_1041, %dma_start3A_1042] : memref<2x4x64x128xf32, #tpu.memory_space<vmem>> -> memref<1x1x64x128xf32, #tpu.memory_space<vmem>>
      %dma_start3A_1044 = tpu.memref_squeeze %dma_start3A_1043 : memref<1x1x64x128xf32, #tpu.memory_space<vmem>> -> memref<64x128xf32, #tpu.memory_space<vmem>>
      %dma_start3A_1045 = arith.constant 0 : i32
      %dma_start3A_1046 = tpu.memref_slice %arg4[%dma_start3A_1045, %multiple_of3A_1028] : memref<64x1000001xf32, #tpu.memory_space<hbm>> -> memref<64x128xf32, #tpu.memory_space<hbm>>
      tpu.enqueue_dma source(%dma_start3A_1046 : memref<64x128xf32, #tpu.memory_space<hbm>>) target(%dma_start3A_1044 : memref<64x128xf32, #tpu.memory_space<vmem>>) target_semaphore(%dma_start3A_1040 : memref<!tpu.dma_semaphore, #tpu.memory_space<semaphore_mem>>)
      %mul3A_1047 = arith.constant 4 : i32
      %mul3A_1048 = arith.muli %scan3A_384, %mul3A_1047 : i32
      %add3A_1049 = arith.constant 3 : i32
      %add3A_1050 = arith.addi %mul3A_1048, %add3A_1049 : i32
      %dma_wait3A_1051 = arith.constant 0 : i32
      %dma_wait3A_1052 = arith.constant 3 : i32
      %dma_wait3A_1053 = arith.constant 0 : i32
      %dma_wait3A_1054 = arith.constant 3 : i32
      %dma_wait3A_1055 = arith.constant 0 : i32
      %dma_wait3A_1056 = arith.constant 0 : i32
      %dma_wait3A_1057 = tpu.memref_slice %arg7[%dma_wait3A_1051, %dma_wait3A_1052, %dma_wait3A_1055, %dma_wait3A_1056] : memref<2x4x64x128xf32, #tpu.memory_space<vmem>> -> memref<1x1x64x128xf32, #tpu.memory_space<vmem>>
      %dma_wait3A_1058 = tpu.memref_squeeze %dma_wait3A_1057 : memref<1x1x64x128xf32, #tpu.memory_space<vmem>> -> memref<64x128xf32, #tpu.memory_space<vmem>>
      %dma_wait3A_1059 = arith.constant 0 : i32
      %dma_wait3A_1060 = arith.constant 0 : i32
      %dma_wait3A_1061 = tpu.memref_slice %arg3[%dma_wait3A_1059, %dma_wait3A_1060] : memref<64x1000000xf32, #tpu.memory_space<hbm>> -> memref<64x128xf32, #tpu.memory_space<hbm>>
      %dma_wait3A_1062 = tpu.memref_slice %arg9[%dma_wait3A_1053, %dma_wait3A_1054] : memref<2x4x!tpu.dma_semaphore, #tpu.memory_space<semaphore_mem>> -> memref<1x1x!tpu.dma_semaphore, #tpu.memory_space<semaphore_mem>>
      %dma_wait3A_1063 = tpu.memref_squeeze %dma_wait3A_1062 : memref<1x1x!tpu.dma_semaphore, #tpu.memory_space<semaphore_mem>> -> memref<!tpu.dma_semaphore, #tpu.memory_space<semaphore_mem>>
      %dma_wait3A_1064 = arith.constant 0 : i32
      %dma_wait3A_1065 = arith.constant 0 : i32
      %dma_wait3A_1066 = tpu.memref_slice %arg7[%dma_wait3A_1051, %dma_wait3A_1052, %dma_wait3A_1064, %dma_wait3A_1065] : memref<2x4x64x128xf32, #tpu.memory_space<vmem>> -> memref<1x1x64x128xf32, #tpu.memory_space<vmem>>
      %dma_wait3A_1067 = tpu.memref_squeeze %dma_wait3A_1066 : memref<1x1x64x128xf32, #tpu.memory_space<vmem>> -> memref<64x128xf32, #tpu.memory_space<vmem>>
      %dma_wait3A_1068 = arith.constant 0 : i32
      %dma_wait3A_1069 = arith.constant 0 : i32
      %dma_wait3A_1070 = tpu.memref_slice %arg3[%dma_wait3A_1068, %dma_wait3A_1069] : memref<64x1000000xf32, #tpu.memory_space<hbm>> -> memref<64x128xf32, #tpu.memory_space<hbm>>
      tpu.wait_dma2 semaphore(%dma_wait3A_1063 : memref<!tpu.dma_semaphore, #tpu.memory_space<semaphore_mem>>) src(%dma_wait3A_1070 : memref<64x128xf32, #tpu.memory_space<hbm>>) dst(%dma_wait3A_1067 : memref<64x128xf32, #tpu.memory_space<vmem>>)
      %add3A_1071 = arith.constant 0 : i32
      %add3A_1072 = arith.addi %add3A_1071, %add3A_1050 : i32
      %get3A_1073 = arith.index_cast %add3A_1072 : i32 to index
      %get3A_1074 = tpu.vector_load %arg6[%get3A_1073] {strides = array<i32>} : memref<1072xi32, #tpu.memory_space<vmem>>, vector<16xi32>,
      %slice3A_1075 = vector.extract_strided_slice %get3A_1074 {offsets = [0], sizes = [1], strides = [1]} : vector<16xi32> to vector<1xi32>
      %squeeze3A_1076 = vector.extract %slice3A_1075[0] : i32 from vector<1xi32>
      %and3A_1077 = arith.constant 127 : i32
      %and3A_1078 = arith.andi %squeeze3A_1076, %and3A_1077 : i32
      %broadcast_in_dim3A_1079 = vector.broadcast %and3A_1078 : i32 to vector<16xi32>
      %and3A_1080 = arith.constant 255 : i32
      %and3A_1081 = arith.andi %add3A_1050, %and3A_1080 : i32
      %broadcast_in_dim3A_1082 = vector.broadcast %and3A_1081 : i32 to vector<16xi32>
      %broadcast_in_dim3A_1083 = arith.constant 0 : i32
      %broadcast_in_dim3A_1084 = vector.broadcast %broadcast_in_dim3A_1083 : i32 to vector<16xi32>
      %iota3A_1085 = tpu.iota {dimensions = array<i32: 0>} : vector<16xi32>
      %add3A_1086 = arith.constant 0 : i32
      %add3A_1087 = vector.broadcast %add3A_1086 : i32 to vector<16xi32>
      %add3A_1088 = arith.addi %iota3A_1085, %add3A_1087 : vector<16xi32>
      %gather3A_1089 = arith.constant 0 : i32
      %gather3A_1090 = arith.constant 3 : i32
      %gather3A_1091 = arith.constant 0 : i32
      %gather3A_1092 = arith.constant 0 : i32
      %gather3A_1093 = tpu.memref_slice %arg7[%gather3A_1089, %gather3A_1090, %gather3A_1091, %gather3A_1092] : memref<2x4x64x128xf32, #tpu.memory_space<vmem>> -> memref<1x1x64x128xf32, #tpu.memory_space<vmem>>
      %gather3A_1094 = tpu.memref_squeeze %gather3A_1093 : memref<1x1x64x128xf32, #tpu.memory_space<vmem>> -> memref<64x128xf32, #tpu.memory_space<vmem>>
      %gather3A_1095 = tpu.vector_load_idx %gather3A_1094[%add3A_1088, %broadcast_in_dim3A_1079] : memref<64x128xf32, #tpu.memory_space<vmem>>[vector<16xi32>, vector<16xi32>], vector<16xf32>,
      tpu.vector_store_idx %arg8[%broadcast_in_dim3A_1084, %add3A_1088, %broadcast_in_dim3A_1082], %gather3A_1095 : memref<2x64x256xf32, #tpu.memory_space<vmem>>[vector<16xi32>, vector<16xi32>, vector<16xi32>], vector<16xf32>,
      %iota3A_1096 = tpu.iota {dimensions = array<i32: 0>} : vector<16xi32>
      %add3A_1097 = arith.constant 16 : i32
      %add3A_1098 = vector.broadcast %add3A_1097 : i32 to vector<16xi32>
      %add3A_1099 = arith.addi %iota3A_1096, %add3A_1098 : vector<16xi32>
      %gather3A_1100 = arith.constant 0 : i32
      %gather3A_1101 = arith.constant 3 : i32
      %gather3A_1102 = arith.constant 0 : i32
      %gather3A_1103 = arith.constant 0 : i32
      %gather3A_1104 = tpu.memref_slice %arg7[%gather3A_1100, %gather3A_1101, %gather3A_1102, %gather3A_1103] : memref<2x4x64x128xf32, #tpu.memory_space<vmem>> -> memref<1x1x64x128xf32, #tpu.memory_space<vmem>>
      %gather3A_1105 = tpu.memref_squeeze %gather3A_1104 : memref<1x1x64x128xf32, #tpu.memory_space<vmem>> -> memref<64x128xf32, #tpu.memory_space<vmem>>
      %gather3A_1106 = tpu.vector_load_idx %gather3A_1105[%add3A_1099, %broadcast_in_dim3A_1079] : memref<64x128xf32, #tpu.memory_space<vmem>>[vector<16xi32>, vector<16xi32>], vector<16xf32>,
      tpu.vector_store_idx %arg8[%broadcast_in_dim3A_1084, %add3A_1099, %broadcast_in_dim3A_1082], %gather3A_1106 : memref<2x64x256xf32, #tpu.memory_space<vmem>>[vector<16xi32>, vector<16xi32>, vector<16xi32>], vector<16xf32>,
      %iota3A_1107 = tpu.iota {dimensions = array<i32: 0>} : vector<16xi32>
      %add3A_1108 = arith.constant 32 : i32
      %add3A_1109 = vector.broadcast %add3A_1108 : i32 to vector<16xi32>
      %add3A_1110 = arith.addi %iota3A_1107, %add3A_1109 : vector<16xi32>
      %gather3A_1111 = arith.constant 0 : i32
      %gather3A_1112 = arith.constant 3 : i32
      %gather3A_1113 = arith.constant 0 : i32
      %gather3A_1114 = arith.constant 0 : i32
      %gather3A_1115 = tpu.memref_slice %arg7[%gather3A_1111, %gather3A_1112, %gather3A_1113, %gather3A_1114] : memref<2x4x64x128xf32, #tpu.memory_space<vmem>> -> memref<1x1x64x128xf32, #tpu.memory_space<vmem>>
      %gather3A_1116 = tpu.memref_squeeze %gather3A_1115 : memref<1x1x64x128xf32, #tpu.memory_space<vmem>> -> memref<64x128xf32, #tpu.memory_space<vmem>>
      %gather3A_1117 = tpu.vector_load_idx %gather3A_1116[%add3A_1110, %broadcast_in_dim3A_1079] : memref<64x128xf32, #tpu.memory_space<vmem>>[vector<16xi32>, vector<16xi32>], vector<16xf32>,
      tpu.vector_store_idx %arg8[%broadcast_in_dim3A_1084, %add3A_1110, %broadcast_in_dim3A_1082], %gather3A_1117 : memref<2x64x256xf32, #tpu.memory_space<vmem>>[vector<16xi32>, vector<16xi32>, vector<16xi32>], vector<16xf32>,
      %iota3A_1118 = tpu.iota {dimensions = array<i32: 0>} : vector<16xi32>
      %add3A_1119 = arith.constant 48 : i32
      %add3A_1120 = vector.broadcast %add3A_1119 : i32 to vector<16xi32>
      %add3A_1121 = arith.addi %iota3A_1118, %add3A_1120 : vector<16xi32>
      %gather3A_1122 = arith.constant 0 : i32
      %gather3A_1123 = arith.constant 3 : i32
      %gather3A_1124 = arith.constant 0 : i32
      %gather3A_1125 = arith.constant 0 : i32
      %gather3A_1126 = tpu.memref_slice %arg7[%gather3A_1122, %gather3A_1123, %gather3A_1124, %gather3A_1125] : memref<2x4x64x128xf32, #tpu.memory_space<vmem>> -> memref<1x1x64x128xf32, #tpu.memory_space<vmem>>
      %gather3A_1127 = tpu.memref_squeeze %gather3A_1126 : memref<1x1x64x128xf32, #tpu.memory_space<vmem>> -> memref<64x128xf32, #tpu.memory_space<vmem>>
      %gather3A_1128 = tpu.vector_load_idx %gather3A_1127[%add3A_1121, %broadcast_in_dim3A_1079] : memref<64x128xf32, #tpu.memory_space<vmem>>[vector<16xi32>, vector<16xi32>], vector<16xf32>,
      tpu.vector_store_idx %arg8[%broadcast_in_dim3A_1084, %add3A_1121, %broadcast_in_dim3A_1082], %gather3A_1128 : memref<2x64x256xf32, #tpu.memory_space<vmem>>[vector<16xi32>, vector<16xi32>, vector<16xi32>], vector<16xf32>,
      %add3A_1129 = arith.constant 4 : i32
      %add3A_1130 = arith.addi %add3A_1050, %add3A_1129 : i32
      %add3A_1131 = arith.constant 0 : i32
      %add3A_1132 = arith.addi %add3A_1131, %add3A_1130 : i32
      %get3A_1133 = arith.index_cast %add3A_1132 : i32 to index
      %get3A_1134 = tpu.vector_load %arg6[%get3A_1133] {strides = array<i32>} : memref<1072xi32, #tpu.memory_space<vmem>>, vector<16xi32>,
      %slice3A_1135 = vector.extract_strided_slice %get3A_1134 {offsets = [0], sizes = [1], strides = [1]} : vector<16xi32> to vector<1xi32>
      %squeeze3A_1136 = vector.extract %slice3A_1135[0] : i32 from vector<1xi32>
      %shift_right_arithmetic3A_1137 = arith.constant 7 : i32
      %shift_right_arithmetic3A_1138 = arith.shrsi %squeeze3A_1136, %shift_right_arithmetic3A_1137 : i32
      %shift_left3A_1139 = arith.constant 7 : i32
      %shift_left3A_1140 = arith.shli %shift_right_arithmetic3A_1138, %shift_left3A_1139 : i32
      %multiple_of3A_1141 = tpu.assume_multiple %shift_left3A_1140, 128 : i32
      %dma_start3A_1142 = arith.constant 0 : i32
      %dma_start3A_1143 = arith.constant 3 : i32
      %dma_start3A_1144 = arith.constant 0 : i32
      %dma_start3A_1145 = arith.constant 3 : i32
      %dma_start3A_1146 = arith.constant 0 : i32
      %dma_start3A_1147 = arith.constant 0 : i32
      %dma_start3A_1148 = tpu.memref_slice %arg7[%dma_start3A_1142, %dma_start3A_1143, %dma_start3A_1146, %dma_start3A_1147] : memref<2x4x64x128xf32, #tpu.memory_space<vmem>> -> memref<1x1x64x128xf32, #tpu.memory_space<vmem>>
      %dma_start3A_1149 = tpu.memref_squeeze %dma_start3A_1148 : memref<1x1x64x128xf32, #tpu.memory_space<vmem>> -> memref<64x128xf32, #tpu.memory_space<vmem>>
      %dma_start3A_1150 = arith.constant 0 : i32
      %dma_start3A_1151 = tpu.memref_slice %arg3[%dma_start3A_1150, %multiple_of3A_1141] : memref<64x1000000xf32, #tpu.memory_space<hbm>> -> memref<64x128xf32, #tpu.memory_space<hbm>>
      %dma_start3A_1152 = tpu.memref_slice %arg9[%dma_start3A_1144, %dma_start3A_1145] : memref<2x4x!tpu.dma_semaphore, #tpu.memory_space<semaphore_mem>> -> memref<1x1x!tpu.dma_semaphore, #tpu.memory_space<semaphore_mem>>
      %dma_start3A_1153 = tpu.memref_squeeze %dma_start3A_1152 : memref<1x1x!tpu.dma_semaphore, #tpu.memory_space<semaphore_mem>> -> memref<!tpu.dma_semaphore, #tpu.memory_space<semaphore_mem>>
      %dma_start3A_1154 = arith.constant 0 : i32
      %dma_start3A_1155 = arith.constant 0 : i32
      %dma_start3A_1156 = tpu.memref_slice %arg7[%dma_start3A_1142, %dma_start3A_1143, %dma_start3A_1154, %dma_start3A_1155] : memref<2x4x64x128xf32, #tpu.memory_space<vmem>> -> memref<1x1x64x128xf32, #tpu.memory_space<vmem>>
      %dma_start3A_1157 = tpu.memref_squeeze %dma_start3A_1156 : memref<1x1x64x128xf32, #tpu.memory_space<vmem>> -> memref<64x128xf32, #tpu.memory_space<vmem>>
      %dma_start3A_1158 = arith.constant 0 : i32
      %dma_start3A_1159 = tpu.memref_slice %arg3[%dma_start3A_1158, %multiple_of3A_1141] : memref<64x1000000xf32, #tpu.memory_space<hbm>> -> memref<64x128xf32, #tpu.memory_space<hbm>>
      tpu.enqueue_dma source(%dma_start3A_1159 : memref<64x128xf32, #tpu.memory_space<hbm>>) target(%dma_start3A_1157 : memref<64x128xf32, #tpu.memory_space<vmem>>) target_semaphore(%dma_start3A_1153 : memref<!tpu.dma_semaphore, #tpu.memory_space<semaphore_mem>>)
      %dma_wait3A_1160 = arith.constant 1 : i32
      %dma_wait3A_1161 = arith.constant 3 : i32
      %dma_wait3A_1162 = arith.constant 1 : i32
      %dma_wait3A_1163 = arith.constant 3 : i32
      %dma_wait3A_1164 = arith.constant 0 : i32
      %dma_wait3A_1165 = arith.constant 0 : i32
      %dma_wait3A_1166 = tpu.memref_slice %arg7[%dma_wait3A_1160, %dma_wait3A_1161, %dma_wait3A_1164, %dma_wait3A_1165] : memref<2x4x64x128xf32, #tpu.memory_space<vmem>> -> memref<1x1x64x128xf32, #tpu.memory_space<vmem>>
      %dma_wait3A_1167 = tpu.memref_squeeze %dma_wait3A_1166 : memref<1x1x64x128xf32, #tpu.memory_space<vmem>> -> memref<64x128xf32, #tpu.memory_space<vmem>>
      %dma_wait3A_1168 = arith.constant 0 : i32
      %dma_wait3A_1169 = arith.constant 0 : i32
      %dma_wait3A_1170 = tpu.memref_slice %arg4[%dma_wait3A_1168, %dma_wait3A_1169] : memref<64x1000001xf32, #tpu.memory_space<hbm>> -> memref<64x128xf32, #tpu.memory_space<hbm>>
      %dma_wait3A_1171 = tpu.memref_slice %arg9[%dma_wait3A_1162, %dma_wait3A_1163] : memref<2x4x!tpu.dma_semaphore, #tpu.memory_space<semaphore_mem>> -> memref<1x1x!tpu.dma_semaphore, #tpu.memory_space<semaphore_mem>>
      %dma_wait3A_1172 = tpu.memref_squeeze %dma_wait3A_1171 : memref<1x1x!tpu.dma_semaphore, #tpu.memory_space<semaphore_mem>> -> memref<!tpu.dma_semaphore, #tpu.memory_space<semaphore_mem>>
      %dma_wait3A_1173 = arith.constant 0 : i32
      %dma_wait3A_1174 = arith.constant 0 : i32
      %dma_wait3A_1175 = tpu.memref_slice %arg7[%dma_wait3A_1160, %dma_wait3A_1161, %dma_wait3A_1173, %dma_wait3A_1174] : memref<2x4x64x128xf32, #tpu.memory_space<vmem>> -> memref<1x1x64x128xf32, #tpu.memory_space<vmem>>
      %dma_wait3A_1176 = tpu.memref_squeeze %dma_wait3A_1175 : memref<1x1x64x128xf32, #tpu.memory_space<vmem>> -> memref<64x128xf32, #tpu.memory_space<vmem>>
      %dma_wait3A_1177 = arith.constant 0 : i32
      %dma_wait3A_1178 = arith.constant 0 : i32
      %dma_wait3A_1179 = tpu.memref_slice %arg4[%dma_wait3A_1177, %dma_wait3A_1178] : memref<64x1000001xf32, #tpu.memory_space<hbm>> -> memref<64x128xf32, #tpu.memory_space<hbm>>
      tpu.wait_dma2 semaphore(%dma_wait3A_1172 : memref<!tpu.dma_semaphore, #tpu.memory_space<semaphore_mem>>) src(%dma_wait3A_1179 : memref<64x128xf32, #tpu.memory_space<hbm>>) dst(%dma_wait3A_1176 : memref<64x128xf32, #tpu.memory_space<vmem>>)
      %add3A_1180 = arith.constant 512 : i32
      %add3A_1181 = arith.addi %add3A_1180, %add3A_1050 : i32
      %get3A_1182 = arith.index_cast %add3A_1181 : i32 to index
      %get3A_1183 = tpu.vector_load %arg6[%get3A_1182] {strides = array<i32>} : memref<1072xi32, #tpu.memory_space<vmem>>, vector<16xi32>,
      %slice3A_1184 = vector.extract_strided_slice %get3A_1183 {offsets = [0], sizes = [1], strides = [1]} : vector<16xi32> to vector<1xi32>
      %squeeze3A_1185 = vector.extract %slice3A_1184[0] : i32 from vector<1xi32>
      %and3A_1186 = arith.constant 127 : i32
      %and3A_1187 = arith.andi %squeeze3A_1185, %and3A_1186 : i32
      %broadcast_in_dim3A_1188 = vector.broadcast %and3A_1187 : i32 to vector<16xi32>
      %and3A_1189 = arith.constant 255 : i32
      %and3A_1190 = arith.andi %add3A_1050, %and3A_1189 : i32
      %broadcast_in_dim3A_1191 = vector.broadcast %and3A_1190 : i32 to vector<16xi32>
      %broadcast_in_dim3A_1192 = arith.constant 1 : i32
      %broadcast_in_dim3A_1193 = vector.broadcast %broadcast_in_dim3A_1192 : i32 to vector<16xi32>
      %iota3A_1194 = tpu.iota {dimensions = array<i32: 0>} : vector<16xi32>
      %add3A_1195 = arith.constant 0 : i32
      %add3A_1196 = vector.broadcast %add3A_1195 : i32 to vector<16xi32>
      %add3A_1197 = arith.addi %iota3A_1194, %add3A_1196 : vector<16xi32>
      %gather3A_1198 = arith.constant 1 : i32
      %gather3A_1199 = arith.constant 3 : i32
      %gather3A_1200 = arith.constant 0 : i32
      %gather3A_1201 = arith.constant 0 : i32
      %gather3A_1202 = tpu.memref_slice %arg7[%gather3A_1198, %gather3A_1199, %gather3A_1200, %gather3A_1201] : memref<2x4x64x128xf32, #tpu.memory_space<vmem>> -> memref<1x1x64x128xf32, #tpu.memory_space<vmem>>
      %gather3A_1203 = tpu.memref_squeeze %gather3A_1202 : memref<1x1x64x128xf32, #tpu.memory_space<vmem>> -> memref<64x128xf32, #tpu.memory_space<vmem>>
      %gather3A_1204 = tpu.vector_load_idx %gather3A_1203[%add3A_1197, %broadcast_in_dim3A_1188] : memref<64x128xf32, #tpu.memory_space<vmem>>[vector<16xi32>, vector<16xi32>], vector<16xf32>,
      tpu.vector_store_idx %arg8[%broadcast_in_dim3A_1193, %add3A_1197, %broadcast_in_dim3A_1191], %gather3A_1204 : memref<2x64x256xf32, #tpu.memory_space<vmem>>[vector<16xi32>, vector<16xi32>, vector<16xi32>], vector<16xf32>,
      %iota3A_1205 = tpu.iota {dimensions = array<i32: 0>} : vector<16xi32>
      %add3A_1206 = arith.constant 16 : i32
      %add3A_1207 = vector.broadcast %add3A_1206 : i32 to vector<16xi32>
      %add3A_1208 = arith.addi %iota3A_1205, %add3A_1207 : vector<16xi32>
      %gather3A_1209 = arith.constant 1 : i32
      %gather3A_1210 = arith.constant 3 : i32
      %gather3A_1211 = arith.constant 0 : i32
      %gather3A_1212 = arith.constant 0 : i32
      %gather3A_1213 = tpu.memref_slice %arg7[%gather3A_1209, %gather3A_1210, %gather3A_1211, %gather3A_1212] : memref<2x4x64x128xf32, #tpu.memory_space<vmem>> -> memref<1x1x64x128xf32, #tpu.memory_space<vmem>>
      %gather3A_1214 = tpu.memref_squeeze %gather3A_1213 : memref<1x1x64x128xf32, #tpu.memory_space<vmem>> -> memref<64x128xf32, #tpu.memory_space<vmem>>
      %gather3A_1215 = tpu.vector_load_idx %gather3A_1214[%add3A_1208, %broadcast_in_dim3A_1188] : memref<64x128xf32, #tpu.memory_space<vmem>>[vector<16xi32>, vector<16xi32>], vector<16xf32>,
      tpu.vector_store_idx %arg8[%broadcast_in_dim3A_1193, %add3A_1208, %broadcast_in_dim3A_1191], %gather3A_1215 : memref<2x64x256xf32, #tpu.memory_space<vmem>>[vector<16xi32>, vector<16xi32>, vector<16xi32>], vector<16xf32>,
      %iota3A_1216 = tpu.iota {dimensions = array<i32: 0>} : vector<16xi32>
      %add3A_1217 = arith.constant 32 : i32
      %add3A_1218 = vector.broadcast %add3A_1217 : i32 to vector<16xi32>
      %add3A_1219 = arith.addi %iota3A_1216, %add3A_1218 : vector<16xi32>
      %gather3A_1220 = arith.constant 1 : i32
      %gather3A_1221 = arith.constant 3 : i32
      %gather3A_1222 = arith.constant 0 : i32
      %gather3A_1223 = arith.constant 0 : i32
      %gather3A_1224 = tpu.memref_slice %arg7[%gather3A_1220, %gather3A_1221, %gather3A_1222, %gather3A_1223] : memref<2x4x64x128xf32, #tpu.memory_space<vmem>> -> memref<1x1x64x128xf32, #tpu.memory_space<vmem>>
      %gather3A_1225 = tpu.memref_squeeze %gather3A_1224 : memref<1x1x64x128xf32, #tpu.memory_space<vmem>> -> memref<64x128xf32, #tpu.memory_space<vmem>>
      %gather3A_1226 = tpu.vector_load_idx %gather3A_1225[%add3A_1219, %broadcast_in_dim3A_1188] : memref<64x128xf32, #tpu.memory_space<vmem>>[vector<16xi32>, vector<16xi32>], vector<16xf32>,
      tpu.vector_store_idx %arg8[%broadcast_in_dim3A_1193, %add3A_1219, %broadcast_in_dim3A_1191], %gather3A_1226 : memref<2x64x256xf32, #tpu.memory_space<vmem>>[vector<16xi32>, vector<16xi32>, vector<16xi32>], vector<16xf32>,
      %iota3A_1227 = tpu.iota {dimensions = array<i32: 0>} : vector<16xi32>
      %add3A_1228 = arith.constant 48 : i32
      %add3A_1229 = vector.broadcast %add3A_1228 : i32 to vector<16xi32>
      %add3A_1230 = arith.addi %iota3A_1227, %add3A_1229 : vector<16xi32>
      %gather3A_1231 = arith.constant 1 : i32
      %gather3A_1232 = arith.constant 3 : i32
      %gather3A_1233 = arith.constant 0 : i32
      %gather3A_1234 = arith.constant 0 : i32
      %gather3A_1235 = tpu.memref_slice %arg7[%gather3A_1231, %gather3A_1232, %gather3A_1233, %gather3A_1234] : memref<2x4x64x128xf32, #tpu.memory_space<vmem>> -> memref<1x1x64x128xf32, #tpu.memory_space<vmem>>
      %gather3A_1236 = tpu.memref_squeeze %gather3A_1235 : memref<1x1x64x128xf32, #tpu.memory_space<vmem>> -> memref<64x128xf32, #tpu.memory_space<vmem>>
      %gather3A_1237 = tpu.vector_load_idx %gather3A_1236[%add3A_1230, %broadcast_in_dim3A_1188] : memref<64x128xf32, #tpu.memory_space<vmem>>[vector<16xi32>, vector<16xi32>], vector<16xf32>,
      tpu.vector_store_idx %arg8[%broadcast_in_dim3A_1193, %add3A_1230, %broadcast_in_dim3A_1191], %gather3A_1237 : memref<2x64x256xf32, #tpu.memory_space<vmem>>[vector<16xi32>, vector<16xi32>, vector<16xi32>], vector<16xf32>,
      %add3A_1238 = arith.constant 4 : i32
      %add3A_1239 = arith.addi %add3A_1050, %add3A_1238 : i32
      %add3A_1240 = arith.constant 512 : i32
      %add3A_1241 = arith.addi %add3A_1240, %add3A_1239 : i32
      %get3A_1242 = arith.index_cast %add3A_1241 : i32 to index
      %get3A_1243 = tpu.vector_load %arg6[%get3A_1242] {strides = array<i32>} : memref<1072xi32, #tpu.memory_space<vmem>>, vector<16xi32>,
      %slice3A_1244 = vector.extract_strided_slice %get3A_1243 {offsets = [0], sizes = [1], strides = [1]} : vector<16xi32> to vector<1xi32>
      %squeeze3A_1245 = vector.extract %slice3A_1244[0] : i32 from vector<1xi32>
      %shift_right_arithmetic3A_1246 = arith.constant 7 : i32
      %shift_right_arithmetic3A_1247 = arith.shrsi %squeeze3A_1245, %shift_right_arithmetic3A_1246 : i32
      %shift_left3A_1248 = arith.constant 7 : i32
      %shift_left3A_1249 = arith.shli %shift_right_arithmetic3A_1247, %shift_left3A_1248 : i32
      %multiple_of3A_1250 = tpu.assume_multiple %shift_left3A_1249, 128 : i32
      %dma_start3A_1251 = arith.constant 1 : i32
      %dma_start3A_1252 = arith.constant 3 : i32
      %dma_start3A_1253 = arith.constant 1 : i32
      %dma_start3A_1254 = arith.constant 3 : i32
      %dma_start3A_1255 = arith.constant 0 : i32
      %dma_start3A_1256 = arith.constant 0 : i32
      %dma_start3A_1257 = tpu.memref_slice %arg7[%dma_start3A_1251, %dma_start3A_1252, %dma_start3A_1255, %dma_start3A_1256] : memref<2x4x64x128xf32, #tpu.memory_space<vmem>> -> memref<1x1x64x128xf32, #tpu.memory_space<vmem>>
      %dma_start3A_1258 = tpu.memref_squeeze %dma_start3A_1257 : memref<1x1x64x128xf32, #tpu.memory_space<vmem>> -> memref<64x128xf32, #tpu.memory_space<vmem>>
      %dma_start3A_1259 = arith.constant 0 : i32
      %dma_start3A_1260 = tpu.memref_slice %arg4[%dma_start3A_1259, %multiple_of3A_1250] : memref<64x1000001xf32, #tpu.memory_space<hbm>> -> memref<64x128xf32, #tpu.memory_space<hbm>>
      %dma_start3A_1261 = tpu.memref_slice %arg9[%dma_start3A_1253, %dma_start3A_1254] : memref<2x4x!tpu.dma_semaphore, #tpu.memory_space<semaphore_mem>> -> memref<1x1x!tpu.dma_semaphore, #tpu.memory_space<semaphore_mem>>
      %dma_start3A_1262 = tpu.memref_squeeze %dma_start3A_1261 : memref<1x1x!tpu.dma_semaphore, #tpu.memory_space<semaphore_mem>> -> memref<!tpu.dma_semaphore, #tpu.memory_space<semaphore_mem>>
      %dma_start3A_1263 = arith.constant 0 : i32
      %dma_start3A_1264 = arith.constant 0 : i32
      %dma_start3A_1265 = tpu.memref_slice %arg7[%dma_start3A_1251, %dma_start3A_1252, %dma_start3A_1263, %dma_start3A_1264] : memref<2x4x64x128xf32, #tpu.memory_space<vmem>> -> memref<1x1x64x128xf32, #tpu.memory_space<vmem>>
      %dma_start3A_1266 = tpu.memref_squeeze %dma_start3A_1265 : memref<1x1x64x128xf32, #tpu.memory_space<vmem>> -> memref<64x128xf32, #tpu.memory_space<vmem>>
      %dma_start3A_1267 = arith.constant 0 : i32
      %dma_start3A_1268 = tpu.memref_slice %arg4[%dma_start3A_1267, %multiple_of3A_1250] : memref<64x1000001xf32, #tpu.memory_space<hbm>> -> memref<64x128xf32, #tpu.memory_space<hbm>>
      tpu.enqueue_dma source(%dma_start3A_1268 : memref<64x128xf32, #tpu.memory_space<hbm>>) target(%dma_start3A_1266 : memref<64x128xf32, #tpu.memory_space<vmem>>) target_semaphore(%dma_start3A_1262 : memref<!tpu.dma_semaphore, #tpu.memory_space<semaphore_mem>>)
    }
    %scan3A_213 = arith.constant 64 : i32
    %mul3A_214 = arith.constant 512 : i32
    %mul3A_215 = arith.muli %add3A, %mul3A_214 : i32
    "tpu.region"() ({
      %run_scoped3A = tpu.sem_alloc : memref<!tpu.dma_semaphore, #tpu.memory_space<semaphore_mem>>
      %dma_start3A_384 = arith.constant 0 : i32
      %dma_start3A_385 = arith.constant 0 : i32
      %dma_start3A_386 = tpu.memref_slice %arg5[%dma_start3A_384, %dma_start3A_385, %mul3A_215] : memref<2x64x16384xf32, #tpu.memory_space<hbm>> -> memref<2x64x256xf32, #tpu.memory_space<hbm>>
      %dma_start3A_387 = arith.constant 0 : i32
      %dma_start3A_388 = arith.constant 0 : i32
      %dma_start3A_389 = tpu.memref_slice %arg5[%dma_start3A_387, %dma_start3A_388, %mul3A_215] : memref<2x64x16384xf32, #tpu.memory_space<hbm>> -> memref<2x64x256xf32, #tpu.memory_space<hbm>>
      tpu.enqueue_dma source(%arg8 : memref<2x64x256xf32, #tpu.memory_space<vmem>>) target(%dma_start3A_389 : memref<2x64x256xf32, #tpu.memory_space<hbm>>) target_semaphore(%run_scoped3A : memref<!tpu.dma_semaphore, #tpu.memory_space<semaphore_mem>>)
      %dma_wait3A_390 = arith.constant 0 : i32
      %dma_wait3A_391 = arith.constant 0 : i32
      %dma_wait3A_392 = tpu.memref_slice %arg5[%dma_wait3A_390, %dma_wait3A_391, %mul3A_215] : memref<2x64x16384xf32, #tpu.memory_space<hbm>> -> memref<2x64x256xf32, #tpu.memory_space<hbm>>
      %dma_wait3A_393 = arith.constant 0 : i32
      %dma_wait3A_394 = arith.constant 0 : i32
      %dma_wait3A_395 = tpu.memref_slice %arg5[%dma_wait3A_393, %dma_wait3A_394, %mul3A_215] : memref<2x64x16384xf32, #tpu.memory_space<hbm>> -> memref<2x64x256xf32, #tpu.memory_space<hbm>>
      tpu.wait_dma2 semaphore(%run_scoped3A : memref<!tpu.dma_semaphore, #tpu.memory_space<semaphore_mem>>) src(%arg8 : memref<2x64x256xf32, #tpu.memory_space<vmem>>) dst(%dma_wait3A_395 : memref<2x64x256xf32, #tpu.memory_space<hbm>>)
      tpu.yield
    }) : () -> ()
    %scan3A_216 = arith.constant 64 : i32
    %scan3A_217 = arith.constant 64 : i32
    %scan3A_218 = arith.addi %scan3A_216, %scan3A_217 : i32
    %scan3A_219 = arith.constant 1 : i32
    scf.for %scan3A_384 = %scan3A_216 to %scan3A_218 step %scan3A_219  : i32 {
      %mul3A_385 = arith.constant 4 : i32
      %mul3A_386 = arith.muli %scan3A_384, %mul3A_385 : i32
      %add3A_387 = arith.constant 0 : i32
      %add3A_388 = arith.addi %mul3A_386, %add3A_387 : i32
      %dma_wait3A_389 = arith.constant 0 : i32
      %dma_wait3A_390 = arith.constant 0 : i32
      %dma_wait3A_391 = arith.constant 0 : i32
      %dma_wait3A_392 = arith.constant 0 : i32
      %dma_wait3A_393 = arith.constant 0 : i32
      %dma_wait3A_394 = arith.constant 0 : i32
      %dma_wait3A_395 = tpu.memref_slice %arg7[%dma_wait3A_389, %dma_wait3A_390, %dma_wait3A_393, %dma_wait3A_394] : memref<2x4x64x128xf32, #tpu.memory_space<vmem>> -> memref<1x1x64x128xf32, #tpu.memory_space<vmem>>
      %dma_wait3A_396 = tpu.memref_squeeze %dma_wait3A_395 : memref<1x1x64x128xf32, #tpu.memory_space<vmem>> -> memref<64x128xf32, #tpu.memory_space<vmem>>
      %dma_wait3A_397 = arith.constant 0 : i32
      %dma_wait3A_398 = arith.constant 0 : i32
      %dma_wait3A_399 = tpu.memref_slice %arg3[%dma_wait3A_397, %dma_wait3A_398] : memref<64x1000000xf32, #tpu.memory_space<hbm>> -> memref<64x128xf32, #tpu.memory_space<hbm>>
      %dma_wait3A_400 = tpu.memref_slice %arg9[%dma_wait3A_391, %dma_wait3A_392] : memref<2x4x!tpu.dma_semaphore, #tpu.memory_space<semaphore_mem>> -> memref<1x1x!tpu.dma_semaphore, #tpu.memory_space<semaphore_mem>>
      %dma_wait3A_401 = tpu.memref_squeeze %dma_wait3A_400 : memref<1x1x!tpu.dma_semaphore, #tpu.memory_space<semaphore_mem>> -> memref<!tpu.dma_semaphore, #tpu.memory_space<semaphore_mem>>
      %dma_wait3A_402 = arith.constant 0 : i32
      %dma_wait3A_403 = arith.constant 0 : i32
      %dma_wait3A_404 = tpu.memref_slice %arg7[%dma_wait3A_389, %dma_wait3A_390, %dma_wait3A_402, %dma_wait3A_403] : memref<2x4x64x128xf32, #tpu.memory_space<vmem>> -> memref<1x1x64x128xf32, #tpu.memory_space<vmem>>
      %dma_wait3A_405 = tpu.memref_squeeze %dma_wait3A_404 : memref<1x1x64x128xf32, #tpu.memory_space<vmem>> -> memref<64x128xf32, #tpu.memory_space<vmem>>
      %dma_wait3A_406 = arith.constant 0 : i32
      %dma_wait3A_407 = arith.constant 0 : i32
      %dma_wait3A_408 = tpu.memref_slice %arg3[%dma_wait3A_406, %dma_wait3A_407] : memref<64x1000000xf32, #tpu.memory_space<hbm>> -> memref<64x128xf32, #tpu.memory_space<hbm>>
      tpu.wait_dma2 semaphore(%dma_wait3A_401 : memref<!tpu.dma_semaphore, #tpu.memory_space<semaphore_mem>>) src(%dma_wait3A_408 : memref<64x128xf32, #tpu.memory_space<hbm>>) dst(%dma_wait3A_405 : memref<64x128xf32, #tpu.memory_space<vmem>>)
      %add3A_409 = arith.constant 0 : i32
      %add3A_410 = arith.addi %add3A_409, %add3A_388 : i32
      %get3A_411 = arith.index_cast %add3A_410 : i32 to index
      %get3A_412 = tpu.vector_load %arg6[%get3A_411] {strides = array<i32>} : memref<1072xi32, #tpu.memory_space<vmem>>, vector<16xi32>,
      %slice3A_413 = vector.extract_strided_slice %get3A_412 {offsets = [0], sizes = [1], strides = [1]} : vector<16xi32> to vector<1xi32>
      %squeeze3A_414 = vector.extract %slice3A_413[0] : i32 from vector<1xi32>
      %and3A = arith.constant 127 : i32
      %and3A_415 = arith.andi %squeeze3A_414, %and3A : i32
      %broadcast_in_dim3A = vector.broadcast %and3A_415 : i32 to vector<16xi32>
      %and3A_416 = arith.constant 255 : i32
      %and3A_417 = arith.andi %add3A_388, %and3A_416 : i32
      %broadcast_in_dim3A_418 = vector.broadcast %and3A_417 : i32 to vector<16xi32>
      %broadcast_in_dim3A_419 = arith.constant 0 : i32
      %broadcast_in_dim3A_420 = vector.broadcast %broadcast_in_dim3A_419 : i32 to vector<16xi32>
      %iota3A = tpu.iota {dimensions = array<i32: 0>} : vector<16xi32>
      %add3A_421 = arith.constant 0 : i32
      %add3A_422 = vector.broadcast %add3A_421 : i32 to vector<16xi32>
      %add3A_423 = arith.addi %iota3A, %add3A_422 : vector<16xi32>
      %gather3A = arith.constant 0 : i32
      %gather3A_424 = arith.constant 0 : i32
      %gather3A_425 = arith.constant 0 : i32
      %gather3A_426 = arith.constant 0 : i32
      %gather3A_427 = tpu.memref_slice %arg7[%gather3A, %gather3A_424, %gather3A_425, %gather3A_426] : memref<2x4x64x128xf32, #tpu.memory_space<vmem>> -> memref<1x1x64x128xf32, #tpu.memory_space<vmem>>
      %gather3A_428 = tpu.memref_squeeze %gather3A_427 : memref<1x1x64x128xf32, #tpu.memory_space<vmem>> -> memref<64x128xf32, #tpu.memory_space<vmem>>
      %gather3A_429 = tpu.vector_load_idx %gather3A_428[%add3A_423, %broadcast_in_dim3A] : memref<64x128xf32, #tpu.memory_space<vmem>>[vector<16xi32>, vector<16xi32>], vector<16xf32>,
      tpu.vector_store_idx %arg8[%broadcast_in_dim3A_420, %add3A_423, %broadcast_in_dim3A_418], %gather3A_429 : memref<2x64x256xf32, #tpu.memory_space<vmem>>[vector<16xi32>, vector<16xi32>, vector<16xi32>], vector<16xf32>,
      %iota3A_430 = tpu.iota {dimensions = array<i32: 0>} : vector<16xi32>
      %add3A_431 = arith.constant 16 : i32
      %add3A_432 = vector.broadcast %add3A_431 : i32 to vector<16xi32>
      %add3A_433 = arith.addi %iota3A_430, %add3A_432 : vector<16xi32>
      %gather3A_434 = arith.constant 0 : i32
      %gather3A_435 = arith.constant 0 : i32
      %gather3A_436 = arith.constant 0 : i32
      %gather3A_437 = arith.constant 0 : i32
      %gather3A_438 = tpu.memref_slice %arg7[%gather3A_434, %gather3A_435, %gather3A_436, %gather3A_437] : memref<2x4x64x128xf32, #tpu.memory_space<vmem>> -> memref<1x1x64x128xf32, #tpu.memory_space<vmem>>
      %gather3A_439 = tpu.memref_squeeze %gather3A_438 : memref<1x1x64x128xf32, #tpu.memory_space<vmem>> -> memref<64x128xf32, #tpu.memory_space<vmem>>
      %gather3A_440 = tpu.vector_load_idx %gather3A_439[%add3A_433, %broadcast_in_dim3A] : memref<64x128xf32, #tpu.memory_space<vmem>>[vector<16xi32>, vector<16xi32>], vector<16xf32>,
      tpu.vector_store_idx %arg8[%broadcast_in_dim3A_420, %add3A_433, %broadcast_in_dim3A_418], %gather3A_440 : memref<2x64x256xf32, #tpu.memory_space<vmem>>[vector<16xi32>, vector<16xi32>, vector<16xi32>], vector<16xf32>,
      %iota3A_441 = tpu.iota {dimensions = array<i32: 0>} : vector<16xi32>
      %add3A_442 = arith.constant 32 : i32
      %add3A_443 = vector.broadcast %add3A_442 : i32 to vector<16xi32>
      %add3A_444 = arith.addi %iota3A_441, %add3A_443 : vector<16xi32>
      %gather3A_445 = arith.constant 0 : i32
      %gather3A_446 = arith.constant 0 : i32
      %gather3A_447 = arith.constant 0 : i32
      %gather3A_448 = arith.constant 0 : i32
      %gather3A_449 = tpu.memref_slice %arg7[%gather3A_445, %gather3A_446, %gather3A_447, %gather3A_448] : memref<2x4x64x128xf32, #tpu.memory_space<vmem>> -> memref<1x1x64x128xf32, #tpu.memory_space<vmem>>
      %gather3A_450 = tpu.memref_squeeze %gather3A_449 : memref<1x1x64x128xf32, #tpu.memory_space<vmem>> -> memref<64x128xf32, #tpu.memory_space<vmem>>
      %gather3A_451 = tpu.vector_load_idx %gather3A_450[%add3A_444, %broadcast_in_dim3A] : memref<64x128xf32, #tpu.memory_space<vmem>>[vector<16xi32>, vector<16xi32>], vector<16xf32>,
      tpu.vector_store_idx %arg8[%broadcast_in_dim3A_420, %add3A_444, %broadcast_in_dim3A_418], %gather3A_451 : memref<2x64x256xf32, #tpu.memory_space<vmem>>[vector<16xi32>, vector<16xi32>, vector<16xi32>], vector<16xf32>,
      %iota3A_452 = tpu.iota {dimensions = array<i32: 0>} : vector<16xi32>
      %add3A_453 = arith.constant 48 : i32
      %add3A_454 = vector.broadcast %add3A_453 : i32 to vector<16xi32>
      %add3A_455 = arith.addi %iota3A_452, %add3A_454 : vector<16xi32>
      %gather3A_456 = arith.constant 0 : i32
      %gather3A_457 = arith.constant 0 : i32
      %gather3A_458 = arith.constant 0 : i32
      %gather3A_459 = arith.constant 0 : i32
      %gather3A_460 = tpu.memref_slice %arg7[%gather3A_456, %gather3A_457, %gather3A_458, %gather3A_459] : memref<2x4x64x128xf32, #tpu.memory_space<vmem>> -> memref<1x1x64x128xf32, #tpu.memory_space<vmem>>
      %gather3A_461 = tpu.memref_squeeze %gather3A_460 : memref<1x1x64x128xf32, #tpu.memory_space<vmem>> -> memref<64x128xf32, #tpu.memory_space<vmem>>
      %gather3A_462 = tpu.vector_load_idx %gather3A_461[%add3A_455, %broadcast_in_dim3A] : memref<64x128xf32, #tpu.memory_space<vmem>>[vector<16xi32>, vector<16xi32>], vector<16xf32>,
      tpu.vector_store_idx %arg8[%broadcast_in_dim3A_420, %add3A_455, %broadcast_in_dim3A_418], %gather3A_462 : memref<2x64x256xf32, #tpu.memory_space<vmem>>[vector<16xi32>, vector<16xi32>, vector<16xi32>], vector<16xf32>,
      %add3A_463 = arith.constant 4 : i32
      %add3A_464 = arith.addi %add3A_388, %add3A_463 : i32
      %add3A_465 = arith.constant 0 : i32
      %add3A_466 = arith.addi %add3A_465, %add3A_464 : i32
      %get3A_467 = arith.index_cast %add3A_466 : i32 to index
      %get3A_468 = tpu.vector_load %arg6[%get3A_467] {strides = array<i32>} : memref<1072xi32, #tpu.memory_space<vmem>>, vector<16xi32>,
      %slice3A_469 = vector.extract_strided_slice %get3A_468 {offsets = [0], sizes = [1], strides = [1]} : vector<16xi32> to vector<1xi32>
      %squeeze3A_470 = vector.extract %slice3A_469[0] : i32 from vector<1xi32>
      %shift_right_arithmetic3A_471 = arith.constant 7 : i32
      %shift_right_arithmetic3A_472 = arith.shrsi %squeeze3A_470, %shift_right_arithmetic3A_471 : i32
      %shift_left3A_473 = arith.constant 7 : i32
      %shift_left3A_474 = arith.shli %shift_right_arithmetic3A_472, %shift_left3A_473 : i32
      %multiple_of3A_475 = tpu.assume_multiple %shift_left3A_474, 128 : i32
      %dma_start3A_476 = arith.constant 0 : i32
      %dma_start3A_477 = arith.constant 0 : i32
      %dma_start3A_478 = arith.constant 0 : i32
      %dma_start3A_479 = arith.constant 0 : i32
      %dma_start3A_480 = arith.constant 0 : i32
      %dma_start3A_481 = arith.constant 0 : i32
      %dma_start3A_482 = tpu.memref_slice %arg7[%dma_start3A_476, %dma_start3A_477, %dma_start3A_480, %dma_start3A_481] : memref<2x4x64x128xf32, #tpu.memory_space<vmem>> -> memref<1x1x64x128xf32, #tpu.memory_space<vmem>>
      %dma_start3A_483 = tpu.memref_squeeze %dma_start3A_482 : memref<1x1x64x128xf32, #tpu.memory_space<vmem>> -> memref<64x128xf32, #tpu.memory_space<vmem>>
      %dma_start3A_484 = arith.constant 0 : i32
      %dma_start3A_485 = tpu.memref_slice %arg3[%dma_start3A_484, %multiple_of3A_475] : memref<64x1000000xf32, #tpu.memory_space<hbm>> -> memref<64x128xf32, #tpu.memory_space<hbm>>
      %dma_start3A_486 = tpu.memref_slice %arg9[%dma_start3A_478, %dma_start3A_479] : memref<2x4x!tpu.dma_semaphore, #tpu.memory_space<semaphore_mem>> -> memref<1x1x!tpu.dma_semaphore, #tpu.memory_space<semaphore_mem>>
      %dma_start3A_487 = tpu.memref_squeeze %dma_start3A_486 : memref<1x1x!tpu.dma_semaphore, #tpu.memory_space<semaphore_mem>> -> memref<!tpu.dma_semaphore, #tpu.memory_space<semaphore_mem>>
      %dma_start3A_488 = arith.constant 0 : i32
      %dma_start3A_489 = arith.constant 0 : i32
      %dma_start3A_490 = tpu.memref_slice %arg7[%dma_start3A_476, %dma_start3A_477, %dma_start3A_488, %dma_start3A_489] : memref<2x4x64x128xf32, #tpu.memory_space<vmem>> -> memref<1x1x64x128xf32, #tpu.memory_space<vmem>>
      %dma_start3A_491 = tpu.memref_squeeze %dma_start3A_490 : memref<1x1x64x128xf32, #tpu.memory_space<vmem>> -> memref<64x128xf32, #tpu.memory_space<vmem>>
      %dma_start3A_492 = arith.constant 0 : i32
      %dma_start3A_493 = tpu.memref_slice %arg3[%dma_start3A_492, %multiple_of3A_475] : memref<64x1000000xf32, #tpu.memory_space<hbm>> -> memref<64x128xf32, #tpu.memory_space<hbm>>
      tpu.enqueue_dma source(%dma_start3A_493 : memref<64x128xf32, #tpu.memory_space<hbm>>) target(%dma_start3A_491 : memref<64x128xf32, #tpu.memory_space<vmem>>) target_semaphore(%dma_start3A_487 : memref<!tpu.dma_semaphore, #tpu.memory_space<semaphore_mem>>)
      %dma_wait3A_494 = arith.constant 1 : i32
      %dma_wait3A_495 = arith.constant 0 : i32
      %dma_wait3A_496 = arith.constant 1 : i32
      %dma_wait3A_497 = arith.constant 0 : i32
      %dma_wait3A_498 = arith.constant 0 : i32
      %dma_wait3A_499 = arith.constant 0 : i32
      %dma_wait3A_500 = tpu.memref_slice %arg7[%dma_wait3A_494, %dma_wait3A_495, %dma_wait3A_498, %dma_wait3A_499] : memref<2x4x64x128xf32, #tpu.memory_space<vmem>> -> memref<1x1x64x128xf32, #tpu.memory_space<vmem>>
      %dma_wait3A_501 = tpu.memref_squeeze %dma_wait3A_500 : memref<1x1x64x128xf32, #tpu.memory_space<vmem>> -> memref<64x128xf32, #tpu.memory_space<vmem>>
      %dma_wait3A_502 = arith.constant 0 : i32
      %dma_wait3A_503 = arith.constant 0 : i32
      %dma_wait3A_504 = tpu.memref_slice %arg4[%dma_wait3A_502, %dma_wait3A_503] : memref<64x1000001xf32, #tpu.memory_space<hbm>> -> memref<64x128xf32, #tpu.memory_space<hbm>>
      %dma_wait3A_505 = tpu.memref_slice %arg9[%dma_wait3A_496, %dma_wait3A_497] : memref<2x4x!tpu.dma_semaphore, #tpu.memory_space<semaphore_mem>> -> memref<1x1x!tpu.dma_semaphore, #tpu.memory_space<semaphore_mem>>
      %dma_wait3A_506 = tpu.memref_squeeze %dma_wait3A_505 : memref<1x1x!tpu.dma_semaphore, #tpu.memory_space<semaphore_mem>> -> memref<!tpu.dma_semaphore, #tpu.memory_space<semaphore_mem>>
      %dma_wait3A_507 = arith.constant 0 : i32
      %dma_wait3A_508 = arith.constant 0 : i32
      %dma_wait3A_509 = tpu.memref_slice %arg7[%dma_wait3A_494, %dma_wait3A_495, %dma_wait3A_507, %dma_wait3A_508] : memref<2x4x64x128xf32, #tpu.memory_space<vmem>> -> memref<1x1x64x128xf32, #tpu.memory_space<vmem>>
      %dma_wait3A_510 = tpu.memref_squeeze %dma_wait3A_509 : memref<1x1x64x128xf32, #tpu.memory_space<vmem>> -> memref<64x128xf32, #tpu.memory_space<vmem>>
      %dma_wait3A_511 = arith.constant 0 : i32
      %dma_wait3A_512 = arith.constant 0 : i32
      %dma_wait3A_513 = tpu.memref_slice %arg4[%dma_wait3A_511, %dma_wait3A_512] : memref<64x1000001xf32, #tpu.memory_space<hbm>> -> memref<64x128xf32, #tpu.memory_space<hbm>>
      tpu.wait_dma2 semaphore(%dma_wait3A_506 : memref<!tpu.dma_semaphore, #tpu.memory_space<semaphore_mem>>) src(%dma_wait3A_513 : memref<64x128xf32, #tpu.memory_space<hbm>>) dst(%dma_wait3A_510 : memref<64x128xf32, #tpu.memory_space<vmem>>)
      %add3A_514 = arith.constant 512 : i32
      %add3A_515 = arith.addi %add3A_514, %add3A_388 : i32
      %get3A_516 = arith.index_cast %add3A_515 : i32 to index
      %get3A_517 = tpu.vector_load %arg6[%get3A_516] {strides = array<i32>} : memref<1072xi32, #tpu.memory_space<vmem>>, vector<16xi32>,
      %slice3A_518 = vector.extract_strided_slice %get3A_517 {offsets = [0], sizes = [1], strides = [1]} : vector<16xi32> to vector<1xi32>
      %squeeze3A_519 = vector.extract %slice3A_518[0] : i32 from vector<1xi32>
      %and3A_520 = arith.constant 127 : i32
      %and3A_521 = arith.andi %squeeze3A_519, %and3A_520 : i32
      %broadcast_in_dim3A_522 = vector.broadcast %and3A_521 : i32 to vector<16xi32>
      %and3A_523 = arith.constant 255 : i32
      %and3A_524 = arith.andi %add3A_388, %and3A_523 : i32
      %broadcast_in_dim3A_525 = vector.broadcast %and3A_524 : i32 to vector<16xi32>
      %broadcast_in_dim3A_526 = arith.constant 1 : i32
      %broadcast_in_dim3A_527 = vector.broadcast %broadcast_in_dim3A_526 : i32 to vector<16xi32>
      %iota3A_528 = tpu.iota {dimensions = array<i32: 0>} : vector<16xi32>
      %add3A_529 = arith.constant 0 : i32
      %add3A_530 = vector.broadcast %add3A_529 : i32 to vector<16xi32>
      %add3A_531 = arith.addi %iota3A_528, %add3A_530 : vector<16xi32>
      %gather3A_532 = arith.constant 1 : i32
      %gather3A_533 = arith.constant 0 : i32
      %gather3A_534 = arith.constant 0 : i32
      %gather3A_535 = arith.constant 0 : i32
      %gather3A_536 = tpu.memref_slice %arg7[%gather3A_532, %gather3A_533, %gather3A_534, %gather3A_535] : memref<2x4x64x128xf32, #tpu.memory_space<vmem>> -> memref<1x1x64x128xf32, #tpu.memory_space<vmem>>
      %gather3A_537 = tpu.memref_squeeze %gather3A_536 : memref<1x1x64x128xf32, #tpu.memory_space<vmem>> -> memref<64x128xf32, #tpu.memory_space<vmem>>
      %gather3A_538 = tpu.vector_load_idx %gather3A_537[%add3A_531, %broadcast_in_dim3A_522] : memref<64x128xf32, #tpu.memory_space<vmem>>[vector<16xi32>, vector<16xi32>], vector<16xf32>,
      tpu.vector_store_idx %arg8[%broadcast_in_dim3A_527, %add3A_531, %broadcast_in_dim3A_525], %gather3A_538 : memref<2x64x256xf32, #tpu.memory_space<vmem>>[vector<16xi32>, vector<16xi32>, vector<16xi32>], vector<16xf32>,
      %iota3A_539 = tpu.iota {dimensions = array<i32: 0>} : vector<16xi32>
      %add3A_540 = arith.constant 16 : i32
      %add3A_541 = vector.broadcast %add3A_540 : i32 to vector<16xi32>
      %add3A_542 = arith.addi %iota3A_539, %add3A_541 : vector<16xi32>
      %gather3A_543 = arith.constant 1 : i32
      %gather3A_544 = arith.constant 0 : i32
      %gather3A_545 = arith.constant 0 : i32
      %gather3A_546 = arith.constant 0 : i32
      %gather3A_547 = tpu.memref_slice %arg7[%gather3A_543, %gather3A_544, %gather3A_545, %gather3A_546] : memref<2x4x64x128xf32, #tpu.memory_space<vmem>> -> memref<1x1x64x128xf32, #tpu.memory_space<vmem>>
      %gather3A_548 = tpu.memref_squeeze %gather3A_547 : memref<1x1x64x128xf32, #tpu.memory_space<vmem>> -> memref<64x128xf32, #tpu.memory_space<vmem>>
      %gather3A_549 = tpu.vector_load_idx %gather3A_548[%add3A_542, %broadcast_in_dim3A_522] : memref<64x128xf32, #tpu.memory_space<vmem>>[vector<16xi32>, vector<16xi32>], vector<16xf32>,
      tpu.vector_store_idx %arg8[%broadcast_in_dim3A_527, %add3A_542, %broadcast_in_dim3A_525], %gather3A_549 : memref<2x64x256xf32, #tpu.memory_space<vmem>>[vector<16xi32>, vector<16xi32>, vector<16xi32>], vector<16xf32>,
      %iota3A_550 = tpu.iota {dimensions = array<i32: 0>} : vector<16xi32>
      %add3A_551 = arith.constant 32 : i32
      %add3A_552 = vector.broadcast %add3A_551 : i32 to vector<16xi32>
      %add3A_553 = arith.addi %iota3A_550, %add3A_552 : vector<16xi32>
      %gather3A_554 = arith.constant 1 : i32
      %gather3A_555 = arith.constant 0 : i32
      %gather3A_556 = arith.constant 0 : i32
      %gather3A_557 = arith.constant 0 : i32
      %gather3A_558 = tpu.memref_slice %arg7[%gather3A_554, %gather3A_555, %gather3A_556, %gather3A_557] : memref<2x4x64x128xf32, #tpu.memory_space<vmem>> -> memref<1x1x64x128xf32, #tpu.memory_space<vmem>>
      %gather3A_559 = tpu.memref_squeeze %gather3A_558 : memref<1x1x64x128xf32, #tpu.memory_space<vmem>> -> memref<64x128xf32, #tpu.memory_space<vmem>>
      %gather3A_560 = tpu.vector_load_idx %gather3A_559[%add3A_553, %broadcast_in_dim3A_522] : memref<64x128xf32, #tpu.memory_space<vmem>>[vector<16xi32>, vector<16xi32>], vector<16xf32>,
      tpu.vector_store_idx %arg8[%broadcast_in_dim3A_527, %add3A_553, %broadcast_in_dim3A_525], %gather3A_560 : memref<2x64x256xf32, #tpu.memory_space<vmem>>[vector<16xi32>, vector<16xi32>, vector<16xi32>], vector<16xf32>,
      %iota3A_561 = tpu.iota {dimensions = array<i32: 0>} : vector<16xi32>
      %add3A_562 = arith.constant 48 : i32
      %add3A_563 = vector.broadcast %add3A_562 : i32 to vector<16xi32>
      %add3A_564 = arith.addi %iota3A_561, %add3A_563 : vector<16xi32>
      %gather3A_565 = arith.constant 1 : i32
      %gather3A_566 = arith.constant 0 : i32
      %gather3A_567 = arith.constant 0 : i32
      %gather3A_568 = arith.constant 0 : i32
      %gather3A_569 = tpu.memref_slice %arg7[%gather3A_565, %gather3A_566, %gather3A_567, %gather3A_568] : memref<2x4x64x128xf32, #tpu.memory_space<vmem>> -> memref<1x1x64x128xf32, #tpu.memory_space<vmem>>
      %gather3A_570 = tpu.memref_squeeze %gather3A_569 : memref<1x1x64x128xf32, #tpu.memory_space<vmem>> -> memref<64x128xf32, #tpu.memory_space<vmem>>
      %gather3A_571 = tpu.vector_load_idx %gather3A_570[%add3A_564, %broadcast_in_dim3A_522] : memref<64x128xf32, #tpu.memory_space<vmem>>[vector<16xi32>, vector<16xi32>], vector<16xf32>,
      tpu.vector_store_idx %arg8[%broadcast_in_dim3A_527, %add3A_564, %broadcast_in_dim3A_525], %gather3A_571 : memref<2x64x256xf32, #tpu.memory_space<vmem>>[vector<16xi32>, vector<16xi32>, vector<16xi32>], vector<16xf32>,
      %add3A_572 = arith.constant 4 : i32
      %add3A_573 = arith.addi %add3A_388, %add3A_572 : i32
      %add3A_574 = arith.constant 512 : i32
      %add3A_575 = arith.addi %add3A_574, %add3A_573 : i32
      %get3A_576 = arith.index_cast %add3A_575 : i32 to index
      %get3A_577 = tpu.vector_load %arg6[%get3A_576] {strides = array<i32>} : memref<1072xi32, #tpu.memory_space<vmem>>, vector<16xi32>,
      %slice3A_578 = vector.extract_strided_slice %get3A_577 {offsets = [0], sizes = [1], strides = [1]} : vector<16xi32> to vector<1xi32>
      %squeeze3A_579 = vector.extract %slice3A_578[0] : i32 from vector<1xi32>
      %shift_right_arithmetic3A_580 = arith.constant 7 : i32
      %shift_right_arithmetic3A_581 = arith.shrsi %squeeze3A_579, %shift_right_arithmetic3A_580 : i32
      %shift_left3A_582 = arith.constant 7 : i32
      %shift_left3A_583 = arith.shli %shift_right_arithmetic3A_581, %shift_left3A_582 : i32
      %multiple_of3A_584 = tpu.assume_multiple %shift_left3A_583, 128 : i32
      %dma_start3A_585 = arith.constant 1 : i32
      %dma_start3A_586 = arith.constant 0 : i32
      %dma_start3A_587 = arith.constant 1 : i32
      %dma_start3A_588 = arith.constant 0 : i32
      %dma_start3A_589 = arith.constant 0 : i32
      %dma_start3A_590 = arith.constant 0 : i32
      %dma_start3A_591 = tpu.memref_slice %arg7[%dma_start3A_585, %dma_start3A_586, %dma_start3A_589, %dma_start3A_590] : memref<2x4x64x128xf32, #tpu.memory_space<vmem>> -> memref<1x1x64x128xf32, #tpu.memory_space<vmem>>
      %dma_start3A_592 = tpu.memref_squeeze %dma_start3A_591 : memref<1x1x64x128xf32, #tpu.memory_space<vmem>> -> memref<64x128xf32, #tpu.memory_space<vmem>>
      %dma_start3A_593 = arith.constant 0 : i32
      %dma_start3A_594 = tpu.memref_slice %arg4[%dma_start3A_593, %multiple_of3A_584] : memref<64x1000001xf32, #tpu.memory_space<hbm>> -> memref<64x128xf32, #tpu.memory_space<hbm>>
      %dma_start3A_595 = tpu.memref_slice %arg9[%dma_start3A_587, %dma_start3A_588] : memref<2x4x!tpu.dma_semaphore, #tpu.memory_space<semaphore_mem>> -> memref<1x1x!tpu.dma_semaphore, #tpu.memory_space<semaphore_mem>>
      %dma_start3A_596 = tpu.memref_squeeze %dma_start3A_595 : memref<1x1x!tpu.dma_semaphore, #tpu.memory_space<semaphore_mem>> -> memref<!tpu.dma_semaphore, #tpu.memory_space<semaphore_mem>>
      %dma_start3A_597 = arith.constant 0 : i32
      %dma_start3A_598 = arith.constant 0 : i32
      %dma_start3A_599 = tpu.memref_slice %arg7[%dma_start3A_585, %dma_start3A_586, %dma_start3A_597, %dma_start3A_598] : memref<2x4x64x128xf32, #tpu.memory_space<vmem>> -> memref<1x1x64x128xf32, #tpu.memory_space<vmem>>
      %dma_start3A_600 = tpu.memref_squeeze %dma_start3A_599 : memref<1x1x64x128xf32, #tpu.memory_space<vmem>> -> memref<64x128xf32, #tpu.memory_space<vmem>>
      %dma_start3A_601 = arith.constant 0 : i32
      %dma_start3A_602 = tpu.memref_slice %arg4[%dma_start3A_601, %multiple_of3A_584] : memref<64x1000001xf32, #tpu.memory_space<hbm>> -> memref<64x128xf32, #tpu.memory_space<hbm>>
      tpu.enqueue_dma source(%dma_start3A_602 : memref<64x128xf32, #tpu.memory_space<hbm>>) target(%dma_start3A_600 : memref<64x128xf32, #tpu.memory_space<vmem>>) target_semaphore(%dma_start3A_596 : memref<!tpu.dma_semaphore, #tpu.memory_space<semaphore_mem>>)
      %mul3A_603 = arith.constant 4 : i32
      %mul3A_604 = arith.muli %scan3A_384, %mul3A_603 : i32
      %add3A_605 = arith.constant 1 : i32
      %add3A_606 = arith.addi %mul3A_604, %add3A_605 : i32
      %dma_wait3A_607 = arith.constant 0 : i32
      %dma_wait3A_608 = arith.constant 1 : i32
      %dma_wait3A_609 = arith.constant 0 : i32
      %dma_wait3A_610 = arith.constant 1 : i32
      %dma_wait3A_611 = arith.constant 0 : i32
      %dma_wait3A_612 = arith.constant 0 : i32
      %dma_wait3A_613 = tpu.memref_slice %arg7[%dma_wait3A_607, %dma_wait3A_608, %dma_wait3A_611, %dma_wait3A_612] : memref<2x4x64x128xf32, #tpu.memory_space<vmem>> -> memref<1x1x64x128xf32, #tpu.memory_space<vmem>>
      %dma_wait3A_614 = tpu.memref_squeeze %dma_wait3A_613 : memref<1x1x64x128xf32, #tpu.memory_space<vmem>> -> memref<64x128xf32, #tpu.memory_space<vmem>>
      %dma_wait3A_615 = arith.constant 0 : i32
      %dma_wait3A_616 = arith.constant 0 : i32
      %dma_wait3A_617 = tpu.memref_slice %arg3[%dma_wait3A_615, %dma_wait3A_616] : memref<64x1000000xf32, #tpu.memory_space<hbm>> -> memref<64x128xf32, #tpu.memory_space<hbm>>
      %dma_wait3A_618 = tpu.memref_slice %arg9[%dma_wait3A_609, %dma_wait3A_610] : memref<2x4x!tpu.dma_semaphore, #tpu.memory_space<semaphore_mem>> -> memref<1x1x!tpu.dma_semaphore, #tpu.memory_space<semaphore_mem>>
      %dma_wait3A_619 = tpu.memref_squeeze %dma_wait3A_618 : memref<1x1x!tpu.dma_semaphore, #tpu.memory_space<semaphore_mem>> -> memref<!tpu.dma_semaphore, #tpu.memory_space<semaphore_mem>>
      %dma_wait3A_620 = arith.constant 0 : i32
      %dma_wait3A_621 = arith.constant 0 : i32
      %dma_wait3A_622 = tpu.memref_slice %arg7[%dma_wait3A_607, %dma_wait3A_608, %dma_wait3A_620, %dma_wait3A_621] : memref<2x4x64x128xf32, #tpu.memory_space<vmem>> -> memref<1x1x64x128xf32, #tpu.memory_space<vmem>>
      %dma_wait3A_623 = tpu.memref_squeeze %dma_wait3A_622 : memref<1x1x64x128xf32, #tpu.memory_space<vmem>> -> memref<64x128xf32, #tpu.memory_space<vmem>>
      %dma_wait3A_624 = arith.constant 0 : i32
      %dma_wait3A_625 = arith.constant 0 : i32
      %dma_wait3A_626 = tpu.memref_slice %arg3[%dma_wait3A_624, %dma_wait3A_625] : memref<64x1000000xf32, #tpu.memory_space<hbm>> -> memref<64x128xf32, #tpu.memory_space<hbm>>
      tpu.wait_dma2 semaphore(%dma_wait3A_619 : memref<!tpu.dma_semaphore, #tpu.memory_space<semaphore_mem>>) src(%dma_wait3A_626 : memref<64x128xf32, #tpu.memory_space<hbm>>) dst(%dma_wait3A_623 : memref<64x128xf32, #tpu.memory_space<vmem>>)
      %add3A_627 = arith.constant 0 : i32
      %add3A_628 = arith.addi %add3A_627, %add3A_606 : i32
      %get3A_629 = arith.index_cast %add3A_628 : i32 to index
      %get3A_630 = tpu.vector_load %arg6[%get3A_629] {strides = array<i32>} : memref<1072xi32, #tpu.memory_space<vmem>>, vector<16xi32>,
      %slice3A_631 = vector.extract_strided_slice %get3A_630 {offsets = [0], sizes = [1], strides = [1]} : vector<16xi32> to vector<1xi32>
      %squeeze3A_632 = vector.extract %slice3A_631[0] : i32 from vector<1xi32>
      %and3A_633 = arith.constant 127 : i32
      %and3A_634 = arith.andi %squeeze3A_632, %and3A_633 : i32
      %broadcast_in_dim3A_635 = vector.broadcast %and3A_634 : i32 to vector<16xi32>
      %and3A_636 = arith.constant 255 : i32
      %and3A_637 = arith.andi %add3A_606, %and3A_636 : i32
      %broadcast_in_dim3A_638 = vector.broadcast %and3A_637 : i32 to vector<16xi32>
      %broadcast_in_dim3A_639 = arith.constant 0 : i32
      %broadcast_in_dim3A_640 = vector.broadcast %broadcast_in_dim3A_639 : i32 to vector<16xi32>
      %iota3A_641 = tpu.iota {dimensions = array<i32: 0>} : vector<16xi32>
      %add3A_642 = arith.constant 0 : i32
      %add3A_643 = vector.broadcast %add3A_642 : i32 to vector<16xi32>
      %add3A_644 = arith.addi %iota3A_641, %add3A_643 : vector<16xi32>
      %gather3A_645 = arith.constant 0 : i32
      %gather3A_646 = arith.constant 1 : i32
      %gather3A_647 = arith.constant 0 : i32
      %gather3A_648 = arith.constant 0 : i32
      %gather3A_649 = tpu.memref_slice %arg7[%gather3A_645, %gather3A_646, %gather3A_647, %gather3A_648] : memref<2x4x64x128xf32, #tpu.memory_space<vmem>> -> memref<1x1x64x128xf32, #tpu.memory_space<vmem>>
      %gather3A_650 = tpu.memref_squeeze %gather3A_649 : memref<1x1x64x128xf32, #tpu.memory_space<vmem>> -> memref<64x128xf32, #tpu.memory_space<vmem>>
      %gather3A_651 = tpu.vector_load_idx %gather3A_650[%add3A_644, %broadcast_in_dim3A_635] : memref<64x128xf32, #tpu.memory_space<vmem>>[vector<16xi32>, vector<16xi32>], vector<16xf32>,
      tpu.vector_store_idx %arg8[%broadcast_in_dim3A_640, %add3A_644, %broadcast_in_dim3A_638], %gather3A_651 : memref<2x64x256xf32, #tpu.memory_space<vmem>>[vector<16xi32>, vector<16xi32>, vector<16xi32>], vector<16xf32>,
      %iota3A_652 = tpu.iota {dimensions = array<i32: 0>} : vector<16xi32>
      %add3A_653 = arith.constant 16 : i32
      %add3A_654 = vector.broadcast %add3A_653 : i32 to vector<16xi32>
      %add3A_655 = arith.addi %iota3A_652, %add3A_654 : vector<16xi32>
      %gather3A_656 = arith.constant 0 : i32
      %gather3A_657 = arith.constant 1 : i32
      %gather3A_658 = arith.constant 0 : i32
      %gather3A_659 = arith.constant 0 : i32
      %gather3A_660 = tpu.memref_slice %arg7[%gather3A_656, %gather3A_657, %gather3A_658, %gather3A_659] : memref<2x4x64x128xf32, #tpu.memory_space<vmem>> -> memref<1x1x64x128xf32, #tpu.memory_space<vmem>>
      %gather3A_661 = tpu.memref_squeeze %gather3A_660 : memref<1x1x64x128xf32, #tpu.memory_space<vmem>> -> memref<64x128xf32, #tpu.memory_space<vmem>>
      %gather3A_662 = tpu.vector_load_idx %gather3A_661[%add3A_655, %broadcast_in_dim3A_635] : memref<64x128xf32, #tpu.memory_space<vmem>>[vector<16xi32>, vector<16xi32>], vector<16xf32>,
      tpu.vector_store_idx %arg8[%broadcast_in_dim3A_640, %add3A_655, %broadcast_in_dim3A_638], %gather3A_662 : memref<2x64x256xf32, #tpu.memory_space<vmem>>[vector<16xi32>, vector<16xi32>, vector<16xi32>], vector<16xf32>,
      %iota3A_663 = tpu.iota {dimensions = array<i32: 0>} : vector<16xi32>
      %add3A_664 = arith.constant 32 : i32
      %add3A_665 = vector.broadcast %add3A_664 : i32 to vector<16xi32>
      %add3A_666 = arith.addi %iota3A_663, %add3A_665 : vector<16xi32>
      %gather3A_667 = arith.constant 0 : i32
      %gather3A_668 = arith.constant 1 : i32
      %gather3A_669 = arith.constant 0 : i32
      %gather3A_670 = arith.constant 0 : i32
      %gather3A_671 = tpu.memref_slice %arg7[%gather3A_667, %gather3A_668, %gather3A_669, %gather3A_670] : memref<2x4x64x128xf32, #tpu.memory_space<vmem>> -> memref<1x1x64x128xf32, #tpu.memory_space<vmem>>
      %gather3A_672 = tpu.memref_squeeze %gather3A_671 : memref<1x1x64x128xf32, #tpu.memory_space<vmem>> -> memref<64x128xf32, #tpu.memory_space<vmem>>
      %gather3A_673 = tpu.vector_load_idx %gather3A_672[%add3A_666, %broadcast_in_dim3A_635] : memref<64x128xf32, #tpu.memory_space<vmem>>[vector<16xi32>, vector<16xi32>], vector<16xf32>,
      tpu.vector_store_idx %arg8[%broadcast_in_dim3A_640, %add3A_666, %broadcast_in_dim3A_638], %gather3A_673 : memref<2x64x256xf32, #tpu.memory_space<vmem>>[vector<16xi32>, vector<16xi32>, vector<16xi32>], vector<16xf32>,
      %iota3A_674 = tpu.iota {dimensions = array<i32: 0>} : vector<16xi32>
      %add3A_675 = arith.constant 48 : i32
      %add3A_676 = vector.broadcast %add3A_675 : i32 to vector<16xi32>
      %add3A_677 = arith.addi %iota3A_674, %add3A_676 : vector<16xi32>
      %gather3A_678 = arith.constant 0 : i32
      %gather3A_679 = arith.constant 1 : i32
      %gather3A_680 = arith.constant 0 : i32
      %gather3A_681 = arith.constant 0 : i32
      %gather3A_682 = tpu.memref_slice %arg7[%gather3A_678, %gather3A_679, %gather3A_680, %gather3A_681] : memref<2x4x64x128xf32, #tpu.memory_space<vmem>> -> memref<1x1x64x128xf32, #tpu.memory_space<vmem>>
      %gather3A_683 = tpu.memref_squeeze %gather3A_682 : memref<1x1x64x128xf32, #tpu.memory_space<vmem>> -> memref<64x128xf32, #tpu.memory_space<vmem>>
      %gather3A_684 = tpu.vector_load_idx %gather3A_683[%add3A_677, %broadcast_in_dim3A_635] : memref<64x128xf32, #tpu.memory_space<vmem>>[vector<16xi32>, vector<16xi32>], vector<16xf32>,
      tpu.vector_store_idx %arg8[%broadcast_in_dim3A_640, %add3A_677, %broadcast_in_dim3A_638], %gather3A_684 : memref<2x64x256xf32, #tpu.memory_space<vmem>>[vector<16xi32>, vector<16xi32>, vector<16xi32>], vector<16xf32>,
      %add3A_685 = arith.constant 4 : i32
      %add3A_686 = arith.addi %add3A_606, %add3A_685 : i32
      %add3A_687 = arith.constant 0 : i32
      %add3A_688 = arith.addi %add3A_687, %add3A_686 : i32
      %get3A_689 = arith.index_cast %add3A_688 : i32 to index
      %get3A_690 = tpu.vector_load %arg6[%get3A_689] {strides = array<i32>} : memref<1072xi32, #tpu.memory_space<vmem>>, vector<16xi32>,
      %slice3A_691 = vector.extract_strided_slice %get3A_690 {offsets = [0], sizes = [1], strides = [1]} : vector<16xi32> to vector<1xi32>
      %squeeze3A_692 = vector.extract %slice3A_691[0] : i32 from vector<1xi32>
      %shift_right_arithmetic3A_693 = arith.constant 7 : i32
      %shift_right_arithmetic3A_694 = arith.shrsi %squeeze3A_692, %shift_right_arithmetic3A_693 : i32
      %shift_left3A_695 = arith.constant 7 : i32
      %shift_left3A_696 = arith.shli %shift_right_arithmetic3A_694, %shift_left3A_695 : i32
      %multiple_of3A_697 = tpu.assume_multiple %shift_left3A_696, 128 : i32
      %dma_start3A_698 = arith.constant 0 : i32
      %dma_start3A_699 = arith.constant 1 : i32
      %dma_start3A_700 = arith.constant 0 : i32
      %dma_start3A_701 = arith.constant 1 : i32
      %dma_start3A_702 = arith.constant 0 : i32
      %dma_start3A_703 = arith.constant 0 : i32
      %dma_start3A_704 = tpu.memref_slice %arg7[%dma_start3A_698, %dma_start3A_699, %dma_start3A_702, %dma_start3A_703] : memref<2x4x64x128xf32, #tpu.memory_space<vmem>> -> memref<1x1x64x128xf32, #tpu.memory_space<vmem>>
      %dma_start3A_705 = tpu.memref_squeeze %dma_start3A_704 : memref<1x1x64x128xf32, #tpu.memory_space<vmem>> -> memref<64x128xf32, #tpu.memory_space<vmem>>
      %dma_start3A_706 = arith.constant 0 : i32
      %dma_start3A_707 = tpu.memref_slice %arg3[%dma_start3A_706, %multiple_of3A_697] : memref<64x1000000xf32, #tpu.memory_space<hbm>> -> memref<64x128xf32, #tpu.memory_space<hbm>>
      %dma_start3A_708 = tpu.memref_slice %arg9[%dma_start3A_700, %dma_start3A_701] : memref<2x4x!tpu.dma_semaphore, #tpu.memory_space<semaphore_mem>> -> memref<1x1x!tpu.dma_semaphore, #tpu.memory_space<semaphore_mem>>
      %dma_start3A_709 = tpu.memref_squeeze %dma_start3A_708 : memref<1x1x!tpu.dma_semaphore, #tpu.memory_space<semaphore_mem>> -> memref<!tpu.dma_semaphore, #tpu.memory_space<semaphore_mem>>
      %dma_start3A_710 = arith.constant 0 : i32
      %dma_start3A_711 = arith.constant 0 : i32
      %dma_start3A_712 = tpu.memref_slice %arg7[%dma_start3A_698, %dma_start3A_699, %dma_start3A_710, %dma_start3A_711] : memref<2x4x64x128xf32, #tpu.memory_space<vmem>> -> memref<1x1x64x128xf32, #tpu.memory_space<vmem>>
      %dma_start3A_713 = tpu.memref_squeeze %dma_start3A_712 : memref<1x1x64x128xf32, #tpu.memory_space<vmem>> -> memref<64x128xf32, #tpu.memory_space<vmem>>
      %dma_start3A_714 = arith.constant 0 : i32
      %dma_start3A_715 = tpu.memref_slice %arg3[%dma_start3A_714, %multiple_of3A_697] : memref<64x1000000xf32, #tpu.memory_space<hbm>> -> memref<64x128xf32, #tpu.memory_space<hbm>>
      tpu.enqueue_dma source(%dma_start3A_715 : memref<64x128xf32, #tpu.memory_space<hbm>>) target(%dma_start3A_713 : memref<64x128xf32, #tpu.memory_space<vmem>>) target_semaphore(%dma_start3A_709 : memref<!tpu.dma_semaphore, #tpu.memory_space<semaphore_mem>>)
      %dma_wait3A_716 = arith.constant 1 : i32
      %dma_wait3A_717 = arith.constant 1 : i32
      %dma_wait3A_718 = arith.constant 1 : i32
      %dma_wait3A_719 = arith.constant 1 : i32
      %dma_wait3A_720 = arith.constant 0 : i32
      %dma_wait3A_721 = arith.constant 0 : i32
      %dma_wait3A_722 = tpu.memref_slice %arg7[%dma_wait3A_716, %dma_wait3A_717, %dma_wait3A_720, %dma_wait3A_721] : memref<2x4x64x128xf32, #tpu.memory_space<vmem>> -> memref<1x1x64x128xf32, #tpu.memory_space<vmem>>
      %dma_wait3A_723 = tpu.memref_squeeze %dma_wait3A_722 : memref<1x1x64x128xf32, #tpu.memory_space<vmem>> -> memref<64x128xf32, #tpu.memory_space<vmem>>
      %dma_wait3A_724 = arith.constant 0 : i32
      %dma_wait3A_725 = arith.constant 0 : i32
      %dma_wait3A_726 = tpu.memref_slice %arg4[%dma_wait3A_724, %dma_wait3A_725] : memref<64x1000001xf32, #tpu.memory_space<hbm>> -> memref<64x128xf32, #tpu.memory_space<hbm>>
      %dma_wait3A_727 = tpu.memref_slice %arg9[%dma_wait3A_718, %dma_wait3A_719] : memref<2x4x!tpu.dma_semaphore, #tpu.memory_space<semaphore_mem>> -> memref<1x1x!tpu.dma_semaphore, #tpu.memory_space<semaphore_mem>>
      %dma_wait3A_728 = tpu.memref_squeeze %dma_wait3A_727 : memref<1x1x!tpu.dma_semaphore, #tpu.memory_space<semaphore_mem>> -> memref<!tpu.dma_semaphore, #tpu.memory_space<semaphore_mem>>
      %dma_wait3A_729 = arith.constant 0 : i32
      %dma_wait3A_730 = arith.constant 0 : i32
      %dma_wait3A_731 = tpu.memref_slice %arg7[%dma_wait3A_716, %dma_wait3A_717, %dma_wait3A_729, %dma_wait3A_730] : memref<2x4x64x128xf32, #tpu.memory_space<vmem>> -> memref<1x1x64x128xf32, #tpu.memory_space<vmem>>
      %dma_wait3A_732 = tpu.memref_squeeze %dma_wait3A_731 : memref<1x1x64x128xf32, #tpu.memory_space<vmem>> -> memref<64x128xf32, #tpu.memory_space<vmem>>
      %dma_wait3A_733 = arith.constant 0 : i32
      %dma_wait3A_734 = arith.constant 0 : i32
      %dma_wait3A_735 = tpu.memref_slice %arg4[%dma_wait3A_733, %dma_wait3A_734] : memref<64x1000001xf32, #tpu.memory_space<hbm>> -> memref<64x128xf32, #tpu.memory_space<hbm>>
      tpu.wait_dma2 semaphore(%dma_wait3A_728 : memref<!tpu.dma_semaphore, #tpu.memory_space<semaphore_mem>>) src(%dma_wait3A_735 : memref<64x128xf32, #tpu.memory_space<hbm>>) dst(%dma_wait3A_732 : memref<64x128xf32, #tpu.memory_space<vmem>>)
      %add3A_736 = arith.constant 512 : i32
      %add3A_737 = arith.addi %add3A_736, %add3A_606 : i32
      %get3A_738 = arith.index_cast %add3A_737 : i32 to index
      %get3A_739 = tpu.vector_load %arg6[%get3A_738] {strides = array<i32>} : memref<1072xi32, #tpu.memory_space<vmem>>, vector<16xi32>,
      %slice3A_740 = vector.extract_strided_slice %get3A_739 {offsets = [0], sizes = [1], strides = [1]} : vector<16xi32> to vector<1xi32>
      %squeeze3A_741 = vector.extract %slice3A_740[0] : i32 from vector<1xi32>
      %and3A_742 = arith.constant 127 : i32
      %and3A_743 = arith.andi %squeeze3A_741, %and3A_742 : i32
      %broadcast_in_dim3A_744 = vector.broadcast %and3A_743 : i32 to vector<16xi32>
      %and3A_745 = arith.constant 255 : i32
      %and3A_746 = arith.andi %add3A_606, %and3A_745 : i32
      %broadcast_in_dim3A_747 = vector.broadcast %and3A_746 : i32 to vector<16xi32>
      %broadcast_in_dim3A_748 = arith.constant 1 : i32
      %broadcast_in_dim3A_749 = vector.broadcast %broadcast_in_dim3A_748 : i32 to vector<16xi32>
      %iota3A_750 = tpu.iota {dimensions = array<i32: 0>} : vector<16xi32>
      %add3A_751 = arith.constant 0 : i32
      %add3A_752 = vector.broadcast %add3A_751 : i32 to vector<16xi32>
      %add3A_753 = arith.addi %iota3A_750, %add3A_752 : vector<16xi32>
      %gather3A_754 = arith.constant 1 : i32
      %gather3A_755 = arith.constant 1 : i32
      %gather3A_756 = arith.constant 0 : i32
      %gather3A_757 = arith.constant 0 : i32
      %gather3A_758 = tpu.memref_slice %arg7[%gather3A_754, %gather3A_755, %gather3A_756, %gather3A_757] : memref<2x4x64x128xf32, #tpu.memory_space<vmem>> -> memref<1x1x64x128xf32, #tpu.memory_space<vmem>>
      %gather3A_759 = tpu.memref_squeeze %gather3A_758 : memref<1x1x64x128xf32, #tpu.memory_space<vmem>> -> memref<64x128xf32, #tpu.memory_space<vmem>>
      %gather3A_760 = tpu.vector_load_idx %gather3A_759[%add3A_753, %broadcast_in_dim3A_744] : memref<64x128xf32, #tpu.memory_space<vmem>>[vector<16xi32>, vector<16xi32>], vector<16xf32>,
      tpu.vector_store_idx %arg8[%broadcast_in_dim3A_749, %add3A_753, %broadcast_in_dim3A_747], %gather3A_760 : memref<2x64x256xf32, #tpu.memory_space<vmem>>[vector<16xi32>, vector<16xi32>, vector<16xi32>], vector<16xf32>,
      %iota3A_761 = tpu.iota {dimensions = array<i32: 0>} : vector<16xi32>
      %add3A_762 = arith.constant 16 : i32
      %add3A_763 = vector.broadcast %add3A_762 : i32 to vector<16xi32>
      %add3A_764 = arith.addi %iota3A_761, %add3A_763 : vector<16xi32>
      %gather3A_765 = arith.constant 1 : i32
      %gather3A_766 = arith.constant 1 : i32
      %gather3A_767 = arith.constant 0 : i32
      %gather3A_768 = arith.constant 0 : i32
      %gather3A_769 = tpu.memref_slice %arg7[%gather3A_765, %gather3A_766, %gather3A_767, %gather3A_768] : memref<2x4x64x128xf32, #tpu.memory_space<vmem>> -> memref<1x1x64x128xf32, #tpu.memory_space<vmem>>
      %gather3A_770 = tpu.memref_squeeze %gather3A_769 : memref<1x1x64x128xf32, #tpu.memory_space<vmem>> -> memref<64x128xf32, #tpu.memory_space<vmem>>
      %gather3A_771 = tpu.vector_load_idx %gather3A_770[%add3A_764, %broadcast_in_dim3A_744] : memref<64x128xf32, #tpu.memory_space<vmem>>[vector<16xi32>, vector<16xi32>], vector<16xf32>,
      tpu.vector_store_idx %arg8[%broadcast_in_dim3A_749, %add3A_764, %broadcast_in_dim3A_747], %gather3A_771 : memref<2x64x256xf32, #tpu.memory_space<vmem>>[vector<16xi32>, vector<16xi32>, vector<16xi32>], vector<16xf32>,
      %iota3A_772 = tpu.iota {dimensions = array<i32: 0>} : vector<16xi32>
      %add3A_773 = arith.constant 32 : i32
      %add3A_774 = vector.broadcast %add3A_773 : i32 to vector<16xi32>
      %add3A_775 = arith.addi %iota3A_772, %add3A_774 : vector<16xi32>
      %gather3A_776 = arith.constant 1 : i32
      %gather3A_777 = arith.constant 1 : i32
      %gather3A_778 = arith.constant 0 : i32
      %gather3A_779 = arith.constant 0 : i32
      %gather3A_780 = tpu.memref_slice %arg7[%gather3A_776, %gather3A_777, %gather3A_778, %gather3A_779] : memref<2x4x64x128xf32, #tpu.memory_space<vmem>> -> memref<1x1x64x128xf32, #tpu.memory_space<vmem>>
      %gather3A_781 = tpu.memref_squeeze %gather3A_780 : memref<1x1x64x128xf32, #tpu.memory_space<vmem>> -> memref<64x128xf32, #tpu.memory_space<vmem>>
      %gather3A_782 = tpu.vector_load_idx %gather3A_781[%add3A_775, %broadcast_in_dim3A_744] : memref<64x128xf32, #tpu.memory_space<vmem>>[vector<16xi32>, vector<16xi32>], vector<16xf32>,
      tpu.vector_store_idx %arg8[%broadcast_in_dim3A_749, %add3A_775, %broadcast_in_dim3A_747], %gather3A_782 : memref<2x64x256xf32, #tpu.memory_space<vmem>>[vector<16xi32>, vector<16xi32>, vector<16xi32>], vector<16xf32>,
      %iota3A_783 = tpu.iota {dimensions = array<i32: 0>} : vector<16xi32>
      %add3A_784 = arith.constant 48 : i32
      %add3A_785 = vector.broadcast %add3A_784 : i32 to vector<16xi32>
      %add3A_786 = arith.addi %iota3A_783, %add3A_785 : vector<16xi32>
      %gather3A_787 = arith.constant 1 : i32
      %gather3A_788 = arith.constant 1 : i32
      %gather3A_789 = arith.constant 0 : i32
      %gather3A_790 = arith.constant 0 : i32
      %gather3A_791 = tpu.memref_slice %arg7[%gather3A_787, %gather3A_788, %gather3A_789, %gather3A_790] : memref<2x4x64x128xf32, #tpu.memory_space<vmem>> -> memref<1x1x64x128xf32, #tpu.memory_space<vmem>>
      %gather3A_792 = tpu.memref_squeeze %gather3A_791 : memref<1x1x64x128xf32, #tpu.memory_space<vmem>> -> memref<64x128xf32, #tpu.memory_space<vmem>>
      %gather3A_793 = tpu.vector_load_idx %gather3A_792[%add3A_786, %broadcast_in_dim3A_744] : memref<64x128xf32, #tpu.memory_space<vmem>>[vector<16xi32>, vector<16xi32>], vector<16xf32>,
      tpu.vector_store_idx %arg8[%broadcast_in_dim3A_749, %add3A_786, %broadcast_in_dim3A_747], %gather3A_793 : memref<2x64x256xf32, #tpu.memory_space<vmem>>[vector<16xi32>, vector<16xi32>, vector<16xi32>], vector<16xf32>,
      %add3A_794 = arith.constant 4 : i32
      %add3A_795 = arith.addi %add3A_606, %add3A_794 : i32
      %add3A_796 = arith.constant 512 : i32
      %add3A_797 = arith.addi %add3A_796, %add3A_795 : i32
      %get3A_798 = arith.index_cast %add3A_797 : i32 to index
      %get3A_799 = tpu.vector_load %arg6[%get3A_798] {strides = array<i32>} : memref<1072xi32, #tpu.memory_space<vmem>>, vector<16xi32>,
      %slice3A_800 = vector.extract_strided_slice %get3A_799 {offsets = [0], sizes = [1], strides = [1]} : vector<16xi32> to vector<1xi32>
      %squeeze3A_801 = vector.extract %slice3A_800[0] : i32 from vector<1xi32>
      %shift_right_arithmetic3A_802 = arith.constant 7 : i32
      %shift_right_arithmetic3A_803 = arith.shrsi %squeeze3A_801, %shift_right_arithmetic3A_802 : i32
      %shift_left3A_804 = arith.constant 7 : i32
      %shift_left3A_805 = arith.shli %shift_right_arithmetic3A_803, %shift_left3A_804 : i32
      %multiple_of3A_806 = tpu.assume_multiple %shift_left3A_805, 128 : i32
      %dma_start3A_807 = arith.constant 1 : i32
      %dma_start3A_808 = arith.constant 1 : i32
      %dma_start3A_809 = arith.constant 1 : i32
      %dma_start3A_810 = arith.constant 1 : i32
      %dma_start3A_811 = arith.constant 0 : i32
      %dma_start3A_812 = arith.constant 0 : i32
      %dma_start3A_813 = tpu.memref_slice %arg7[%dma_start3A_807, %dma_start3A_808, %dma_start3A_811, %dma_start3A_812] : memref<2x4x64x128xf32, #tpu.memory_space<vmem>> -> memref<1x1x64x128xf32, #tpu.memory_space<vmem>>
      %dma_start3A_814 = tpu.memref_squeeze %dma_start3A_813 : memref<1x1x64x128xf32, #tpu.memory_space<vmem>> -> memref<64x128xf32, #tpu.memory_space<vmem>>
      %dma_start3A_815 = arith.constant 0 : i32
      %dma_start3A_816 = tpu.memref_slice %arg4[%dma_start3A_815, %multiple_of3A_806] : memref<64x1000001xf32, #tpu.memory_space<hbm>> -> memref<64x128xf32, #tpu.memory_space<hbm>>
      %dma_start3A_817 = tpu.memref_slice %arg9[%dma_start3A_809, %dma_start3A_810] : memref<2x4x!tpu.dma_semaphore, #tpu.memory_space<semaphore_mem>> -> memref<1x1x!tpu.dma_semaphore, #tpu.memory_space<semaphore_mem>>
      %dma_start3A_818 = tpu.memref_squeeze %dma_start3A_817 : memref<1x1x!tpu.dma_semaphore, #tpu.memory_space<semaphore_mem>> -> memref<!tpu.dma_semaphore, #tpu.memory_space<semaphore_mem>>
      %dma_start3A_819 = arith.constant 0 : i32
      %dma_start3A_820 = arith.constant 0 : i32
      %dma_start3A_821 = tpu.memref_slice %arg7[%dma_start3A_807, %dma_start3A_808, %dma_start3A_819, %dma_start3A_820] : memref<2x4x64x128xf32, #tpu.memory_space<vmem>> -> memref<1x1x64x128xf32, #tpu.memory_space<vmem>>
      %dma_start3A_822 = tpu.memref_squeeze %dma_start3A_821 : memref<1x1x64x128xf32, #tpu.memory_space<vmem>> -> memref<64x128xf32, #tpu.memory_space<vmem>>
      %dma_start3A_823 = arith.constant 0 : i32
      %dma_start3A_824 = tpu.memref_slice %arg4[%dma_start3A_823, %multiple_of3A_806] : memref<64x1000001xf32, #tpu.memory_space<hbm>> -> memref<64x128xf32, #tpu.memory_space<hbm>>
      tpu.enqueue_dma source(%dma_start3A_824 : memref<64x128xf32, #tpu.memory_space<hbm>>) target(%dma_start3A_822 : memref<64x128xf32, #tpu.memory_space<vmem>>) target_semaphore(%dma_start3A_818 : memref<!tpu.dma_semaphore, #tpu.memory_space<semaphore_mem>>)
      %mul3A_825 = arith.constant 4 : i32
      %mul3A_826 = arith.muli %scan3A_384, %mul3A_825 : i32
      %add3A_827 = arith.constant 2 : i32
      %add3A_828 = arith.addi %mul3A_826, %add3A_827 : i32
      %dma_wait3A_829 = arith.constant 0 : i32
      %dma_wait3A_830 = arith.constant 2 : i32
      %dma_wait3A_831 = arith.constant 0 : i32
      %dma_wait3A_832 = arith.constant 2 : i32
      %dma_wait3A_833 = arith.constant 0 : i32
      %dma_wait3A_834 = arith.constant 0 : i32
      %dma_wait3A_835 = tpu.memref_slice %arg7[%dma_wait3A_829, %dma_wait3A_830, %dma_wait3A_833, %dma_wait3A_834] : memref<2x4x64x128xf32, #tpu.memory_space<vmem>> -> memref<1x1x64x128xf32, #tpu.memory_space<vmem>>
      %dma_wait3A_836 = tpu.memref_squeeze %dma_wait3A_835 : memref<1x1x64x128xf32, #tpu.memory_space<vmem>> -> memref<64x128xf32, #tpu.memory_space<vmem>>
      %dma_wait3A_837 = arith.constant 0 : i32
      %dma_wait3A_838 = arith.constant 0 : i32
      %dma_wait3A_839 = tpu.memref_slice %arg3[%dma_wait3A_837, %dma_wait3A_838] : memref<64x1000000xf32, #tpu.memory_space<hbm>> -> memref<64x128xf32, #tpu.memory_space<hbm>>
      %dma_wait3A_840 = tpu.memref_slice %arg9[%dma_wait3A_831, %dma_wait3A_832] : memref<2x4x!tpu.dma_semaphore, #tpu.memory_space<semaphore_mem>> -> memref<1x1x!tpu.dma_semaphore, #tpu.memory_space<semaphore_mem>>
      %dma_wait3A_841 = tpu.memref_squeeze %dma_wait3A_840 : memref<1x1x!tpu.dma_semaphore, #tpu.memory_space<semaphore_mem>> -> memref<!tpu.dma_semaphore, #tpu.memory_space<semaphore_mem>>
      %dma_wait3A_842 = arith.constant 0 : i32
      %dma_wait3A_843 = arith.constant 0 : i32
      %dma_wait3A_844 = tpu.memref_slice %arg7[%dma_wait3A_829, %dma_wait3A_830, %dma_wait3A_842, %dma_wait3A_843] : memref<2x4x64x128xf32, #tpu.memory_space<vmem>> -> memref<1x1x64x128xf32, #tpu.memory_space<vmem>>
      %dma_wait3A_845 = tpu.memref_squeeze %dma_wait3A_844 : memref<1x1x64x128xf32, #tpu.memory_space<vmem>> -> memref<64x128xf32, #tpu.memory_space<vmem>>
      %dma_wait3A_846 = arith.constant 0 : i32
      %dma_wait3A_847 = arith.constant 0 : i32
      %dma_wait3A_848 = tpu.memref_slice %arg3[%dma_wait3A_846, %dma_wait3A_847] : memref<64x1000000xf32, #tpu.memory_space<hbm>> -> memref<64x128xf32, #tpu.memory_space<hbm>>
      tpu.wait_dma2 semaphore(%dma_wait3A_841 : memref<!tpu.dma_semaphore, #tpu.memory_space<semaphore_mem>>) src(%dma_wait3A_848 : memref<64x128xf32, #tpu.memory_space<hbm>>) dst(%dma_wait3A_845 : memref<64x128xf32, #tpu.memory_space<vmem>>)
      %add3A_849 = arith.constant 0 : i32
      %add3A_850 = arith.addi %add3A_849, %add3A_828 : i32
      %get3A_851 = arith.index_cast %add3A_850 : i32 to index
      %get3A_852 = tpu.vector_load %arg6[%get3A_851] {strides = array<i32>} : memref<1072xi32, #tpu.memory_space<vmem>>, vector<16xi32>,
      %slice3A_853 = vector.extract_strided_slice %get3A_852 {offsets = [0], sizes = [1], strides = [1]} : vector<16xi32> to vector<1xi32>
      %squeeze3A_854 = vector.extract %slice3A_853[0] : i32 from vector<1xi32>
      %and3A_855 = arith.constant 127 : i32
      %and3A_856 = arith.andi %squeeze3A_854, %and3A_855 : i32
      %broadcast_in_dim3A_857 = vector.broadcast %and3A_856 : i32 to vector<16xi32>
      %and3A_858 = arith.constant 255 : i32
      %and3A_859 = arith.andi %add3A_828, %and3A_858 : i32
      %broadcast_in_dim3A_860 = vector.broadcast %and3A_859 : i32 to vector<16xi32>
      %broadcast_in_dim3A_861 = arith.constant 0 : i32
      %broadcast_in_dim3A_862 = vector.broadcast %broadcast_in_dim3A_861 : i32 to vector<16xi32>
      %iota3A_863 = tpu.iota {dimensions = array<i32: 0>} : vector<16xi32>
      %add3A_864 = arith.constant 0 : i32
      %add3A_865 = vector.broadcast %add3A_864 : i32 to vector<16xi32>
      %add3A_866 = arith.addi %iota3A_863, %add3A_865 : vector<16xi32>
      %gather3A_867 = arith.constant 0 : i32
      %gather3A_868 = arith.constant 2 : i32
      %gather3A_869 = arith.constant 0 : i32
      %gather3A_870 = arith.constant 0 : i32
      %gather3A_871 = tpu.memref_slice %arg7[%gather3A_867, %gather3A_868, %gather3A_869, %gather3A_870] : memref<2x4x64x128xf32, #tpu.memory_space<vmem>> -> memref<1x1x64x128xf32, #tpu.memory_space<vmem>>
      %gather3A_872 = tpu.memref_squeeze %gather3A_871 : memref<1x1x64x128xf32, #tpu.memory_space<vmem>> -> memref<64x128xf32, #tpu.memory_space<vmem>>
      %gather3A_873 = tpu.vector_load_idx %gather3A_872[%add3A_866, %broadcast_in_dim3A_857] : memref<64x128xf32, #tpu.memory_space<vmem>>[vector<16xi32>, vector<16xi32>], vector<16xf32>,
      tpu.vector_store_idx %arg8[%broadcast_in_dim3A_862, %add3A_866, %broadcast_in_dim3A_860], %gather3A_873 : memref<2x64x256xf32, #tpu.memory_space<vmem>>[vector<16xi32>, vector<16xi32>, vector<16xi32>], vector<16xf32>,
      %iota3A_874 = tpu.iota {dimensions = array<i32: 0>} : vector<16xi32>
      %add3A_875 = arith.constant 16 : i32
      %add3A_876 = vector.broadcast %add3A_875 : i32 to vector<16xi32>
      %add3A_877 = arith.addi %iota3A_874, %add3A_876 : vector<16xi32>
      %gather3A_878 = arith.constant 0 : i32
      %gather3A_879 = arith.constant 2 : i32
      %gather3A_880 = arith.constant 0 : i32
      %gather3A_881 = arith.constant 0 : i32
      %gather3A_882 = tpu.memref_slice %arg7[%gather3A_878, %gather3A_879, %gather3A_880, %gather3A_881] : memref<2x4x64x128xf32, #tpu.memory_space<vmem>> -> memref<1x1x64x128xf32, #tpu.memory_space<vmem>>
      %gather3A_883 = tpu.memref_squeeze %gather3A_882 : memref<1x1x64x128xf32, #tpu.memory_space<vmem>> -> memref<64x128xf32, #tpu.memory_space<vmem>>
      %gather3A_884 = tpu.vector_load_idx %gather3A_883[%add3A_877, %broadcast_in_dim3A_857] : memref<64x128xf32, #tpu.memory_space<vmem>>[vector<16xi32>, vector<16xi32>], vector<16xf32>,
      tpu.vector_store_idx %arg8[%broadcast_in_dim3A_862, %add3A_877, %broadcast_in_dim3A_860], %gather3A_884 : memref<2x64x256xf32, #tpu.memory_space<vmem>>[vector<16xi32>, vector<16xi32>, vector<16xi32>], vector<16xf32>,
      %iota3A_885 = tpu.iota {dimensions = array<i32: 0>} : vector<16xi32>
      %add3A_886 = arith.constant 32 : i32
      %add3A_887 = vector.broadcast %add3A_886 : i32 to vector<16xi32>
      %add3A_888 = arith.addi %iota3A_885, %add3A_887 : vector<16xi32>
      %gather3A_889 = arith.constant 0 : i32
      %gather3A_890 = arith.constant 2 : i32
      %gather3A_891 = arith.constant 0 : i32
      %gather3A_892 = arith.constant 0 : i32
      %gather3A_893 = tpu.memref_slice %arg7[%gather3A_889, %gather3A_890, %gather3A_891, %gather3A_892] : memref<2x4x64x128xf32, #tpu.memory_space<vmem>> -> memref<1x1x64x128xf32, #tpu.memory_space<vmem>>
      %gather3A_894 = tpu.memref_squeeze %gather3A_893 : memref<1x1x64x128xf32, #tpu.memory_space<vmem>> -> memref<64x128xf32, #tpu.memory_space<vmem>>
      %gather3A_895 = tpu.vector_load_idx %gather3A_894[%add3A_888, %broadcast_in_dim3A_857] : memref<64x128xf32, #tpu.memory_space<vmem>>[vector<16xi32>, vector<16xi32>], vector<16xf32>,
      tpu.vector_store_idx %arg8[%broadcast_in_dim3A_862, %add3A_888, %broadcast_in_dim3A_860], %gather3A_895 : memref<2x64x256xf32, #tpu.memory_space<vmem>>[vector<16xi32>, vector<16xi32>, vector<16xi32>], vector<16xf32>,
      %iota3A_896 = tpu.iota {dimensions = array<i32: 0>} : vector<16xi32>
      %add3A_897 = arith.constant 48 : i32
      %add3A_898 = vector.broadcast %add3A_897 : i32 to vector<16xi32>
      %add3A_899 = arith.addi %iota3A_896, %add3A_898 : vector<16xi32>
      %gather3A_900 = arith.constant 0 : i32
      %gather3A_901 = arith.constant 2 : i32
      %gather3A_902 = arith.constant 0 : i32
      %gather3A_903 = arith.constant 0 : i32
      %gather3A_904 = tpu.memref_slice %arg7[%gather3A_900, %gather3A_901, %gather3A_902, %gather3A_903] : memref<2x4x64x128xf32, #tpu.memory_space<vmem>> -> memref<1x1x64x128xf32, #tpu.memory_space<vmem>>
      %gather3A_905 = tpu.memref_squeeze %gather3A_904 : memref<1x1x64x128xf32, #tpu.memory_space<vmem>> -> memref<64x128xf32, #tpu.memory_space<vmem>>
      %gather3A_906 = tpu.vector_load_idx %gather3A_905[%add3A_899, %broadcast_in_dim3A_857] : memref<64x128xf32, #tpu.memory_space<vmem>>[vector<16xi32>, vector<16xi32>], vector<16xf32>,
      tpu.vector_store_idx %arg8[%broadcast_in_dim3A_862, %add3A_899, %broadcast_in_dim3A_860], %gather3A_906 : memref<2x64x256xf32, #tpu.memory_space<vmem>>[vector<16xi32>, vector<16xi32>, vector<16xi32>], vector<16xf32>,
      %add3A_907 = arith.constant 4 : i32
      %add3A_908 = arith.addi %add3A_828, %add3A_907 : i32
      %add3A_909 = arith.constant 0 : i32
      %add3A_910 = arith.addi %add3A_909, %add3A_908 : i32
      %get3A_911 = arith.index_cast %add3A_910 : i32 to index
      %get3A_912 = tpu.vector_load %arg6[%get3A_911] {strides = array<i32>} : memref<1072xi32, #tpu.memory_space<vmem>>, vector<16xi32>,
      %slice3A_913 = vector.extract_strided_slice %get3A_912 {offsets = [0], sizes = [1], strides = [1]} : vector<16xi32> to vector<1xi32>
      %squeeze3A_914 = vector.extract %slice3A_913[0] : i32 from vector<1xi32>
      %shift_right_arithmetic3A_915 = arith.constant 7 : i32
      %shift_right_arithmetic3A_916 = arith.shrsi %squeeze3A_914, %shift_right_arithmetic3A_915 : i32
      %shift_left3A_917 = arith.constant 7 : i32
      %shift_left3A_918 = arith.shli %shift_right_arithmetic3A_916, %shift_left3A_917 : i32
      %multiple_of3A_919 = tpu.assume_multiple %shift_left3A_918, 128 : i32
      %dma_start3A_920 = arith.constant 0 : i32
      %dma_start3A_921 = arith.constant 2 : i32
      %dma_start3A_922 = arith.constant 0 : i32
      %dma_start3A_923 = arith.constant 2 : i32
      %dma_start3A_924 = arith.constant 0 : i32
      %dma_start3A_925 = arith.constant 0 : i32
      %dma_start3A_926 = tpu.memref_slice %arg7[%dma_start3A_920, %dma_start3A_921, %dma_start3A_924, %dma_start3A_925] : memref<2x4x64x128xf32, #tpu.memory_space<vmem>> -> memref<1x1x64x128xf32, #tpu.memory_space<vmem>>
      %dma_start3A_927 = tpu.memref_squeeze %dma_start3A_926 : memref<1x1x64x128xf32, #tpu.memory_space<vmem>> -> memref<64x128xf32, #tpu.memory_space<vmem>>
      %dma_start3A_928 = arith.constant 0 : i32
      %dma_start3A_929 = tpu.memref_slice %arg3[%dma_start3A_928, %multiple_of3A_919] : memref<64x1000000xf32, #tpu.memory_space<hbm>> -> memref<64x128xf32, #tpu.memory_space<hbm>>
      %dma_start3A_930 = tpu.memref_slice %arg9[%dma_start3A_922, %dma_start3A_923] : memref<2x4x!tpu.dma_semaphore, #tpu.memory_space<semaphore_mem>> -> memref<1x1x!tpu.dma_semaphore, #tpu.memory_space<semaphore_mem>>
      %dma_start3A_931 = tpu.memref_squeeze %dma_start3A_930 : memref<1x1x!tpu.dma_semaphore, #tpu.memory_space<semaphore_mem>> -> memref<!tpu.dma_semaphore, #tpu.memory_space<semaphore_mem>>
      %dma_start3A_932 = arith.constant 0 : i32
      %dma_start3A_933 = arith.constant 0 : i32
      %dma_start3A_934 = tpu.memref_slice %arg7[%dma_start3A_920, %dma_start3A_921, %dma_start3A_932, %dma_start3A_933] : memref<2x4x64x128xf32, #tpu.memory_space<vmem>> -> memref<1x1x64x128xf32, #tpu.memory_space<vmem>>
      %dma_start3A_935 = tpu.memref_squeeze %dma_start3A_934 : memref<1x1x64x128xf32, #tpu.memory_space<vmem>> -> memref<64x128xf32, #tpu.memory_space<vmem>>
      %dma_start3A_936 = arith.constant 0 : i32
      %dma_start3A_937 = tpu.memref_slice %arg3[%dma_start3A_936, %multiple_of3A_919] : memref<64x1000000xf32, #tpu.memory_space<hbm>> -> memref<64x128xf32, #tpu.memory_space<hbm>>
      tpu.enqueue_dma source(%dma_start3A_937 : memref<64x128xf32, #tpu.memory_space<hbm>>) target(%dma_start3A_935 : memref<64x128xf32, #tpu.memory_space<vmem>>) target_semaphore(%dma_start3A_931 : memref<!tpu.dma_semaphore, #tpu.memory_space<semaphore_mem>>)
      %dma_wait3A_938 = arith.constant 1 : i32
      %dma_wait3A_939 = arith.constant 2 : i32
      %dma_wait3A_940 = arith.constant 1 : i32
      %dma_wait3A_941 = arith.constant 2 : i32
      %dma_wait3A_942 = arith.constant 0 : i32
      %dma_wait3A_943 = arith.constant 0 : i32
      %dma_wait3A_944 = tpu.memref_slice %arg7[%dma_wait3A_938, %dma_wait3A_939, %dma_wait3A_942, %dma_wait3A_943] : memref<2x4x64x128xf32, #tpu.memory_space<vmem>> -> memref<1x1x64x128xf32, #tpu.memory_space<vmem>>
      %dma_wait3A_945 = tpu.memref_squeeze %dma_wait3A_944 : memref<1x1x64x128xf32, #tpu.memory_space<vmem>> -> memref<64x128xf32, #tpu.memory_space<vmem>>
      %dma_wait3A_946 = arith.constant 0 : i32
      %dma_wait3A_947 = arith.constant 0 : i32
      %dma_wait3A_948 = tpu.memref_slice %arg4[%dma_wait3A_946, %dma_wait3A_947] : memref<64x1000001xf32, #tpu.memory_space<hbm>> -> memref<64x128xf32, #tpu.memory_space<hbm>>
      %dma_wait3A_949 = tpu.memref_slice %arg9[%dma_wait3A_940, %dma_wait3A_941] : memref<2x4x!tpu.dma_semaphore, #tpu.memory_space<semaphore_mem>> -> memref<1x1x!tpu.dma_semaphore, #tpu.memory_space<semaphore_mem>>
      %dma_wait3A_950 = tpu.memref_squeeze %dma_wait3A_949 : memref<1x1x!tpu.dma_semaphore, #tpu.memory_space<semaphore_mem>> -> memref<!tpu.dma_semaphore, #tpu.memory_space<semaphore_mem>>
      %dma_wait3A_951 = arith.constant 0 : i32
      %dma_wait3A_952 = arith.constant 0 : i32
      %dma_wait3A_953 = tpu.memref_slice %arg7[%dma_wait3A_938, %dma_wait3A_939, %dma_wait3A_951, %dma_wait3A_952] : memref<2x4x64x128xf32, #tpu.memory_space<vmem>> -> memref<1x1x64x128xf32, #tpu.memory_space<vmem>>
      %dma_wait3A_954 = tpu.memref_squeeze %dma_wait3A_953 : memref<1x1x64x128xf32, #tpu.memory_space<vmem>> -> memref<64x128xf32, #tpu.memory_space<vmem>>
      %dma_wait3A_955 = arith.constant 0 : i32
      %dma_wait3A_956 = arith.constant 0 : i32
      %dma_wait3A_957 = tpu.memref_slice %arg4[%dma_wait3A_955, %dma_wait3A_956] : memref<64x1000001xf32, #tpu.memory_space<hbm>> -> memref<64x128xf32, #tpu.memory_space<hbm>>
      tpu.wait_dma2 semaphore(%dma_wait3A_950 : memref<!tpu.dma_semaphore, #tpu.memory_space<semaphore_mem>>) src(%dma_wait3A_957 : memref<64x128xf32, #tpu.memory_space<hbm>>) dst(%dma_wait3A_954 : memref<64x128xf32, #tpu.memory_space<vmem>>)
      %add3A_958 = arith.constant 512 : i32
      %add3A_959 = arith.addi %add3A_958, %add3A_828 : i32
      %get3A_960 = arith.index_cast %add3A_959 : i32 to index
      %get3A_961 = tpu.vector_load %arg6[%get3A_960] {strides = array<i32>} : memref<1072xi32, #tpu.memory_space<vmem>>, vector<16xi32>,
      %slice3A_962 = vector.extract_strided_slice %get3A_961 {offsets = [0], sizes = [1], strides = [1]} : vector<16xi32> to vector<1xi32>
      %squeeze3A_963 = vector.extract %slice3A_962[0] : i32 from vector<1xi32>
      %and3A_964 = arith.constant 127 : i32
      %and3A_965 = arith.andi %squeeze3A_963, %and3A_964 : i32
      %broadcast_in_dim3A_966 = vector.broadcast %and3A_965 : i32 to vector<16xi32>
      %and3A_967 = arith.constant 255 : i32
      %and3A_968 = arith.andi %add3A_828, %and3A_967 : i32
      %broadcast_in_dim3A_969 = vector.broadcast %and3A_968 : i32 to vector<16xi32>
      %broadcast_in_dim3A_970 = arith.constant 1 : i32
      %broadcast_in_dim3A_971 = vector.broadcast %broadcast_in_dim3A_970 : i32 to vector<16xi32>
      %iota3A_972 = tpu.iota {dimensions = array<i32: 0>} : vector<16xi32>
      %add3A_973 = arith.constant 0 : i32
      %add3A_974 = vector.broadcast %add3A_973 : i32 to vector<16xi32>
      %add3A_975 = arith.addi %iota3A_972, %add3A_974 : vector<16xi32>
      %gather3A_976 = arith.constant 1 : i32
      %gather3A_977 = arith.constant 2 : i32
      %gather3A_978 = arith.constant 0 : i32
      %gather3A_979 = arith.constant 0 : i32
      %gather3A_980 = tpu.memref_slice %arg7[%gather3A_976, %gather3A_977, %gather3A_978, %gather3A_979] : memref<2x4x64x128xf32, #tpu.memory_space<vmem>> -> memref<1x1x64x128xf32, #tpu.memory_space<vmem>>
      %gather3A_981 = tpu.memref_squeeze %gather3A_980 : memref<1x1x64x128xf32, #tpu.memory_space<vmem>> -> memref<64x128xf32, #tpu.memory_space<vmem>>
      %gather3A_982 = tpu.vector_load_idx %gather3A_981[%add3A_975, %broadcast_in_dim3A_966] : memref<64x128xf32, #tpu.memory_space<vmem>>[vector<16xi32>, vector<16xi32>], vector<16xf32>,
      tpu.vector_store_idx %arg8[%broadcast_in_dim3A_971, %add3A_975, %broadcast_in_dim3A_969], %gather3A_982 : memref<2x64x256xf32, #tpu.memory_space<vmem>>[vector<16xi32>, vector<16xi32>, vector<16xi32>], vector<16xf32>,
      %iota3A_983 = tpu.iota {dimensions = array<i32: 0>} : vector<16xi32>
      %add3A_984 = arith.constant 16 : i32
      %add3A_985 = vector.broadcast %add3A_984 : i32 to vector<16xi32>
      %add3A_986 = arith.addi %iota3A_983, %add3A_985 : vector<16xi32>
      %gather3A_987 = arith.constant 1 : i32
      %gather3A_988 = arith.constant 2 : i32
      %gather3A_989 = arith.constant 0 : i32
      %gather3A_990 = arith.constant 0 : i32
      %gather3A_991 = tpu.memref_slice %arg7[%gather3A_987, %gather3A_988, %gather3A_989, %gather3A_990] : memref<2x4x64x128xf32, #tpu.memory_space<vmem>> -> memref<1x1x64x128xf32, #tpu.memory_space<vmem>>
      %gather3A_992 = tpu.memref_squeeze %gather3A_991 : memref<1x1x64x128xf32, #tpu.memory_space<vmem>> -> memref<64x128xf32, #tpu.memory_space<vmem>>
      %gather3A_993 = tpu.vector_load_idx %gather3A_992[%add3A_986, %broadcast_in_dim3A_966] : memref<64x128xf32, #tpu.memory_space<vmem>>[vector<16xi32>, vector<16xi32>], vector<16xf32>,
      tpu.vector_store_idx %arg8[%broadcast_in_dim3A_971, %add3A_986, %broadcast_in_dim3A_969], %gather3A_993 : memref<2x64x256xf32, #tpu.memory_space<vmem>>[vector<16xi32>, vector<16xi32>, vector<16xi32>], vector<16xf32>,
      %iota3A_994 = tpu.iota {dimensions = array<i32: 0>} : vector<16xi32>
      %add3A_995 = arith.constant 32 : i32
      %add3A_996 = vector.broadcast %add3A_995 : i32 to vector<16xi32>
      %add3A_997 = arith.addi %iota3A_994, %add3A_996 : vector<16xi32>
      %gather3A_998 = arith.constant 1 : i32
      %gather3A_999 = arith.constant 2 : i32
      %gather3A_1000 = arith.constant 0 : i32
      %gather3A_1001 = arith.constant 0 : i32
      %gather3A_1002 = tpu.memref_slice %arg7[%gather3A_998, %gather3A_999, %gather3A_1000, %gather3A_1001] : memref<2x4x64x128xf32, #tpu.memory_space<vmem>> -> memref<1x1x64x128xf32, #tpu.memory_space<vmem>>
      %gather3A_1003 = tpu.memref_squeeze %gather3A_1002 : memref<1x1x64x128xf32, #tpu.memory_space<vmem>> -> memref<64x128xf32, #tpu.memory_space<vmem>>
      %gather3A_1004 = tpu.vector_load_idx %gather3A_1003[%add3A_997, %broadcast_in_dim3A_966] : memref<64x128xf32, #tpu.memory_space<vmem>>[vector<16xi32>, vector<16xi32>], vector<16xf32>,
      tpu.vector_store_idx %arg8[%broadcast_in_dim3A_971, %add3A_997, %broadcast_in_dim3A_969], %gather3A_1004 : memref<2x64x256xf32, #tpu.memory_space<vmem>>[vector<16xi32>, vector<16xi32>, vector<16xi32>], vector<16xf32>,
      %iota3A_1005 = tpu.iota {dimensions = array<i32: 0>} : vector<16xi32>
      %add3A_1006 = arith.constant 48 : i32
      %add3A_1007 = vector.broadcast %add3A_1006 : i32 to vector<16xi32>
      %add3A_1008 = arith.addi %iota3A_1005, %add3A_1007 : vector<16xi32>
      %gather3A_1009 = arith.constant 1 : i32
      %gather3A_1010 = arith.constant 2 : i32
      %gather3A_1011 = arith.constant 0 : i32
      %gather3A_1012 = arith.constant 0 : i32
      %gather3A_1013 = tpu.memref_slice %arg7[%gather3A_1009, %gather3A_1010, %gather3A_1011, %gather3A_1012] : memref<2x4x64x128xf32, #tpu.memory_space<vmem>> -> memref<1x1x64x128xf32, #tpu.memory_space<vmem>>
      %gather3A_1014 = tpu.memref_squeeze %gather3A_1013 : memref<1x1x64x128xf32, #tpu.memory_space<vmem>> -> memref<64x128xf32, #tpu.memory_space<vmem>>
      %gather3A_1015 = tpu.vector_load_idx %gather3A_1014[%add3A_1008, %broadcast_in_dim3A_966] : memref<64x128xf32, #tpu.memory_space<vmem>>[vector<16xi32>, vector<16xi32>], vector<16xf32>,
      tpu.vector_store_idx %arg8[%broadcast_in_dim3A_971, %add3A_1008, %broadcast_in_dim3A_969], %gather3A_1015 : memref<2x64x256xf32, #tpu.memory_space<vmem>>[vector<16xi32>, vector<16xi32>, vector<16xi32>], vector<16xf32>,
      %add3A_1016 = arith.constant 4 : i32
      %add3A_1017 = arith.addi %add3A_828, %add3A_1016 : i32
      %add3A_1018 = arith.constant 512 : i32
      %add3A_1019 = arith.addi %add3A_1018, %add3A_1017 : i32
      %get3A_1020 = arith.index_cast %add3A_1019 : i32 to index
      %get3A_1021 = tpu.vector_load %arg6[%get3A_1020] {strides = array<i32>} : memref<1072xi32, #tpu.memory_space<vmem>>, vector<16xi32>,
      %slice3A_1022 = vector.extract_strided_slice %get3A_1021 {offsets = [0], sizes = [1], strides = [1]} : vector<16xi32> to vector<1xi32>
      %squeeze3A_1023 = vector.extract %slice3A_1022[0] : i32 from vector<1xi32>
      %shift_right_arithmetic3A_1024 = arith.constant 7 : i32
      %shift_right_arithmetic3A_1025 = arith.shrsi %squeeze3A_1023, %shift_right_arithmetic3A_1024 : i32
      %shift_left3A_1026 = arith.constant 7 : i32
      %shift_left3A_1027 = arith.shli %shift_right_arithmetic3A_1025, %shift_left3A_1026 : i32
      %multiple_of3A_1028 = tpu.assume_multiple %shift_left3A_1027, 128 : i32
      %dma_start3A_1029 = arith.constant 1 : i32
      %dma_start3A_1030 = arith.constant 2 : i32
      %dma_start3A_1031 = arith.constant 1 : i32
      %dma_start3A_1032 = arith.constant 2 : i32
      %dma_start3A_1033 = arith.constant 0 : i32
      %dma_start3A_1034 = arith.constant 0 : i32
      %dma_start3A_1035 = tpu.memref_slice %arg7[%dma_start3A_1029, %dma_start3A_1030, %dma_start3A_1033, %dma_start3A_1034] : memref<2x4x64x128xf32, #tpu.memory_space<vmem>> -> memref<1x1x64x128xf32, #tpu.memory_space<vmem>>
      %dma_start3A_1036 = tpu.memref_squeeze %dma_start3A_1035 : memref<1x1x64x128xf32, #tpu.memory_space<vmem>> -> memref<64x128xf32, #tpu.memory_space<vmem>>
      %dma_start3A_1037 = arith.constant 0 : i32
      %dma_start3A_1038 = tpu.memref_slice %arg4[%dma_start3A_1037, %multiple_of3A_1028] : memref<64x1000001xf32, #tpu.memory_space<hbm>> -> memref<64x128xf32, #tpu.memory_space<hbm>>
      %dma_start3A_1039 = tpu.memref_slice %arg9[%dma_start3A_1031, %dma_start3A_1032] : memref<2x4x!tpu.dma_semaphore, #tpu.memory_space<semaphore_mem>> -> memref<1x1x!tpu.dma_semaphore, #tpu.memory_space<semaphore_mem>>
      %dma_start3A_1040 = tpu.memref_squeeze %dma_start3A_1039 : memref<1x1x!tpu.dma_semaphore, #tpu.memory_space<semaphore_mem>> -> memref<!tpu.dma_semaphore, #tpu.memory_space<semaphore_mem>>
      %dma_start3A_1041 = arith.constant 0 : i32
      %dma_start3A_1042 = arith.constant 0 : i32
      %dma_start3A_1043 = tpu.memref_slice %arg7[%dma_start3A_1029, %dma_start3A_1030, %dma_start3A_1041, %dma_start3A_1042] : memref<2x4x64x128xf32, #tpu.memory_space<vmem>> -> memref<1x1x64x128xf32, #tpu.memory_space<vmem>>
      %dma_start3A_1044 = tpu.memref_squeeze %dma_start3A_1043 : memref<1x1x64x128xf32, #tpu.memory_space<vmem>> -> memref<64x128xf32, #tpu.memory_space<vmem>>
      %dma_start3A_1045 = arith.constant 0 : i32
      %dma_start3A_1046 = tpu.memref_slice %arg4[%dma_start3A_1045, %multiple_of3A_1028] : memref<64x1000001xf32, #tpu.memory_space<hbm>> -> memref<64x128xf32, #tpu.memory_space<hbm>>
      tpu.enqueue_dma source(%dma_start3A_1046 : memref<64x128xf32, #tpu.memory_space<hbm>>) target(%dma_start3A_1044 : memref<64x128xf32, #tpu.memory_space<vmem>>) target_semaphore(%dma_start3A_1040 : memref<!tpu.dma_semaphore, #tpu.memory_space<semaphore_mem>>)
      %mul3A_1047 = arith.constant 4 : i32
      %mul3A_1048 = arith.muli %scan3A_384, %mul3A_1047 : i32
      %add3A_1049 = arith.constant 3 : i32
      %add3A_1050 = arith.addi %mul3A_1048, %add3A_1049 : i32
      %dma_wait3A_1051 = arith.constant 0 : i32
      %dma_wait3A_1052 = arith.constant 3 : i32
      %dma_wait3A_1053 = arith.constant 0 : i32
      %dma_wait3A_1054 = arith.constant 3 : i32
      %dma_wait3A_1055 = arith.constant 0 : i32
      %dma_wait3A_1056 = arith.constant 0 : i32
      %dma_wait3A_1057 = tpu.memref_slice %arg7[%dma_wait3A_1051, %dma_wait3A_1052, %dma_wait3A_1055, %dma_wait3A_1056] : memref<2x4x64x128xf32, #tpu.memory_space<vmem>> -> memref<1x1x64x128xf32, #tpu.memory_space<vmem>>
      %dma_wait3A_1058 = tpu.memref_squeeze %dma_wait3A_1057 : memref<1x1x64x128xf32, #tpu.memory_space<vmem>> -> memref<64x128xf32, #tpu.memory_space<vmem>>
      %dma_wait3A_1059 = arith.constant 0 : i32
      %dma_wait3A_1060 = arith.constant 0 : i32
      %dma_wait3A_1061 = tpu.memref_slice %arg3[%dma_wait3A_1059, %dma_wait3A_1060] : memref<64x1000000xf32, #tpu.memory_space<hbm>> -> memref<64x128xf32, #tpu.memory_space<hbm>>
      %dma_wait3A_1062 = tpu.memref_slice %arg9[%dma_wait3A_1053, %dma_wait3A_1054] : memref<2x4x!tpu.dma_semaphore, #tpu.memory_space<semaphore_mem>> -> memref<1x1x!tpu.dma_semaphore, #tpu.memory_space<semaphore_mem>>
      %dma_wait3A_1063 = tpu.memref_squeeze %dma_wait3A_1062 : memref<1x1x!tpu.dma_semaphore, #tpu.memory_space<semaphore_mem>> -> memref<!tpu.dma_semaphore, #tpu.memory_space<semaphore_mem>>
      %dma_wait3A_1064 = arith.constant 0 : i32
      %dma_wait3A_1065 = arith.constant 0 : i32
      %dma_wait3A_1066 = tpu.memref_slice %arg7[%dma_wait3A_1051, %dma_wait3A_1052, %dma_wait3A_1064, %dma_wait3A_1065] : memref<2x4x64x128xf32, #tpu.memory_space<vmem>> -> memref<1x1x64x128xf32, #tpu.memory_space<vmem>>
      %dma_wait3A_1067 = tpu.memref_squeeze %dma_wait3A_1066 : memref<1x1x64x128xf32, #tpu.memory_space<vmem>> -> memref<64x128xf32, #tpu.memory_space<vmem>>
      %dma_wait3A_1068 = arith.constant 0 : i32
      %dma_wait3A_1069 = arith.constant 0 : i32
      %dma_wait3A_1070 = tpu.memref_slice %arg3[%dma_wait3A_1068, %dma_wait3A_1069] : memref<64x1000000xf32, #tpu.memory_space<hbm>> -> memref<64x128xf32, #tpu.memory_space<hbm>>
      tpu.wait_dma2 semaphore(%dma_wait3A_1063 : memref<!tpu.dma_semaphore, #tpu.memory_space<semaphore_mem>>) src(%dma_wait3A_1070 : memref<64x128xf32, #tpu.memory_space<hbm>>) dst(%dma_wait3A_1067 : memref<64x128xf32, #tpu.memory_space<vmem>>)
      %add3A_1071 = arith.constant 0 : i32
      %add3A_1072 = arith.addi %add3A_1071, %add3A_1050 : i32
      %get3A_1073 = arith.index_cast %add3A_1072 : i32 to index
      %get3A_1074 = tpu.vector_load %arg6[%get3A_1073] {strides = array<i32>} : memref<1072xi32, #tpu.memory_space<vmem>>, vector<16xi32>,
      %slice3A_1075 = vector.extract_strided_slice %get3A_1074 {offsets = [0], sizes = [1], strides = [1]} : vector<16xi32> to vector<1xi32>
      %squeeze3A_1076 = vector.extract %slice3A_1075[0] : i32 from vector<1xi32>
      %and3A_1077 = arith.constant 127 : i32
      %and3A_1078 = arith.andi %squeeze3A_1076, %and3A_1077 : i32
      %broadcast_in_dim3A_1079 = vector.broadcast %and3A_1078 : i32 to vector<16xi32>
      %and3A_1080 = arith.constant 255 : i32
      %and3A_1081 = arith.andi %add3A_1050, %and3A_1080 : i32
      %broadcast_in_dim3A_1082 = vector.broadcast %and3A_1081 : i32 to vector<16xi32>
      %broadcast_in_dim3A_1083 = arith.constant 0 : i32
      %broadcast_in_dim3A_1084 = vector.broadcast %broadcast_in_dim3A_1083 : i32 to vector<16xi32>
      %iota3A_1085 = tpu.iota {dimensions = array<i32: 0>} : vector<16xi32>
      %add3A_1086 = arith.constant 0 : i32
      %add3A_1087 = vector.broadcast %add3A_1086 : i32 to vector<16xi32>
      %add3A_1088 = arith.addi %iota3A_1085, %add3A_1087 : vector<16xi32>
      %gather3A_1089 = arith.constant 0 : i32
      %gather3A_1090 = arith.constant 3 : i32
      %gather3A_1091 = arith.constant 0 : i32
      %gather3A_1092 = arith.constant 0 : i32
      %gather3A_1093 = tpu.memref_slice %arg7[%gather3A_1089, %gather3A_1090, %gather3A_1091, %gather3A_1092] : memref<2x4x64x128xf32, #tpu.memory_space<vmem>> -> memref<1x1x64x128xf32, #tpu.memory_space<vmem>>
      %gather3A_1094 = tpu.memref_squeeze %gather3A_1093 : memref<1x1x64x128xf32, #tpu.memory_space<vmem>> -> memref<64x128xf32, #tpu.memory_space<vmem>>
      %gather3A_1095 = tpu.vector_load_idx %gather3A_1094[%add3A_1088, %broadcast_in_dim3A_1079] : memref<64x128xf32, #tpu.memory_space<vmem>>[vector<16xi32>, vector<16xi32>], vector<16xf32>,
      tpu.vector_store_idx %arg8[%broadcast_in_dim3A_1084, %add3A_1088, %broadcast_in_dim3A_1082], %gather3A_1095 : memref<2x64x256xf32, #tpu.memory_space<vmem>>[vector<16xi32>, vector<16xi32>, vector<16xi32>], vector<16xf32>,
      %iota3A_1096 = tpu.iota {dimensions = array<i32: 0>} : vector<16xi32>
      %add3A_1097 = arith.constant 16 : i32
      %add3A_1098 = vector.broadcast %add3A_1097 : i32 to vector<16xi32>
      %add3A_1099 = arith.addi %iota3A_1096, %add3A_1098 : vector<16xi32>
      %gather3A_1100 = arith.constant 0 : i32
      %gather3A_1101 = arith.constant 3 : i32
      %gather3A_1102 = arith.constant 0 : i32
      %gather3A_1103 = arith.constant 0 : i32
      %gather3A_1104 = tpu.memref_slice %arg7[%gather3A_1100, %gather3A_1101, %gather3A_1102, %gather3A_1103] : memref<2x4x64x128xf32, #tpu.memory_space<vmem>> -> memref<1x1x64x128xf32, #tpu.memory_space<vmem>>
      %gather3A_1105 = tpu.memref_squeeze %gather3A_1104 : memref<1x1x64x128xf32, #tpu.memory_space<vmem>> -> memref<64x128xf32, #tpu.memory_space<vmem>>
      %gather3A_1106 = tpu.vector_load_idx %gather3A_1105[%add3A_1099, %broadcast_in_dim3A_1079] : memref<64x128xf32, #tpu.memory_space<vmem>>[vector<16xi32>, vector<16xi32>], vector<16xf32>,
      tpu.vector_store_idx %arg8[%broadcast_in_dim3A_1084, %add3A_1099, %broadcast_in_dim3A_1082], %gather3A_1106 : memref<2x64x256xf32, #tpu.memory_space<vmem>>[vector<16xi32>, vector<16xi32>, vector<16xi32>], vector<16xf32>,
      %iota3A_1107 = tpu.iota {dimensions = array<i32: 0>} : vector<16xi32>
      %add3A_1108 = arith.constant 32 : i32
      %add3A_1109 = vector.broadcast %add3A_1108 : i32 to vector<16xi32>
      %add3A_1110 = arith.addi %iota3A_1107, %add3A_1109 : vector<16xi32>
      %gather3A_1111 = arith.constant 0 : i32
      %gather3A_1112 = arith.constant 3 : i32
      %gather3A_1113 = arith.constant 0 : i32
      %gather3A_1114 = arith.constant 0 : i32
      %gather3A_1115 = tpu.memref_slice %arg7[%gather3A_1111, %gather3A_1112, %gather3A_1113, %gather3A_1114] : memref<2x4x64x128xf32, #tpu.memory_space<vmem>> -> memref<1x1x64x128xf32, #tpu.memory_space<vmem>>
      %gather3A_1116 = tpu.memref_squeeze %gather3A_1115 : memref<1x1x64x128xf32, #tpu.memory_space<vmem>> -> memref<64x128xf32, #tpu.memory_space<vmem>>
      %gather3A_1117 = tpu.vector_load_idx %gather3A_1116[%add3A_1110, %broadcast_in_dim3A_1079] : memref<64x128xf32, #tpu.memory_space<vmem>>[vector<16xi32>, vector<16xi32>], vector<16xf32>,
      tpu.vector_store_idx %arg8[%broadcast_in_dim3A_1084, %add3A_1110, %broadcast_in_dim3A_1082], %gather3A_1117 : memref<2x64x256xf32, #tpu.memory_space<vmem>>[vector<16xi32>, vector<16xi32>, vector<16xi32>], vector<16xf32>,
      %iota3A_1118 = tpu.iota {dimensions = array<i32: 0>} : vector<16xi32>
      %add3A_1119 = arith.constant 48 : i32
      %add3A_1120 = vector.broadcast %add3A_1119 : i32 to vector<16xi32>
      %add3A_1121 = arith.addi %iota3A_1118, %add3A_1120 : vector<16xi32>
      %gather3A_1122 = arith.constant 0 : i32
      %gather3A_1123 = arith.constant 3 : i32
      %gather3A_1124 = arith.constant 0 : i32
      %gather3A_1125 = arith.constant 0 : i32
      %gather3A_1126 = tpu.memref_slice %arg7[%gather3A_1122, %gather3A_1123, %gather3A_1124, %gather3A_1125] : memref<2x4x64x128xf32, #tpu.memory_space<vmem>> -> memref<1x1x64x128xf32, #tpu.memory_space<vmem>>
      %gather3A_1127 = tpu.memref_squeeze %gather3A_1126 : memref<1x1x64x128xf32, #tpu.memory_space<vmem>> -> memref<64x128xf32, #tpu.memory_space<vmem>>
      %gather3A_1128 = tpu.vector_load_idx %gather3A_1127[%add3A_1121, %broadcast_in_dim3A_1079] : memref<64x128xf32, #tpu.memory_space<vmem>>[vector<16xi32>, vector<16xi32>], vector<16xf32>,
      tpu.vector_store_idx %arg8[%broadcast_in_dim3A_1084, %add3A_1121, %broadcast_in_dim3A_1082], %gather3A_1128 : memref<2x64x256xf32, #tpu.memory_space<vmem>>[vector<16xi32>, vector<16xi32>, vector<16xi32>], vector<16xf32>,
      %add3A_1129 = arith.constant 4 : i32
      %add3A_1130 = arith.addi %add3A_1050, %add3A_1129 : i32
      %add3A_1131 = arith.constant 0 : i32
      %add3A_1132 = arith.addi %add3A_1131, %add3A_1130 : i32
      %get3A_1133 = arith.index_cast %add3A_1132 : i32 to index
      %get3A_1134 = tpu.vector_load %arg6[%get3A_1133] {strides = array<i32>} : memref<1072xi32, #tpu.memory_space<vmem>>, vector<16xi32>,
      %slice3A_1135 = vector.extract_strided_slice %get3A_1134 {offsets = [0], sizes = [1], strides = [1]} : vector<16xi32> to vector<1xi32>
      %squeeze3A_1136 = vector.extract %slice3A_1135[0] : i32 from vector<1xi32>
      %shift_right_arithmetic3A_1137 = arith.constant 7 : i32
      %shift_right_arithmetic3A_1138 = arith.shrsi %squeeze3A_1136, %shift_right_arithmetic3A_1137 : i32
      %shift_left3A_1139 = arith.constant 7 : i32
      %shift_left3A_1140 = arith.shli %shift_right_arithmetic3A_1138, %shift_left3A_1139 : i32
      %multiple_of3A_1141 = tpu.assume_multiple %shift_left3A_1140, 128 : i32
      %dma_start3A_1142 = arith.constant 0 : i32
      %dma_start3A_1143 = arith.constant 3 : i32
      %dma_start3A_1144 = arith.constant 0 : i32
      %dma_start3A_1145 = arith.constant 3 : i32
      %dma_start3A_1146 = arith.constant 0 : i32
      %dma_start3A_1147 = arith.constant 0 : i32
      %dma_start3A_1148 = tpu.memref_slice %arg7[%dma_start3A_1142, %dma_start3A_1143, %dma_start3A_1146, %dma_start3A_1147] : memref<2x4x64x128xf32, #tpu.memory_space<vmem>> -> memref<1x1x64x128xf32, #tpu.memory_space<vmem>>
      %dma_start3A_1149 = tpu.memref_squeeze %dma_start3A_1148 : memref<1x1x64x128xf32, #tpu.memory_space<vmem>> -> memref<64x128xf32, #tpu.memory_space<vmem>>
      %dma_start3A_1150 = arith.constant 0 : i32
      %dma_start3A_1151 = tpu.memref_slice %arg3[%dma_start3A_1150, %multiple_of3A_1141] : memref<64x1000000xf32, #tpu.memory_space<hbm>> -> memref<64x128xf32, #tpu.memory_space<hbm>>
      %dma_start3A_1152 = tpu.memref_slice %arg9[%dma_start3A_1144, %dma_start3A_1145] : memref<2x4x!tpu.dma_semaphore, #tpu.memory_space<semaphore_mem>> -> memref<1x1x!tpu.dma_semaphore, #tpu.memory_space<semaphore_mem>>
      %dma_start3A_1153 = tpu.memref_squeeze %dma_start3A_1152 : memref<1x1x!tpu.dma_semaphore, #tpu.memory_space<semaphore_mem>> -> memref<!tpu.dma_semaphore, #tpu.memory_space<semaphore_mem>>
      %dma_start3A_1154 = arith.constant 0 : i32
      %dma_start3A_1155 = arith.constant 0 : i32
      %dma_start3A_1156 = tpu.memref_slice %arg7[%dma_start3A_1142, %dma_start3A_1143, %dma_start3A_1154, %dma_start3A_1155] : memref<2x4x64x128xf32, #tpu.memory_space<vmem>> -> memref<1x1x64x128xf32, #tpu.memory_space<vmem>>
      %dma_start3A_1157 = tpu.memref_squeeze %dma_start3A_1156 : memref<1x1x64x128xf32, #tpu.memory_space<vmem>> -> memref<64x128xf32, #tpu.memory_space<vmem>>
      %dma_start3A_1158 = arith.constant 0 : i32
      %dma_start3A_1159 = tpu.memref_slice %arg3[%dma_start3A_1158, %multiple_of3A_1141] : memref<64x1000000xf32, #tpu.memory_space<hbm>> -> memref<64x128xf32, #tpu.memory_space<hbm>>
      tpu.enqueue_dma source(%dma_start3A_1159 : memref<64x128xf32, #tpu.memory_space<hbm>>) target(%dma_start3A_1157 : memref<64x128xf32, #tpu.memory_space<vmem>>) target_semaphore(%dma_start3A_1153 : memref<!tpu.dma_semaphore, #tpu.memory_space<semaphore_mem>>)
      %dma_wait3A_1160 = arith.constant 1 : i32
      %dma_wait3A_1161 = arith.constant 3 : i32
      %dma_wait3A_1162 = arith.constant 1 : i32
      %dma_wait3A_1163 = arith.constant 3 : i32
      %dma_wait3A_1164 = arith.constant 0 : i32
      %dma_wait3A_1165 = arith.constant 0 : i32
      %dma_wait3A_1166 = tpu.memref_slice %arg7[%dma_wait3A_1160, %dma_wait3A_1161, %dma_wait3A_1164, %dma_wait3A_1165] : memref<2x4x64x128xf32, #tpu.memory_space<vmem>> -> memref<1x1x64x128xf32, #tpu.memory_space<vmem>>
      %dma_wait3A_1167 = tpu.memref_squeeze %dma_wait3A_1166 : memref<1x1x64x128xf32, #tpu.memory_space<vmem>> -> memref<64x128xf32, #tpu.memory_space<vmem>>
      %dma_wait3A_1168 = arith.constant 0 : i32
      %dma_wait3A_1169 = arith.constant 0 : i32
      %dma_wait3A_1170 = tpu.memref_slice %arg4[%dma_wait3A_1168, %dma_wait3A_1169] : memref<64x1000001xf32, #tpu.memory_space<hbm>> -> memref<64x128xf32, #tpu.memory_space<hbm>>
      %dma_wait3A_1171 = tpu.memref_slice %arg9[%dma_wait3A_1162, %dma_wait3A_1163] : memref<2x4x!tpu.dma_semaphore, #tpu.memory_space<semaphore_mem>> -> memref<1x1x!tpu.dma_semaphore, #tpu.memory_space<semaphore_mem>>
      %dma_wait3A_1172 = tpu.memref_squeeze %dma_wait3A_1171 : memref<1x1x!tpu.dma_semaphore, #tpu.memory_space<semaphore_mem>> -> memref<!tpu.dma_semaphore, #tpu.memory_space<semaphore_mem>>
      %dma_wait3A_1173 = arith.constant 0 : i32
      %dma_wait3A_1174 = arith.constant 0 : i32
      %dma_wait3A_1175 = tpu.memref_slice %arg7[%dma_wait3A_1160, %dma_wait3A_1161, %dma_wait3A_1173, %dma_wait3A_1174] : memref<2x4x64x128xf32, #tpu.memory_space<vmem>> -> memref<1x1x64x128xf32, #tpu.memory_space<vmem>>
      %dma_wait3A_1176 = tpu.memref_squeeze %dma_wait3A_1175 : memref<1x1x64x128xf32, #tpu.memory_space<vmem>> -> memref<64x128xf32, #tpu.memory_space<vmem>>
      %dma_wait3A_1177 = arith.constant 0 : i32
      %dma_wait3A_1178 = arith.constant 0 : i32
      %dma_wait3A_1179 = tpu.memref_slice %arg4[%dma_wait3A_1177, %dma_wait3A_1178] : memref<64x1000001xf32, #tpu.memory_space<hbm>> -> memref<64x128xf32, #tpu.memory_space<hbm>>
      tpu.wait_dma2 semaphore(%dma_wait3A_1172 : memref<!tpu.dma_semaphore, #tpu.memory_space<semaphore_mem>>) src(%dma_wait3A_1179 : memref<64x128xf32, #tpu.memory_space<hbm>>) dst(%dma_wait3A_1176 : memref<64x128xf32, #tpu.memory_space<vmem>>)
      %add3A_1180 = arith.constant 512 : i32
      %add3A_1181 = arith.addi %add3A_1180, %add3A_1050 : i32
      %get3A_1182 = arith.index_cast %add3A_1181 : i32 to index
      %get3A_1183 = tpu.vector_load %arg6[%get3A_1182] {strides = array<i32>} : memref<1072xi32, #tpu.memory_space<vmem>>, vector<16xi32>,
      %slice3A_1184 = vector.extract_strided_slice %get3A_1183 {offsets = [0], sizes = [1], strides = [1]} : vector<16xi32> to vector<1xi32>
      %squeeze3A_1185 = vector.extract %slice3A_1184[0] : i32 from vector<1xi32>
      %and3A_1186 = arith.constant 127 : i32
      %and3A_1187 = arith.andi %squeeze3A_1185, %and3A_1186 : i32
      %broadcast_in_dim3A_1188 = vector.broadcast %and3A_1187 : i32 to vector<16xi32>
      %and3A_1189 = arith.constant 255 : i32
      %and3A_1190 = arith.andi %add3A_1050, %and3A_1189 : i32
      %broadcast_in_dim3A_1191 = vector.broadcast %and3A_1190 : i32 to vector<16xi32>
      %broadcast_in_dim3A_1192 = arith.constant 1 : i32
      %broadcast_in_dim3A_1193 = vector.broadcast %broadcast_in_dim3A_1192 : i32 to vector<16xi32>
      %iota3A_1194 = tpu.iota {dimensions = array<i32: 0>} : vector<16xi32>
      %add3A_1195 = arith.constant 0 : i32
      %add3A_1196 = vector.broadcast %add3A_1195 : i32 to vector<16xi32>
      %add3A_1197 = arith.addi %iota3A_1194, %add3A_1196 : vector<16xi32>
      %gather3A_1198 = arith.constant 1 : i32
      %gather3A_1199 = arith.constant 3 : i32
      %gather3A_1200 = arith.constant 0 : i32
      %gather3A_1201 = arith.constant 0 : i32
      %gather3A_1202 = tpu.memref_slice %arg7[%gather3A_1198, %gather3A_1199, %gather3A_1200, %gather3A_1201] : memref<2x4x64x128xf32, #tpu.memory_space<vmem>> -> memref<1x1x64x128xf32, #tpu.memory_space<vmem>>
      %gather3A_1203 = tpu.memref_squeeze %gather3A_1202 : memref<1x1x64x128xf32, #tpu.memory_space<vmem>> -> memref<64x128xf32, #tpu.memory_space<vmem>>
      %gather3A_1204 = tpu.vector_load_idx %gather3A_1203[%add3A_1197, %broadcast_in_dim3A_1188] : memref<64x128xf32, #tpu.memory_space<vmem>>[vector<16xi32>, vector<16xi32>], vector<16xf32>,
      tpu.vector_store_idx %arg8[%broadcast_in_dim3A_1193, %add3A_1197, %broadcast_in_dim3A_1191], %gather3A_1204 : memref<2x64x256xf32, #tpu.memory_space<vmem>>[vector<16xi32>, vector<16xi32>, vector<16xi32>], vector<16xf32>,
      %iota3A_1205 = tpu.iota {dimensions = array<i32: 0>} : vector<16xi32>
      %add3A_1206 = arith.constant 16 : i32
      %add3A_1207 = vector.broadcast %add3A_1206 : i32 to vector<16xi32>
      %add3A_1208 = arith.addi %iota3A_1205, %add3A_1207 : vector<16xi32>
      %gather3A_1209 = arith.constant 1 : i32
      %gather3A_1210 = arith.constant 3 : i32
      %gather3A_1211 = arith.constant 0 : i32
      %gather3A_1212 = arith.constant 0 : i32
      %gather3A_1213 = tpu.memref_slice %arg7[%gather3A_1209, %gather3A_1210, %gather3A_1211, %gather3A_1212] : memref<2x4x64x128xf32, #tpu.memory_space<vmem>> -> memref<1x1x64x128xf32, #tpu.memory_space<vmem>>
      %gather3A_1214 = tpu.memref_squeeze %gather3A_1213 : memref<1x1x64x128xf32, #tpu.memory_space<vmem>> -> memref<64x128xf32, #tpu.memory_space<vmem>>
      %gather3A_1215 = tpu.vector_load_idx %gather3A_1214[%add3A_1208, %broadcast_in_dim3A_1188] : memref<64x128xf32, #tpu.memory_space<vmem>>[vector<16xi32>, vector<16xi32>], vector<16xf32>,
      tpu.vector_store_idx %arg8[%broadcast_in_dim3A_1193, %add3A_1208, %broadcast_in_dim3A_1191], %gather3A_1215 : memref<2x64x256xf32, #tpu.memory_space<vmem>>[vector<16xi32>, vector<16xi32>, vector<16xi32>], vector<16xf32>,
      %iota3A_1216 = tpu.iota {dimensions = array<i32: 0>} : vector<16xi32>
      %add3A_1217 = arith.constant 32 : i32
      %add3A_1218 = vector.broadcast %add3A_1217 : i32 to vector<16xi32>
      %add3A_1219 = arith.addi %iota3A_1216, %add3A_1218 : vector<16xi32>
      %gather3A_1220 = arith.constant 1 : i32
      %gather3A_1221 = arith.constant 3 : i32
      %gather3A_1222 = arith.constant 0 : i32
      %gather3A_1223 = arith.constant 0 : i32
      %gather3A_1224 = tpu.memref_slice %arg7[%gather3A_1220, %gather3A_1221, %gather3A_1222, %gather3A_1223] : memref<2x4x64x128xf32, #tpu.memory_space<vmem>> -> memref<1x1x64x128xf32, #tpu.memory_space<vmem>>
      %gather3A_1225 = tpu.memref_squeeze %gather3A_1224 : memref<1x1x64x128xf32, #tpu.memory_space<vmem>> -> memref<64x128xf32, #tpu.memory_space<vmem>>
      %gather3A_1226 = tpu.vector_load_idx %gather3A_1225[%add3A_1219, %broadcast_in_dim3A_1188] : memref<64x128xf32, #tpu.memory_space<vmem>>[vector<16xi32>, vector<16xi32>], vector<16xf32>,
      tpu.vector_store_idx %arg8[%broadcast_in_dim3A_1193, %add3A_1219, %broadcast_in_dim3A_1191], %gather3A_1226 : memref<2x64x256xf32, #tpu.memory_space<vmem>>[vector<16xi32>, vector<16xi32>, vector<16xi32>], vector<16xf32>,
      %iota3A_1227 = tpu.iota {dimensions = array<i32: 0>} : vector<16xi32>
      %add3A_1228 = arith.constant 48 : i32
      %add3A_1229 = vector.broadcast %add3A_1228 : i32 to vector<16xi32>
      %add3A_1230 = arith.addi %iota3A_1227, %add3A_1229 : vector<16xi32>
      %gather3A_1231 = arith.constant 1 : i32
      %gather3A_1232 = arith.constant 3 : i32
      %gather3A_1233 = arith.constant 0 : i32
      %gather3A_1234 = arith.constant 0 : i32
      %gather3A_1235 = tpu.memref_slice %arg7[%gather3A_1231, %gather3A_1232, %gather3A_1233, %gather3A_1234] : memref<2x4x64x128xf32, #tpu.memory_space<vmem>> -> memref<1x1x64x128xf32, #tpu.memory_space<vmem>>
      %gather3A_1236 = tpu.memref_squeeze %gather3A_1235 : memref<1x1x64x128xf32, #tpu.memory_space<vmem>> -> memref<64x128xf32, #tpu.memory_space<vmem>>
      %gather3A_1237 = tpu.vector_load_idx %gather3A_1236[%add3A_1230, %broadcast_in_dim3A_1188] : memref<64x128xf32, #tpu.memory_space<vmem>>[vector<16xi32>, vector<16xi32>], vector<16xf32>,
      tpu.vector_store_idx %arg8[%broadcast_in_dim3A_1193, %add3A_1230, %broadcast_in_dim3A_1191], %gather3A_1237 : memref<2x64x256xf32, #tpu.memory_space<vmem>>[vector<16xi32>, vector<16xi32>, vector<16xi32>], vector<16xf32>,
      %add3A_1238 = arith.constant 4 : i32
      %add3A_1239 = arith.addi %add3A_1050, %add3A_1238 : i32
      %add3A_1240 = arith.constant 512 : i32
      %add3A_1241 = arith.addi %add3A_1240, %add3A_1239 : i32
      %get3A_1242 = arith.index_cast %add3A_1241 : i32 to index
      %get3A_1243 = tpu.vector_load %arg6[%get3A_1242] {strides = array<i32>} : memref<1072xi32, #tpu.memory_space<vmem>>, vector<16xi32>,
      %slice3A_1244 = vector.extract_strided_slice %get3A_1243 {offsets = [0], sizes = [1], strides = [1]} : vector<16xi32> to vector<1xi32>
      %squeeze3A_1245 = vector.extract %slice3A_1244[0] : i32 from vector<1xi32>
      %shift_right_arithmetic3A_1246 = arith.constant 7 : i32
      %shift_right_arithmetic3A_1247 = arith.shrsi %squeeze3A_1245, %shift_right_arithmetic3A_1246 : i32
      %shift_left3A_1248 = arith.constant 7 : i32
      %shift_left3A_1249 = arith.shli %shift_right_arithmetic3A_1247, %shift_left3A_1248 : i32
      %multiple_of3A_1250 = tpu.assume_multiple %shift_left3A_1249, 128 : i32
      %dma_start3A_1251 = arith.constant 1 : i32
      %dma_start3A_1252 = arith.constant 3 : i32
      %dma_start3A_1253 = arith.constant 1 : i32
      %dma_start3A_1254 = arith.constant 3 : i32
      %dma_start3A_1255 = arith.constant 0 : i32
      %dma_start3A_1256 = arith.constant 0 : i32
      %dma_start3A_1257 = tpu.memref_slice %arg7[%dma_start3A_1251, %dma_start3A_1252, %dma_start3A_1255, %dma_start3A_1256] : memref<2x4x64x128xf32, #tpu.memory_space<vmem>> -> memref<1x1x64x128xf32, #tpu.memory_space<vmem>>
      %dma_start3A_1258 = tpu.memref_squeeze %dma_start3A_1257 : memref<1x1x64x128xf32, #tpu.memory_space<vmem>> -> memref<64x128xf32, #tpu.memory_space<vmem>>
      %dma_start3A_1259 = arith.constant 0 : i32
      %dma_start3A_1260 = tpu.memref_slice %arg4[%dma_start3A_1259, %multiple_of3A_1250] : memref<64x1000001xf32, #tpu.memory_space<hbm>> -> memref<64x128xf32, #tpu.memory_space<hbm>>
      %dma_start3A_1261 = tpu.memref_slice %arg9[%dma_start3A_1253, %dma_start3A_1254] : memref<2x4x!tpu.dma_semaphore, #tpu.memory_space<semaphore_mem>> -> memref<1x1x!tpu.dma_semaphore, #tpu.memory_space<semaphore_mem>>
      %dma_start3A_1262 = tpu.memref_squeeze %dma_start3A_1261 : memref<1x1x!tpu.dma_semaphore, #tpu.memory_space<semaphore_mem>> -> memref<!tpu.dma_semaphore, #tpu.memory_space<semaphore_mem>>
      %dma_start3A_1263 = arith.constant 0 : i32
      %dma_start3A_1264 = arith.constant 0 : i32
      %dma_start3A_1265 = tpu.memref_slice %arg7[%dma_start3A_1251, %dma_start3A_1252, %dma_start3A_1263, %dma_start3A_1264] : memref<2x4x64x128xf32, #tpu.memory_space<vmem>> -> memref<1x1x64x128xf32, #tpu.memory_space<vmem>>
      %dma_start3A_1266 = tpu.memref_squeeze %dma_start3A_1265 : memref<1x1x64x128xf32, #tpu.memory_space<vmem>> -> memref<64x128xf32, #tpu.memory_space<vmem>>
      %dma_start3A_1267 = arith.constant 0 : i32
      %dma_start3A_1268 = tpu.memref_slice %arg4[%dma_start3A_1267, %multiple_of3A_1250] : memref<64x1000001xf32, #tpu.memory_space<hbm>> -> memref<64x128xf32, #tpu.memory_space<hbm>>
      tpu.enqueue_dma source(%dma_start3A_1268 : memref<64x128xf32, #tpu.memory_space<hbm>>) target(%dma_start3A_1266 : memref<64x128xf32, #tpu.memory_space<vmem>>) target_semaphore(%dma_start3A_1262 : memref<!tpu.dma_semaphore, #tpu.memory_space<semaphore_mem>>)
    }
    %scan3A_220 = arith.constant 64 : i32
    %mul3A_221 = arith.constant 512 : i32
    %mul3A_222 = arith.muli %add3A, %mul3A_221 : i32
    %add3A_223 = arith.constant 256 : i32
    %add3A_224 = arith.addi %mul3A_222, %add3A_223 : i32
    "tpu.region"() ({
      %run_scoped3A = tpu.sem_alloc : memref<!tpu.dma_semaphore, #tpu.memory_space<semaphore_mem>>
      %dma_start3A_384 = arith.constant 0 : i32
      %dma_start3A_385 = arith.constant 0 : i32
      %dma_start3A_386 = tpu.memref_slice %arg5[%dma_start3A_384, %dma_start3A_385, %add3A_224] : memref<2x64x16384xf32, #tpu.memory_space<hbm>> -> memref<2x64x256xf32, #tpu.memory_space<hbm>>
      %dma_start3A_387 = arith.constant 0 : i32
      %dma_start3A_388 = arith.constant 0 : i32
      %dma_start3A_389 = tpu.memref_slice %arg5[%dma_start3A_387, %dma_start3A_388, %add3A_224] : memref<2x64x16384xf32, #tpu.memory_space<hbm>> -> memref<2x64x256xf32, #tpu.memory_space<hbm>>
      tpu.enqueue_dma source(%arg8 : memref<2x64x256xf32, #tpu.memory_space<vmem>>) target(%dma_start3A_389 : memref<2x64x256xf32, #tpu.memory_space<hbm>>) target_semaphore(%run_scoped3A : memref<!tpu.dma_semaphore, #tpu.memory_space<semaphore_mem>>)
      %dma_wait3A_390 = arith.constant 0 : i32
      %dma_wait3A_391 = arith.constant 0 : i32
      %dma_wait3A_392 = tpu.memref_slice %arg5[%dma_wait3A_390, %dma_wait3A_391, %add3A_224] : memref<2x64x16384xf32, #tpu.memory_space<hbm>> -> memref<2x64x256xf32, #tpu.memory_space<hbm>>
      %dma_wait3A_393 = arith.constant 0 : i32
      %dma_wait3A_394 = arith.constant 0 : i32
      %dma_wait3A_395 = tpu.memref_slice %arg5[%dma_wait3A_393, %dma_wait3A_394, %add3A_224] : memref<2x64x16384xf32, #tpu.memory_space<hbm>> -> memref<2x64x256xf32, #tpu.memory_space<hbm>>
      tpu.wait_dma2 semaphore(%run_scoped3A : memref<!tpu.dma_semaphore, #tpu.memory_space<semaphore_mem>>) src(%arg8 : memref<2x64x256xf32, #tpu.memory_space<vmem>>) dst(%dma_wait3A_395 : memref<2x64x256xf32, #tpu.memory_space<hbm>>)
      tpu.yield
    }) : () -> ()
    %dma_wait3A = arith.constant 0 : i32
    %dma_wait3A_225 = arith.constant 0 : i32
    %dma_wait3A_226 = arith.constant 0 : i32
    %dma_wait3A_227 = arith.constant 0 : i32
    %dma_wait3A_228 = arith.constant 0 : i32
    %dma_wait3A_229 = arith.constant 0 : i32
    %dma_wait3A_230 = tpu.memref_slice %arg7[%dma_wait3A, %dma_wait3A_225, %dma_wait3A_228, %dma_wait3A_229] : memref<2x4x64x128xf32, #tpu.memory_space<vmem>> -> memref<1x1x64x128xf32, #tpu.memory_space<vmem>>
    %dma_wait3A_231 = tpu.memref_squeeze %dma_wait3A_230 : memref<1x1x64x128xf32, #tpu.memory_space<vmem>> -> memref<64x128xf32, #tpu.memory_space<vmem>>
    %dma_wait3A_232 = arith.constant 0 : i32
    %dma_wait3A_233 = arith.constant 0 : i32
    %dma_wait3A_234 = tpu.memref_slice %arg3[%dma_wait3A_232, %dma_wait3A_233] : memref<64x1000000xf32, #tpu.memory_space<hbm>> -> memref<64x128xf32, #tpu.memory_space<hbm>>
    %dma_wait3A_235 = tpu.memref_slice %arg9[%dma_wait3A_226, %dma_wait3A_227] : memref<2x4x!tpu.dma_semaphore, #tpu.memory_space<semaphore_mem>> -> memref<1x1x!tpu.dma_semaphore, #tpu.memory_space<semaphore_mem>>
    %dma_wait3A_236 = tpu.memref_squeeze %dma_wait3A_235 : memref<1x1x!tpu.dma_semaphore, #tpu.memory_space<semaphore_mem>> -> memref<!tpu.dma_semaphore, #tpu.memory_space<semaphore_mem>>
    %dma_wait3A_237 = arith.constant 0 : i32
    %dma_wait3A_238 = arith.constant 0 : i32
    %dma_wait3A_239 = tpu.memref_slice %arg7[%dma_wait3A, %dma_wait3A_225, %dma_wait3A_237, %dma_wait3A_238] : memref<2x4x64x128xf32, #tpu.memory_space<vmem>> -> memref<1x1x64x128xf32, #tpu.memory_space<vmem>>
    %dma_wait3A_240 = tpu.memref_squeeze %dma_wait3A_239 : memref<1x1x64x128xf32, #tpu.memory_space<vmem>> -> memref<64x128xf32, #tpu.memory_space<vmem>>
    %dma_wait3A_241 = arith.constant 0 : i32
    %dma_wait3A_242 = arith.constant 0 : i32
    %dma_wait3A_243 = tpu.memref_slice %arg3[%dma_wait3A_241, %dma_wait3A_242] : memref<64x1000000xf32, #tpu.memory_space<hbm>> -> memref<64x128xf32, #tpu.memory_space<hbm>>
    tpu.wait_dma2 semaphore(%dma_wait3A_236 : memref<!tpu.dma_semaphore, #tpu.memory_space<semaphore_mem>>) src(%dma_wait3A_243 : memref<64x128xf32, #tpu.memory_space<hbm>>) dst(%dma_wait3A_240 : memref<64x128xf32, #tpu.memory_space<vmem>>)
    %dma_wait3A_244 = arith.constant 0 : i32
    %dma_wait3A_245 = arith.constant 1 : i32
    %dma_wait3A_246 = arith.constant 0 : i32
    %dma_wait3A_247 = arith.constant 1 : i32
    %dma_wait3A_248 = arith.constant 0 : i32
    %dma_wait3A_249 = arith.constant 0 : i32
    %dma_wait3A_250 = tpu.memref_slice %arg7[%dma_wait3A_244, %dma_wait3A_245, %dma_wait3A_248, %dma_wait3A_249] : memref<2x4x64x128xf32, #tpu.memory_space<vmem>> -> memref<1x1x64x128xf32, #tpu.memory_space<vmem>>
    %dma_wait3A_251 = tpu.memref_squeeze %dma_wait3A_250 : memref<1x1x64x128xf32, #tpu.memory_space<vmem>> -> memref<64x128xf32, #tpu.memory_space<vmem>>
    %dma_wait3A_252 = arith.constant 0 : i32
    %dma_wait3A_253 = arith.constant 0 : i32
    %dma_wait3A_254 = tpu.memref_slice %arg3[%dma_wait3A_252, %dma_wait3A_253] : memref<64x1000000xf32, #tpu.memory_space<hbm>> -> memref<64x128xf32, #tpu.memory_space<hbm>>
    %dma_wait3A_255 = tpu.memref_slice %arg9[%dma_wait3A_246, %dma_wait3A_247] : memref<2x4x!tpu.dma_semaphore, #tpu.memory_space<semaphore_mem>> -> memref<1x1x!tpu.dma_semaphore, #tpu.memory_space<semaphore_mem>>
    %dma_wait3A_256 = tpu.memref_squeeze %dma_wait3A_255 : memref<1x1x!tpu.dma_semaphore, #tpu.memory_space<semaphore_mem>> -> memref<!tpu.dma_semaphore, #tpu.memory_space<semaphore_mem>>
    %dma_wait3A_257 = arith.constant 0 : i32
    %dma_wait3A_258 = arith.constant 0 : i32
    %dma_wait3A_259 = tpu.memref_slice %arg7[%dma_wait3A_244, %dma_wait3A_245, %dma_wait3A_257, %dma_wait3A_258] : memref<2x4x64x128xf32, #tpu.memory_space<vmem>> -> memref<1x1x64x128xf32, #tpu.memory_space<vmem>>
    %dma_wait3A_260 = tpu.memref_squeeze %dma_wait3A_259 : memref<1x1x64x128xf32, #tpu.memory_space<vmem>> -> memref<64x128xf32, #tpu.memory_space<vmem>>
    %dma_wait3A_261 = arith.constant 0 : i32
    %dma_wait3A_262 = arith.constant 0 : i32
    %dma_wait3A_263 = tpu.memref_slice %arg3[%dma_wait3A_261, %dma_wait3A_262] : memref<64x1000000xf32, #tpu.memory_space<hbm>> -> memref<64x128xf32, #tpu.memory_space<hbm>>
    tpu.wait_dma2 semaphore(%dma_wait3A_256 : memref<!tpu.dma_semaphore, #tpu.memory_space<semaphore_mem>>) src(%dma_wait3A_263 : memref<64x128xf32, #tpu.memory_space<hbm>>) dst(%dma_wait3A_260 : memref<64x128xf32, #tpu.memory_space<vmem>>)
    %dma_wait3A_264 = arith.constant 0 : i32
    %dma_wait3A_265 = arith.constant 2 : i32
    %dma_wait3A_266 = arith.constant 0 : i32
    %dma_wait3A_267 = arith.constant 2 : i32
    %dma_wait3A_268 = arith.constant 0 : i32
    %dma_wait3A_269 = arith.constant 0 : i32
    %dma_wait3A_270 = tpu.memref_slice %arg7[%dma_wait3A_264, %dma_wait3A_265, %dma_wait3A_268, %dma_wait3A_269] : memref<2x4x64x128xf32, #tpu.memory_space<vmem>> -> memref<1x1x64x128xf32, #tpu.memory_space<vmem>>
    %dma_wait3A_271 = tpu.memref_squeeze %dma_wait3A_270 : memref<1x1x64x128xf32, #tpu.memory_space<vmem>> -> memref<64x128xf32, #tpu.memory_space<vmem>>
    %dma_wait3A_272 = arith.constant 0 : i32
    %dma_wait3A_273 = arith.constant 0 : i32
    %dma_wait3A_274 = tpu.memref_slice %arg3[%dma_wait3A_272, %dma_wait3A_273] : memref<64x1000000xf32, #tpu.memory_space<hbm>> -> memref<64x128xf32, #tpu.memory_space<hbm>>
    %dma_wait3A_275 = tpu.memref_slice %arg9[%dma_wait3A_266, %dma_wait3A_267] : memref<2x4x!tpu.dma_semaphore, #tpu.memory_space<semaphore_mem>> -> memref<1x1x!tpu.dma_semaphore, #tpu.memory_space<semaphore_mem>>
    %dma_wait3A_276 = tpu.memref_squeeze %dma_wait3A_275 : memref<1x1x!tpu.dma_semaphore, #tpu.memory_space<semaphore_mem>> -> memref<!tpu.dma_semaphore, #tpu.memory_space<semaphore_mem>>
    %dma_wait3A_277 = arith.constant 0 : i32
    %dma_wait3A_278 = arith.constant 0 : i32
    %dma_wait3A_279 = tpu.memref_slice %arg7[%dma_wait3A_264, %dma_wait3A_265, %dma_wait3A_277, %dma_wait3A_278] : memref<2x4x64x128xf32, #tpu.memory_space<vmem>> -> memref<1x1x64x128xf32, #tpu.memory_space<vmem>>
    %dma_wait3A_280 = tpu.memref_squeeze %dma_wait3A_279 : memref<1x1x64x128xf32, #tpu.memory_space<vmem>> -> memref<64x128xf32, #tpu.memory_space<vmem>>
    %dma_wait3A_281 = arith.constant 0 : i32
    %dma_wait3A_282 = arith.constant 0 : i32
    %dma_wait3A_283 = tpu.memref_slice %arg3[%dma_wait3A_281, %dma_wait3A_282] : memref<64x1000000xf32, #tpu.memory_space<hbm>> -> memref<64x128xf32, #tpu.memory_space<hbm>>
    tpu.wait_dma2 semaphore(%dma_wait3A_276 : memref<!tpu.dma_semaphore, #tpu.memory_space<semaphore_mem>>) src(%dma_wait3A_283 : memref<64x128xf32, #tpu.memory_space<hbm>>) dst(%dma_wait3A_280 : memref<64x128xf32, #tpu.memory_space<vmem>>)
    %dma_wait3A_284 = arith.constant 0 : i32
    %dma_wait3A_285 = arith.constant 3 : i32
    %dma_wait3A_286 = arith.constant 0 : i32
    %dma_wait3A_287 = arith.constant 3 : i32
    %dma_wait3A_288 = arith.constant 0 : i32
    %dma_wait3A_289 = arith.constant 0 : i32
    %dma_wait3A_290 = tpu.memref_slice %arg7[%dma_wait3A_284, %dma_wait3A_285, %dma_wait3A_288, %dma_wait3A_289] : memref<2x4x64x128xf32, #tpu.memory_space<vmem>> -> memref<1x1x64x128xf32, #tpu.memory_space<vmem>>
    %dma_wait3A_291 = tpu.memref_squeeze %dma_wait3A_290 : memref<1x1x64x128xf32, #tpu.memory_space<vmem>> -> memref<64x128xf32, #tpu.memory_space<vmem>>
    %dma_wait3A_292 = arith.constant 0 : i32
    %dma_wait3A_293 = arith.constant 0 : i32
    %dma_wait3A_294 = tpu.memref_slice %arg3[%dma_wait3A_292, %dma_wait3A_293] : memref<64x1000000xf32, #tpu.memory_space<hbm>> -> memref<64x128xf32, #tpu.memory_space<hbm>>
    %dma_wait3A_295 = tpu.memref_slice %arg9[%dma_wait3A_286, %dma_wait3A_287] : memref<2x4x!tpu.dma_semaphore, #tpu.memory_space<semaphore_mem>> -> memref<1x1x!tpu.dma_semaphore, #tpu.memory_space<semaphore_mem>>
    %dma_wait3A_296 = tpu.memref_squeeze %dma_wait3A_295 : memref<1x1x!tpu.dma_semaphore, #tpu.memory_space<semaphore_mem>> -> memref<!tpu.dma_semaphore, #tpu.memory_space<semaphore_mem>>
    %dma_wait3A_297 = arith.constant 0 : i32
    %dma_wait3A_298 = arith.constant 0 : i32
    %dma_wait3A_299 = tpu.memref_slice %arg7[%dma_wait3A_284, %dma_wait3A_285, %dma_wait3A_297, %dma_wait3A_298] : memref<2x4x64x128xf32, #tpu.memory_space<vmem>> -> memref<1x1x64x128xf32, #tpu.memory_space<vmem>>
    %dma_wait3A_300 = tpu.memref_squeeze %dma_wait3A_299 : memref<1x1x64x128xf32, #tpu.memory_space<vmem>> -> memref<64x128xf32, #tpu.memory_space<vmem>>
    %dma_wait3A_301 = arith.constant 0 : i32
    %dma_wait3A_302 = arith.constant 0 : i32
    %dma_wait3A_303 = tpu.memref_slice %arg3[%dma_wait3A_301, %dma_wait3A_302] : memref<64x1000000xf32, #tpu.memory_space<hbm>> -> memref<64x128xf32, #tpu.memory_space<hbm>>
    tpu.wait_dma2 semaphore(%dma_wait3A_296 : memref<!tpu.dma_semaphore, #tpu.memory_space<semaphore_mem>>) src(%dma_wait3A_303 : memref<64x128xf32, #tpu.memory_space<hbm>>) dst(%dma_wait3A_300 : memref<64x128xf32, #tpu.memory_space<vmem>>)
    %dma_wait3A_304 = arith.constant 1 : i32
    %dma_wait3A_305 = arith.constant 0 : i32
    %dma_wait3A_306 = arith.constant 1 : i32
    %dma_wait3A_307 = arith.constant 0 : i32
    %dma_wait3A_308 = arith.constant 0 : i32
    %dma_wait3A_309 = arith.constant 0 : i32
    %dma_wait3A_310 = tpu.memref_slice %arg7[%dma_wait3A_304, %dma_wait3A_305, %dma_wait3A_308, %dma_wait3A_309] : memref<2x4x64x128xf32, #tpu.memory_space<vmem>> -> memref<1x1x64x128xf32, #tpu.memory_space<vmem>>
    %dma_wait3A_311 = tpu.memref_squeeze %dma_wait3A_310 : memref<1x1x64x128xf32, #tpu.memory_space<vmem>> -> memref<64x128xf32, #tpu.memory_space<vmem>>
    %dma_wait3A_312 = arith.constant 0 : i32
    %dma_wait3A_313 = arith.constant 0 : i32
    %dma_wait3A_314 = tpu.memref_slice %arg4[%dma_wait3A_312, %dma_wait3A_313] : memref<64x1000001xf32, #tpu.memory_space<hbm>> -> memref<64x128xf32, #tpu.memory_space<hbm>>
    %dma_wait3A_315 = tpu.memref_slice %arg9[%dma_wait3A_306, %dma_wait3A_307] : memref<2x4x!tpu.dma_semaphore, #tpu.memory_space<semaphore_mem>> -> memref<1x1x!tpu.dma_semaphore, #tpu.memory_space<semaphore_mem>>
    %dma_wait3A_316 = tpu.memref_squeeze %dma_wait3A_315 : memref<1x1x!tpu.dma_semaphore, #tpu.memory_space<semaphore_mem>> -> memref<!tpu.dma_semaphore, #tpu.memory_space<semaphore_mem>>
    %dma_wait3A_317 = arith.constant 0 : i32
    %dma_wait3A_318 = arith.constant 0 : i32
    %dma_wait3A_319 = tpu.memref_slice %arg7[%dma_wait3A_304, %dma_wait3A_305, %dma_wait3A_317, %dma_wait3A_318] : memref<2x4x64x128xf32, #tpu.memory_space<vmem>> -> memref<1x1x64x128xf32, #tpu.memory_space<vmem>>
    %dma_wait3A_320 = tpu.memref_squeeze %dma_wait3A_319 : memref<1x1x64x128xf32, #tpu.memory_space<vmem>> -> memref<64x128xf32, #tpu.memory_space<vmem>>
    %dma_wait3A_321 = arith.constant 0 : i32
    %dma_wait3A_322 = arith.constant 0 : i32
    %dma_wait3A_323 = tpu.memref_slice %arg4[%dma_wait3A_321, %dma_wait3A_322] : memref<64x1000001xf32, #tpu.memory_space<hbm>> -> memref<64x128xf32, #tpu.memory_space<hbm>>
    tpu.wait_dma2 semaphore(%dma_wait3A_316 : memref<!tpu.dma_semaphore, #tpu.memory_space<semaphore_mem>>) src(%dma_wait3A_323 : memref<64x128xf32, #tpu.memory_space<hbm>>) dst(%dma_wait3A_320 : memref<64x128xf32, #tpu.memory_space<vmem>>)
    %dma_wait3A_324 = arith.constant 1 : i32
    %dma_wait3A_325 = arith.constant 1 : i32
    %dma_wait3A_326 = arith.constant 1 : i32
    %dma_wait3A_327 = arith.constant 1 : i32
    %dma_wait3A_328 = arith.constant 0 : i32
    %dma_wait3A_329 = arith.constant 0 : i32
    %dma_wait3A_330 = tpu.memref_slice %arg7[%dma_wait3A_324, %dma_wait3A_325, %dma_wait3A_328, %dma_wait3A_329] : memref<2x4x64x128xf32, #tpu.memory_space<vmem>> -> memref<1x1x64x128xf32, #tpu.memory_space<vmem>>
    %dma_wait3A_331 = tpu.memref_squeeze %dma_wait3A_330 : memref<1x1x64x128xf32, #tpu.memory_space<vmem>> -> memref<64x128xf32, #tpu.memory_space<vmem>>
    %dma_wait3A_332 = arith.constant 0 : i32
    %dma_wait3A_333 = arith.constant 0 : i32
    %dma_wait3A_334 = tpu.memref_slice %arg4[%dma_wait3A_332, %dma_wait3A_333] : memref<64x1000001xf32, #tpu.memory_space<hbm>> -> memref<64x128xf32, #tpu.memory_space<hbm>>
    %dma_wait3A_335 = tpu.memref_slice %arg9[%dma_wait3A_326, %dma_wait3A_327] : memref<2x4x!tpu.dma_semaphore, #tpu.memory_space<semaphore_mem>> -> memref<1x1x!tpu.dma_semaphore, #tpu.memory_space<semaphore_mem>>
    %dma_wait3A_336 = tpu.memref_squeeze %dma_wait3A_335 : memref<1x1x!tpu.dma_semaphore, #tpu.memory_space<semaphore_mem>> -> memref<!tpu.dma_semaphore, #tpu.memory_space<semaphore_mem>>
    %dma_wait3A_337 = arith.constant 0 : i32
    %dma_wait3A_338 = arith.constant 0 : i32
    %dma_wait3A_339 = tpu.memref_slice %arg7[%dma_wait3A_324, %dma_wait3A_325, %dma_wait3A_337, %dma_wait3A_338] : memref<2x4x64x128xf32, #tpu.memory_space<vmem>> -> memref<1x1x64x128xf32, #tpu.memory_space<vmem>>
    %dma_wait3A_340 = tpu.memref_squeeze %dma_wait3A_339 : memref<1x1x64x128xf32, #tpu.memory_space<vmem>> -> memref<64x128xf32, #tpu.memory_space<vmem>>
    %dma_wait3A_341 = arith.constant 0 : i32
    %dma_wait3A_342 = arith.constant 0 : i32
    %dma_wait3A_343 = tpu.memref_slice %arg4[%dma_wait3A_341, %dma_wait3A_342] : memref<64x1000001xf32, #tpu.memory_space<hbm>> -> memref<64x128xf32, #tpu.memory_space<hbm>>
    tpu.wait_dma2 semaphore(%dma_wait3A_336 : memref<!tpu.dma_semaphore, #tpu.memory_space<semaphore_mem>>) src(%dma_wait3A_343 : memref<64x128xf32, #tpu.memory_space<hbm>>) dst(%dma_wait3A_340 : memref<64x128xf32, #tpu.memory_space<vmem>>)
    %dma_wait3A_344 = arith.constant 1 : i32
    %dma_wait3A_345 = arith.constant 2 : i32
    %dma_wait3A_346 = arith.constant 1 : i32
    %dma_wait3A_347 = arith.constant 2 : i32
    %dma_wait3A_348 = arith.constant 0 : i32
    %dma_wait3A_349 = arith.constant 0 : i32
    %dma_wait3A_350 = tpu.memref_slice %arg7[%dma_wait3A_344, %dma_wait3A_345, %dma_wait3A_348, %dma_wait3A_349] : memref<2x4x64x128xf32, #tpu.memory_space<vmem>> -> memref<1x1x64x128xf32, #tpu.memory_space<vmem>>
    %dma_wait3A_351 = tpu.memref_squeeze %dma_wait3A_350 : memref<1x1x64x128xf32, #tpu.memory_space<vmem>> -> memref<64x128xf32, #tpu.memory_space<vmem>>
    %dma_wait3A_352 = arith.constant 0 : i32
    %dma_wait3A_353 = arith.constant 0 : i32
    %dma_wait3A_354 = tpu.memref_slice %arg4[%dma_wait3A_352, %dma_wait3A_353] : memref<64x1000001xf32, #tpu.memory_space<hbm>> -> memref<64x128xf32, #tpu.memory_space<hbm>>
    %dma_wait3A_355 = tpu.memref_slice %arg9[%dma_wait3A_346, %dma_wait3A_347] : memref<2x4x!tpu.dma_semaphore, #tpu.memory_space<semaphore_mem>> -> memref<1x1x!tpu.dma_semaphore, #tpu.memory_space<semaphore_mem>>
    %dma_wait3A_356 = tpu.memref_squeeze %dma_wait3A_355 : memref<1x1x!tpu.dma_semaphore, #tpu.memory_space<semaphore_mem>> -> memref<!tpu.dma_semaphore, #tpu.memory_space<semaphore_mem>>
    %dma_wait3A_357 = arith.constant 0 : i32
    %dma_wait3A_358 = arith.constant 0 : i32
    %dma_wait3A_359 = tpu.memref_slice %arg7[%dma_wait3A_344, %dma_wait3A_345, %dma_wait3A_357, %dma_wait3A_358] : memref<2x4x64x128xf32, #tpu.memory_space<vmem>> -> memref<1x1x64x128xf32, #tpu.memory_space<vmem>>
    %dma_wait3A_360 = tpu.memref_squeeze %dma_wait3A_359 : memref<1x1x64x128xf32, #tpu.memory_space<vmem>> -> memref<64x128xf32, #tpu.memory_space<vmem>>
    %dma_wait3A_361 = arith.constant 0 : i32
    %dma_wait3A_362 = arith.constant 0 : i32
    %dma_wait3A_363 = tpu.memref_slice %arg4[%dma_wait3A_361, %dma_wait3A_362] : memref<64x1000001xf32, #tpu.memory_space<hbm>> -> memref<64x128xf32, #tpu.memory_space<hbm>>
    tpu.wait_dma2 semaphore(%dma_wait3A_356 : memref<!tpu.dma_semaphore, #tpu.memory_space<semaphore_mem>>) src(%dma_wait3A_363 : memref<64x128xf32, #tpu.memory_space<hbm>>) dst(%dma_wait3A_360 : memref<64x128xf32, #tpu.memory_space<vmem>>)
    %dma_wait3A_364 = arith.constant 1 : i32
    %dma_wait3A_365 = arith.constant 3 : i32
    %dma_wait3A_366 = arith.constant 1 : i32
    %dma_wait3A_367 = arith.constant 3 : i32
    %dma_wait3A_368 = arith.constant 0 : i32
    %dma_wait3A_369 = arith.constant 0 : i32
    %dma_wait3A_370 = tpu.memref_slice %arg7[%dma_wait3A_364, %dma_wait3A_365, %dma_wait3A_368, %dma_wait3A_369] : memref<2x4x64x128xf32, #tpu.memory_space<vmem>> -> memref<1x1x64x128xf32, #tpu.memory_space<vmem>>
    %dma_wait3A_371 = tpu.memref_squeeze %dma_wait3A_370 : memref<1x1x64x128xf32, #tpu.memory_space<vmem>> -> memref<64x128xf32, #tpu.memory_space<vmem>>
    %dma_wait3A_372 = arith.constant 0 : i32
    %dma_wait3A_373 = arith.constant 0 : i32
    %dma_wait3A_374 = tpu.memref_slice %arg4[%dma_wait3A_372, %dma_wait3A_373] : memref<64x1000001xf32, #tpu.memory_space<hbm>> -> memref<64x128xf32, #tpu.memory_space<hbm>>
    %dma_wait3A_375 = tpu.memref_slice %arg9[%dma_wait3A_366, %dma_wait3A_367] : memref<2x4x!tpu.dma_semaphore, #tpu.memory_space<semaphore_mem>> -> memref<1x1x!tpu.dma_semaphore, #tpu.memory_space<semaphore_mem>>
    %dma_wait3A_376 = tpu.memref_squeeze %dma_wait3A_375 : memref<1x1x!tpu.dma_semaphore, #tpu.memory_space<semaphore_mem>> -> memref<!tpu.dma_semaphore, #tpu.memory_space<semaphore_mem>>
    %dma_wait3A_377 = arith.constant 0 : i32
    %dma_wait3A_378 = arith.constant 0 : i32
    %dma_wait3A_379 = tpu.memref_slice %arg7[%dma_wait3A_364, %dma_wait3A_365, %dma_wait3A_377, %dma_wait3A_378] : memref<2x4x64x128xf32, #tpu.memory_space<vmem>> -> memref<1x1x64x128xf32, #tpu.memory_space<vmem>>
    %dma_wait3A_380 = tpu.memref_squeeze %dma_wait3A_379 : memref<1x1x64x128xf32, #tpu.memory_space<vmem>> -> memref<64x128xf32, #tpu.memory_space<vmem>>
    %dma_wait3A_381 = arith.constant 0 : i32
    %dma_wait3A_382 = arith.constant 0 : i32
    %dma_wait3A_383 = tpu.memref_slice %arg4[%dma_wait3A_381, %dma_wait3A_382] : memref<64x1000001xf32, #tpu.memory_space<hbm>> -> memref<64x128xf32, #tpu.memory_space<hbm>>
    tpu.wait_dma2 semaphore(%dma_wait3A_376 : memref<!tpu.dma_semaphore, #tpu.memory_space<semaphore_mem>>) src(%dma_wait3A_383 : memref<64x128xf32, #tpu.memory_space<hbm>>) dst(%dma_wait3A_380 : memref<64x128xf32, #tpu.memory_space<vmem>>)
    return
  }
}

</mosaic_0001>

<sc_bundles>
// kernel: kernel.3.cloned.1.call-start
scs
__scs_entry_jumppad:
0x0: {  	(pc) =	sbr.rel $0x88, $3  }
0x1: {  	(tag) =	ssettag $0x0;
	lr =	simm.s32 $0x1  }
0x2: {  	[smem:$0x3F9E] =	sst lr;
	_ =	strace $0xD0000000  }
0x3: {  	_ = 	snop  }
0x4: {  	_ = 	snop  }
0x5: {  	_ = 	snop  }
0x6: {  	_ = 	snop  }
0x7: {  	_ = 	snop  }
__scs_overlays_trampoline_lowered:
0x8: {  	[smem:$0x3FAD] =	sst s0  }
0x9: {  	[smem:$0x3FAE] =	sst s1  }
0xa: {  	[smem:$0x3FAF] =	sst s2  }
0xb: {  	[smem:$0x3FB0] =	sst s3  }
0xc: {  	[smem:$0x3FB1] =	sst s4  }
0xd: {  	[smem:$0x3FB2] =	sst s5  }
0xe: {  	[smem:$0x3FB3] =	sst s6  }
0xf: {  	[smem:$0x3FB4] =	sst s7  }
0x10: {  	[smem:$0x3FB5] =	sst s8  }
0x11: {  	[smem:$0x3FB6] =	sst s9;
	s0 =	simm.s32 @!p0 $0x0  }
0x12: {  	s1 =	sld [smem:$0x3F9C];
	s0 =	simm.s32 @p0 $0x1  }
0x13: {  	[smem:$0x3FB7] =	sst s0;
	s0 =	simm.s32 @!p1 $0x0  }
0x14: {  	s2 =	sld [smem:$0x3F9B];
	s0 =	simm.s32 @p1 $0x1  }
0x15: {  	[smem:$0x3FB8] =	sst s0;
	s0 =	simm.s32 @!p2 $0x0  }
0x16: {  	s3 =	sld [smem:$0x3FDB];
	s0 =	simm.s32 @p2 $0x1  }
0x17: {  	s4 =	simm.s32 $0x1BF5;
	[smem:$0x3FBA] =	sst s0  }
0x18: {  	s0 =	sld [smem:$0x3F9D];
	_ =	swait.ge [sflag:s4], $0x0  }
0x19: {  	s7 =	sld [smem:$0x3F9E]  }
0x1a: {  	s8 =	sadd.s32 $0xFFFFE003, lr  }
0x1b: {  	s9 =	sadd.s32 $0xFFFFFEF7, lr;
	s5 =	simm.s32 $0xFFFFFFFF;
	p2 =	slt.u32 s8, $0xFFFFF086  }
0x1c: {  	p1 =	slt.u32 s9, $0xF7A;
	s5 =	simm.s32 @!p2 $0x0  }
0x1d: {  	s5 =	simm.s32 @p1 $0x1;
	p0 =	seq.s32 s7, s2  }
0x1e: {  	s7 =	smul.u32 @!p0 $0xF7A, s2;
	p2 =	seq.s32 @!p0 s5, $0x0  }
0x1f: {  	s9 =	smul.u32 $0xF7A, s1;
	s8 =	simm.s32 @!p0 $0x1BF5;
	p2 =	por !p2, p0  }
0x20: {  	[sflag:s8] =	ssyncset.s32 @!p0 $0xFFFFF086;
	s6 =	sadd.s32 @!p0 s3, s7;
	s7 =	simm.s32 @!p0 $0x108  }
0x21: {  	s3 =	sadd.s32 s3, s9;
	s6 =	sadd.s32 @!p0 $0x88, s6;
	s7 =	simm.s32 @p2 $0x1082  }
0x22: {  	[simem:s7], [sflag:s8] =	dma.local @!p0 [hbm:s6], $0xF7A  }
0x23: {  	s9 =	sor.u32 $0xD0000000, s2;
	s6 =	simm.s32 $0x108;
	_ =	swait.ge @!p0 [sflag:s8], $0x0  }
0x24: {  	s3 =	sadd.s32 $0x88, s3;
	s6 =	simm.s32 @!p1 $0x1082;
	[sflag:s4] =	ssyncset.s32 $0xFFFFF086  }
0x25: {  	[simem:s6], [sflag:s4] =	dma.local [hbm:s3], $0xF7A  }
0x26: {  	[smem:$0x3F9E] =	sst s1;
	(tag) =	ssettag s2;
	_ =	strace s9  }
0x27: {  	s1 =	sld [smem:$0x3FAE]  }
0x28: {  	s2 =	sld [smem:$0x3FAF]  }
0x29: {  	s4 =	sld [smem:$0x3FB1]  }
0x2a: {  	p0 =	seq.s32 s5, $0x0;
	s5 =	sld [smem:$0x3FB2]  }
0x2b: {  	s6 =	sld [smem:$0x3FB3]  }
0x2c: {  	s7 =	sld [smem:$0x3FB4]  }
0x2d: {  	s3 =	simm.s32 $0x108;
	s8 =	sld [smem:$0x3FB5]  }
0x2e: {  	s3 =	simm.s32 @!p0 $0x1082;
	s9 =	sld [smem:$0x3FB6]  }
0x2f: {  	lr =	sadd.s32 s0, s3;
	s0 =	sld [smem:$0x3FAD]  }
0x30: {  	s3 =	sld [smem:$0x3FB0]  }
0x31: {  	[smem:$0x3FB9] =	sst s10  }
0x32: {  	s10 =	sld [smem:$0x3FB7];
	_ =	sdelay $0x3  }
0x33: {  	p0 =	seq.s32 s10, $0x1;
	s10 =	sld [smem:$0x3FB9];
	_ =	sdelay $0x3  }
0x34: {  	[smem:$0x3FB9] =	sst s10  }
0x35: {  	s10 =	sld [smem:$0x3FB8];
	_ =	sdelay $0x3  }
0x36: {  	p1 =	seq.s32 s10, $0x1;
	s10 =	sld [smem:$0x3FB9];
	_ =	sdelay $0x3  }
0x37: {  	[smem:$0x3FB9] =	sst s10  }
0x38: {  	s10 =	sld [smem:$0x3FBA]  }
0x39: {  	_ = 	snop;
	(pc) =	sbr.ind lr, $3  }
0x3a: {  	_ = 	snop  }
0x3b: {  	_ = 	snop  }
0x3c: {  	p2 =	seq.s32 s10, $0x1;
	s10 =	sld [smem:$0x3FB9]  }
0x3d: {  	_ =	shalt  }
0x3e: {  	_ =	shalt  }
0x3f: {  	_ =	shalt  }
0x40: {  	_ =	shalt  }
0x41: {  	_ =	shalt  }
0x42: {  	_ =	shalt  }
0x43: {  	_ =	shalt  }
0x44: {  	_ =	shalt  }
0x45: {  	_ =	shalt  }
0x46: {  	_ =	shalt  }
0x47: {  	_ =	shalt  }
0x48: {  	_ =	shalt  }
0x49: {  	_ =	shalt  }
0x4a: {  	_ =	shalt  }
0x4b: {  	_ =	shalt  }
0x4c: {  	_ =	shalt  }
0x4d: {  	_ =	shalt  }
0x4e: {  	_ =	shalt  }
0x4f: {  	_ =	shalt  }
0x50: {  	_ =	shalt  }
0x51: {  	_ =	shalt  }
0x52: {  	_ =	shalt  }
0x53: {  	_ =	shalt  }
0x54: {  	_ =	shalt  }
0x55: {  	_ =	shalt  }
0x56: {  	_ =	shalt  }
0x57: {  	_ =	shalt  }
0x58: {  	_ =	shalt  }
0x59: {  	_ =	shalt  }
0x5a: {  	_ =	shalt  }
0x5b: {  	_ =	shalt  }
0x5c: {  	_ =	shalt  }
0x5d: {  	_ =	shalt  }
0x5e: {  	_ =	shalt  }
0x5f: {  	_ =	shalt  }
0x60: {  	_ =	shalt  }
0x61: {  	_ =	shalt  }
0x62: {  	_ =	shalt  }
0x63: {  	_ =	shalt  }
0x64: {  	_ =	shalt  }
0x65: {  	_ =	shalt  }
0x66: {  	_ =	shalt  }
0x67: {  	_ =	shalt  }
0x68: {  	_ =	shalt  }
0x69: {  	_ =	shalt  }
0x6a: {  	_ =	shalt  }
0x6b: {  	_ =	shalt  }
0x6c: {  	_ =	shalt  }
0x6d: {  	_ =	shalt  }
0x6e: {  	_ =	shalt  }
0x6f: {  	_ =	shalt  }
0x70: {  	_ =	shalt  }
0x71: {  	_ =	shalt  }
0x72: {  	_ =	shalt  }
0x73: {  	_ =	shalt  }
0x74: {  	_ =	shalt  }
0x75: {  	_ =	shalt  }
0x76: {  	_ =	shalt  }
0x77: {  	_ =	shalt  }
0x78: {  	_ =	shalt  }
0x79: {  	_ =	shalt  }
0x7a: {  	_ =	shalt  }
0x7b: {  	_ =	shalt  }
0x7c: {  	_ =	shalt  }
0x7d: {  	_ =	shalt  }
0x7e: {  	_ =	shalt  }
0x7f: {  	_ =	shalt  }
0x80: {  	_ =	shalt  }
0x81: {  	_ =	shalt  }
0x82: {  	_ =	shalt  }
0x83: {  	_ =	shalt  }
0x84: {  	_ =	shalt  }
0x85: {  	_ =	shalt  }
0x86: {  	_ =	shalt  }
0x87: {  	_ =	shalt  }
.Lfunc_end0:
.L_simem_size_0:
called_computation_lowered:
.L_overlay_start_0:
0x88: {  	s2 =	sld [smem:$0x3FD9]  }
0x89: {  	s3 =	sld [smem:$0x3FFE];
	_ =	sdelay $0x1  }
0x8a: {  	s1 =	srdreg.scid  }
0x8b: {  	s0 =	sand.u32 $0x1, s1  }
0x8c: {  	s17 =	sshll.u32 s0, $0xA;
	s2 =	sadd.s32 s3, s2  }
0x8d: {  	s2 =	sadd.s32 s2, s17  }
0x8e: {  	[smem:$0x3FC5] =	sst s2  }
0x8f: {  	_ = 	snop  }
0x90: {  	s2 =	sld [smem:$0x3FC8]  }
0x91: {  	s18 =	sld [smem:$0x3FC7]  }
0x92: {  	s4 =	sld [smem:$0x3FD0];
	(tm) =	ssettm $0x1  }
0x93: {  	s5 =	sld [smem:$0x3FFB];
	_ =	sdelay $0x3  }
0x94: {  	_ =	strace s5  }
0x95: {  	s5 =	sld [smem:$0x3FFC];
	_ =	sdelay $0x3  }
0x96: {  	_ =	strace s5  }
0x97: {  	s5 =	sld [smem:$0x3FFD];
	_ =	sdelay $0x3  }
0x98: {  	_ =	strace s5  }
0x99: {  	_ =	strace $0x8FFFFFFF  }
0x9a: {  	s19 =	sld [smem:$0x3FDB];
	_ =	sdelay $0x1  }
0x9b: {  	s6 =	simm.s32 $_scs_section_size  }
0x9c: {  	s7 =	simm.s32 $_size__tile_overlayer_lowered;
	s8 =	simm.s32 $_tile_overlayer_lowered  }
0x9d: {  	s22 =	simm.s32 $0x1BFF;
	s21 =	sshll.u32 s8, $0x1;
	s5 =	sadd.s32 s6, s19  }
0x9e: {  	s9 =	simm.s32 $0x0;
	s20 =	sshll.u32 s7, $0x1;
	s7 =	sadd.s32 s21, s5  }
0x9f: {  	[timem:s9], [sflag:s22] =	dma.local [hbm:s7], s20  }
0xa0: {  	_ =	swait.ge [sflag:s22], s20  }
0xa1: {  	s6 =	ssub.s32 $0x0, s20;
	[sflag:s22] =	ssyncset.done $0x0  }
0xa2: {  	[sflag:s22] =	ssyncadd.s32 s6;
	_ =	sdelay $0x1  }
0xa3: {  	s23 =	simm.s32 $0x1B8B  }
0xa4: {  	_ =	swait.ge [sflag:s23], $0x1  }
0xa5: {  	[sflag:s23] =	ssyncset.done $0x0  }
0xa6: {  	s25 =	simm.s32 $0x1B8E;
	s24 =	sld [smem:$0x3FFE];
	[sflag:s23] =	ssyncadd.s32 $0xFFFFFFFF  }
0xa7: {  	s26 =	simm.s32 $execute0_lowered;
	[smem:$0x3FD2] =	sst s25  }
0xa8: {  	s7 =	sshll.u32 s26, $0x1;
	_ =	strace $0x80000046;
	[dreg:$0x1] =	wrdreg $0xFFFFFFFF  }
0xa9: {  	s28 =	simm.s32 $_size_execute0_lowered;
	s5 =	sadd.s32 s5, s7;
	[dreg:$0x0] =	wrdreg $0x0  }
0xaa: {  	s7 =	sshll.u32 s28, $0x1;
	[dreg:$0x2] =	wrdreg s5  }
0xab: {  	[dreg:$0x3] =	wrdreg s7  }
0xac: {  	[dreg:$0x4] =	wrdreg $0xC0  }
0xad: {  	_ =	task [dreg:s9], $0x5FFFF  }
0xae: {  	[dreg:$0x1] =	wrdreg $0xFFFFFFFF  }
0xaf: {  	[dreg:$0x0] =	wrdreg $0x60  }
0xb0: {  	[dreg:$0x2] =	wrdreg s24  }
0xb1: {  	[dreg:$0x3] =	wrdreg s2  }
0xb2: {  	[dreg:$0x4] =	wrdreg s18  }
0xb3: {  	[dreg:$0x5] =	wrdreg s4  }
0xb4: {  	[dreg:$0x6] =	wrdreg $0x9  }
0xb5: {  	_ =	task.clear_ibuf [dreg:s9], $0x7FFFF;
	_ =	strace $0x90000046  }
0xb6: {  	s29 =	simm.s32 $0x9;
	_ =	strace $0x80000048  }
0xb7: {  	_ =	swait.ge [sflag:s29], $0x1  }
0xb8: {  	[sflag:s29] =	ssyncadd.s32 $0xFFFFFFFF  }
0xb9: {  	_ =	strace $0x90000048  }
0xba: {  	_ =	sfence  }
0xbb: {  	s30 =	sld [smem:$0x0];
	_ =	sdelay $0x2  }
0xbc: {  	s31 =	sshll.u32 s1, $0xD;
	s1 =	sshrl.u32 s1, $0x2  }
0xbd: {  	s3 =	sand.u32 $0x4000, s31;
	s1 =	sadd.s32 s1, s30  }
0xbe: {  	s0 =	sor.u32 s3, s0;
	s1 =	sshll.u32 s1, $0x11  }
0xbf: {  	s0 =	sor.u32 s1, s0  }
0xc0: {  	s0 =	sadd.s32 $0x8F2B, s0  }
0xc1: {  	[sflag:s0] =	ssyncadd.remote.s32 $0x1  }
0xc2: {  	_ =	sfence.sel $0xFFFF  }
0xc3: {  	[dreg:$0x0] =	wrdreg $0xFFFFFFFF;
	(pc) =	sbr.abs _section_cstart, $3  }
0xc4: {  	[dreg:$0x1] =	wrdreg $0xFFFFFFFF  }
0xc5: {  	_ =	task.clear_ibuf [dreg:s9], $0x2FFFF;
	_ =	strace $0x9FFFFFFF  }
0xc6: {  	(tm) =	ssettm $0x7FFFFFFF  }
0xc7: {  	_ =	shalt  }
tec
execute0_lowered:
.L_overlay_start_1:
0x0: {  	(tag) =	ssettag $0x1  }
0x1: {  	v0 =	vlaneseq.u32  }
0x2: {  	v1 =	vimm.s32 $0xB80;
	vm14 =	vcmask $0x300;
	vm13 =	vcmask $0x704  }
0x3: {  	v2 =	vimm.s32 $0x1B80;
	vm12 =	vcmask $0xB08;
	vm11 =	vcmask $0xF0C  }
0x4: {  	vm10 =	vcmask $0x1310;
	vm9 =	vcmask $0x1714;
	vm8 =	vcmask $0x1B18  }
0x5: {  	vm7 =	vcmask $0x1F1C;
	vm6 =	vcmask $0x2320;
	vm5 =	vcmask $0x2724  }
0x6: {  	vm4 =	vcmask $0x2B28;
	vm2 =	vcmask $0x2F2C;
	vm3 =	vcmask $0x3330  }
0x7: {  	vm1 =	vcmask $0x3734;
	vm0 =	vcmask $0x3B38;
	v5 =	vimm.s32 $0x2B80  }
0x8: {  	v6 =	vimm.s32 $0x3B80;
	v7 =	vimm.s32 $0x4B80;
	v10 =	vimm.s32 $0x6B80  }
0x9: {  	v11 =	vimm.s32 $0x7B80;
	v0 =	vmul.u32 $0x80, v0;
	v1 =	vsel vm14, $0x0, v1  }
0xa: {  	v2 =	vsel vm14, $0x1000, v2;
	v5 =	vsel vm14, $0x2000, v5;
	v6 =	vsel vm14, $0x3000, v6  }
0xb: {  	v7 =	vsel vm14, $0x4000, v7;
	v10 =	vsel vm14, $0x6000, v10;
	v11 =	vsel vm14, $0x7000, v11  }
0xc: {  	v1 =	vsel vm13, $0x80, v1;
	v2 =	vsel vm13, $0x1080, v2;
	v5 =	vsel vm13, $0x2080, v5  }
0xd: {  	v6 =	vsel vm13, $0x3080, v6;
	v7 =	vsel vm13, $0x4080, v7;
	v10 =	vsel vm13, $0x6080, v10  }
0xe: {  	v11 =	vsel vm13, $0x7080, v11;
	v1 =	vsel vm12, $0x100, v1;
	v2 =	vsel vm12, $0x1100, v2  }
0xf: {  	v4 =	vor.u32 $0x1000, v0;
	v5 =	vsel vm12, $0x2100, v5;
	v6 =	vsel vm12, $0x3100, v6  }
0x10: {  	v7 =	vsel vm12, $0x4100, v7;
	v10 =	vsel vm12, $0x6100, v10;
	v11 =	vsel vm12, $0x7100, v11  }
0x11: {  	v1 =	vsel vm11, $0x180, v1;
	v2 =	vsel vm11, $0x1180, v2;
	v5 =	vsel vm11, $0x2180, v5  }
0x12: {  	v6 =	vsel vm11, $0x3180, v6;
	v7 =	vsel vm11, $0x4180, v7;
	v10 =	vsel vm11, $0x6180, v10  }
0x13: {  	v11 =	vsel vm11, $0x7180, v11;
	v1 =	vsel vm10, $0x200, v1;
	v2 =	vsel vm10, $0x1200, v2  }
0x14: {  	v5 =	vsel vm10, $0x2200, v5;
	v6 =	vsel vm10, $0x3200, v6;
	v7 =	vsel vm10, $0x4200, v7  }
0x15: {  	v10 =	vsel vm10, $0x6200, v10;
	v11 =	vsel vm10, $0x7200, v11;
	v1 =	vsel vm9, $0x280, v1  }
0x16: {  	v2 =	vsel vm9, $0x1280, v2;
	v5 =	vsel vm9, $0x2280, v5;
	v6 =	vsel vm9, $0x3280, v6  }
0x17: {  	v7 =	vsel vm9, $0x4280, v7;
	v10 =	vsel vm9, $0x6280, v10;
	v11 =	vsel vm9, $0x7280, v11  }
0x18: {  	v1 =	vsel vm8, $0x300, v1;
	v2 =	vsel vm8, $0x1300, v2;
	v5 =	vsel vm8, $0x2300, v5  }
0x19: {  	v6 =	vsel vm8, $0x3300, v6;
	v7 =	vsel vm8, $0x4300, v7;
	v10 =	vsel vm8, $0x6300, v10  }
0x1a: {  	v11 =	vsel vm8, $0x7300, v11;
	v1 =	vsel vm7, $0x380, v1;
	v2 =	vsel vm7, $0x1380, v2  }
0x1b: {  	v5 =	vsel vm7, $0x2380, v5;
	v6 =	vsel vm7, $0x3380, v6;
	v7 =	vsel vm7, $0x4380, v7  }
0x1c: {  	v10 =	vsel vm7, $0x6380, v10;
	v11 =	vsel vm7, $0x7380, v11;
	v1 =	vsel vm6, $0x800, v1  }
0x1d: {  	v2 =	vsel vm6, $0x1800, v2;
	v6 =	vsel vm6, $0x3800, v6;
	v7 =	vsel vm6, $0x4800, v7  }
0x1e: {  	v5 =	vsel vm6, $0x2800, v5;
	v6 =	vsel vm5, $0x3880, v6;
	v7 =	vsel vm5, $0x4880, v7  }
0x1f: {  	s2 =	rddreg [dreg:$0x0];
	v10 =	vsel vm6, $0x6800, v10;
	v6 =	vsel vm4, $0x3900, v6;
	v7 =	vsel vm4, $0x4900, v7  }
0x20: {  	s0 =	rddreg [dreg:$0x1];
	v11 =	vsel vm6, $0x7800, v11;
	v6 =	vsel vm2, $0x3980, v6;
	v7 =	vsel vm2, $0x4980, v7  }
0x21: {  	s1 =	rddreg [dreg:$0x2];
	v1 =	vsel vm5, $0x880, v1;
	v6 =	vsel vm3, $0x3A00, v6;
	v7 =	vsel vm3, $0x4A00, v7  }
0x22: {  	s3 =	rddreg [dreg:$0x3];
	v2 =	vsel vm5, $0x1880, v2;
	v8 =	vsel vm1, $0x3A80, v6;
	v9 =	vsel vm1, $0x4A80, v7  }
0x23: {  	s4 =	srdreg.scid;
	s6 =	stileid.u32;
	v7 =	vsel vm0, $0x3B00, v8;
	v8 =	vsel vm0, $0x4B00, v9;
	v9 =	vimm.s32 $0x5B80  }
0x24: {  	s7 =	simm.s32 $0x0;
	s10 =	simm.s32 $0x400;
	s11 =	simm.s32 $0x7A1400;
	v5 =	vsel vm5, $0x2880, v5;
	v10 =	vsel vm5, $0x6880, v10;
	v9 =	vsel vm14, $0x5000, v9  }
0x25: {  	s12 =	simm.s32 $0x9;
	s13 =	simm.s32 $0x480;
	s14 =	simm.s32 $0x2480;
	v11 =	vsel vm5, $0x7880, v11;
	v1 =	vsel vm4, $0x900, v1;
	v9 =	vsel vm13, $0x5080, v9  }
0x26: {  	s15 =	simm.s32 $0x4480;
	s16 =	simm.s32 $0x6480;
	s17 =	simm.s32 $0x8480;
	v2 =	vsel vm4, $0x1900, v2;
	v5 =	vsel vm4, $0x2900, v5;
	v9 =	vsel vm12, $0x5100, v9  }
0x27: {  	s18 =	simm.s32 $0xA480;
	s19 =	simm.s32 $0xC480;
	s20 =	simm.s32 $0xE480;
	v10 =	vsel vm4, $0x6900, v10;
	v11 =	vsel vm4, $0x7900, v11;
	v9 =	vsel vm11, $0x5180, v9  }
0x28: {  	s21 =	simm.s32 $0x1;
	s22 =	simm.s32 $0x10480;
	s23 =	simm.s32 $0x5;
	v1 =	vsel vm2, $0x980, v1;
	v2 =	vsel vm2, $0x1980, v2;
	v9 =	vsel vm10, $0x5200, v9  }
0x29: {  	s24 =	simm.s32 $0x2;
	s28 =	simm.s32 $0x7;
	s29 =	simm.s32 $0x4;
	v5 =	vsel vm2, $0x2980, v5;
	v10 =	vsel vm2, $0x6980, v10;
	v9 =	vsel vm9, $0x5280, v9  }
0x2a: {  	s30 =	simm.s32 $0x8;
	s31 =	simm.s32 $0x800;
	s4 =	sand.u32 $0x1, s4;
	v11 =	vsel vm2, $0x7980, v11;
	v1 =	vsel vm3, $0xA00, v1;
	v9 =	vsel vm8, $0x5300, v9  }
0x2b: {  	s5 =	sshll.u32 s6, $0x1;
	s6 =	sshrl.u32 s6, $0x2;
	[smem:$0x7FF] =	sst s7;
	v3 =	vsel vm3, $0x1A00, v2;
	v2 =	vor.u32 $0x800, v0;
	v9 =	vsel vm7, $0x5380, v9  }
0x2c: {  	s5 =	sor.u32 s4, s5;
	s6 =	smul.u32 $0x2400, s6;
	s4 =	ssub.s32 $0x2, s4;
	v5 =	vsel vm3, $0x2A00, v5;
	v10 =	vsel vm3, $0x6A00, v10;
	v9 =	vsel vm6, $0x5800, v9  }
0x2d: {  	_ =	strace $0x80000047;
	s25 =	sshll.u32 s5, $0x7;
	s8 =	sshrl.u32 s4, $0x1;
	v11 =	vsel vm3, $0x7A00, v11;
	v1 =	vsel vm1, $0xA80, v1;
	v9 =	vsel vm5, $0x5880, v9  }
0x2e: {  	s5 =	sshll.u32 s5, $0x9;
	s7 =	sand.u32 $0x380, s25;
	s4 =	ssub.s32 s4, s8;
	v3 =	vsel vm1, $0x1A80, v3;
	v5 =	vsel vm1, $0x2A80, v5;
	v9 =	vsel vm4, $0x5900, v9  }
0x2f: {  	s5 =	sadd.s32 s3, s5;
	s25 =	simm.s32 $0x6;
	s6 =	sor.u32 s6, s7;
	v6 =	vor.u32 $0x1800, v0;
	v10 =	vsel vm1, $0x6A80, v10;
	v9 =	vsel vm2, $0x5980, v9  }
0x30: {  	s3 =	simm.s32 $0x20000;
	s26 =	sadd.s32 $0x100, s5;
	s6 =	sshrl.u32 s6, $0x3;
	v11 =	vsel vm1, $0x7A80, v11;
	v1 =	vsel vm0, $0xB00, v1;
	v9 =	vsel vm3, $0x5A00, v9  }
0x31: {  	s8 =	smax.u32 s4, $0x1;
	[dreg:$0x6] =	wrdreg s26;
	s2 =	sadd.s32 s2, s6;
	v3 =	vsel vm0, $0x1B00, v3;
	v5 =	vsel vm0, $0x2B00, v5;
	v9 =	vsel vm1, $0x5A80, v9  }
0x32: {  	s26 =	simm.s32 $0x3;
	[dreg:$0x5] =	wrdreg s2;
	s2 =	simm.s32 $0x0;
	v10 =	vsel vm0, $0x6B00, v10;
	v11 =	vsel vm0, $0x7B00, v11;
	v9 =	vsel vm0, $0x5B00, v9  }
.LBB2_1:
0x33: {  	s4 =	simm.s32 $0x0;
	s6 =	rddreg [dreg:$0x5];
	s7 =	simm.s32 $0x80  }
0x34: {  	[tilespmem:s4], [sflag:$0x9] =	stream.strided.gather [hbm4b:s6+s7], $0x480, s10, s7, $0x38;
	[tilespmem:$0x18480] =	vst v63  }
0x35: {  	_ =	swait.ge [sflag:s12], $0x480  }
0x36: {  	[sflag:s12] =	ssyncset.done $0x0  }
0x37: {  	[sflag:s12] =	ssyncadd.s32 $0xFFFFFB80  }
0x38: {  	v12 =	vld [tilespmem:$0x0];
	_ =	sdelay $0x4  }
0x39: {  	(v2sf) =	vpush v12, $0x0;
	_ =	sdelay $0xe  }
0x3a: {  	s7 =	spop (v2sf)  }
0x3b: {  	s4 =	sand.u32 $0xFFFFF80, s7  }
0x3c: {  	s4 =	sadd.s32 s0, s4  }
0x3d: {  	[tilespmem:s13], [sflag:$0x1] =	stream.strided.gather [hbm4b:s4+s10], $0x2000, s11, s10, $0x38;
	[tilespmem:$0x18480] =	vst v63  }
0x3e: {  	v57 =	vld [tilespmem:$0x1];
	_ =	sdelay $0x4  }
0x3f: {  	(v2sf) =	vpush v57, $0x0;
	_ =	sdelay $0xe  }
0x40: {  	s9 =	spop (v2sf)  }
0x41: {  	s4 =	sand.u32 $0xFFFFF80, s9  }
0x42: {  	s4 =	sadd.s32 s0, s4  }
0x43: {  	[tilespmem:s14], [sflag:$0x2] =	stream.strided.gather [hbm4b:s4+s10], $0x2000, s11, s10, $0x38;
	[tilespmem:$0x18480] =	vst v63  }
0x44: {  	v58 =	vld [tilespmem:$0x2];
	_ =	sdelay $0x4  }
0x45: {  	(v2sf) =	vpush v58, $0x0;
	_ =	sdelay $0xe  }
0x46: {  	s6 =	spop (v2sf)  }
0x47: {  	s4 =	sand.u32 $0xFFFFF80, s6  }
0x48: {  	s4 =	sadd.s32 s0, s4  }
0x49: {  	[tilespmem:s15], [sflag:$0x3] =	stream.strided.gather [hbm4b:s4+s10], $0x2000, s11, s10, $0x38;
	[tilespmem:$0x18480] =	vst v63  }
0x4a: {  	v59 =	vld [tilespmem:$0x3];
	_ =	sdelay $0x4  }
0x4b: {  	(v2sf) =	vpush v59, $0x0;
	_ =	sdelay $0xe  }
0x4c: {  	s7 =	spop (v2sf)  }
0x4d: {  	s4 =	sand.u32 $0xFFFFF80, s7  }
0x4e: {  	s4 =	sadd.s32 s0, s4  }
0x4f: {  	[tilespmem:s16], [sflag:$0x4] =	stream.strided.gather [hbm4b:s4+s10], $0x2000, s11, s10, $0x38;
	[tilespmem:$0x18480] =	vst v63  }
0x50: {  	v60 =	vld [tilespmem:$0x200];
	_ =	sdelay $0x4  }
0x51: {  	(v2sf) =	vpush v60, $0x0;
	_ =	sdelay $0xe  }
0x52: {  	s9 =	spop (v2sf)  }
0x53: {  	s4 =	sand.u32 $0xFFFFF80, s9  }
0x54: {  	s4 =	sadd.s32 s1, s4  }
0x55: {  	[tilespmem:s17], [sflag:$0x5] =	stream.strided.gather [hbm4b:s4+s10], $0x2000, s11, s10, $0x38;
	[tilespmem:$0x18480] =	vst v63  }
0x56: {  	v61 =	vld [tilespmem:$0x201];
	_ =	sdelay $0x4  }
0x57: {  	(v2sf) =	vpush v61, $0x0;
	_ =	sdelay $0xe  }
0x58: {  	s6 =	spop (v2sf)  }
0x59: {  	s4 =	sand.u32 $0xFFFFF80, s6  }
0x5a: {  	s4 =	sadd.s32 s1, s4  }
0x5b: {  	[tilespmem:s18], [sflag:$0x6] =	stream.strided.gather [hbm4b:s4+s10], $0x2000, s11, s10, $0x38;
	[tilespmem:$0x18480] =	vst v63  }
0x5c: {  	v62 =	vld [tilespmem:$0x202];
	_ =	sdelay $0x4  }
0x5d: {  	(v2sf) =	vpush v62, $0x0;
	_ =	sdelay $0xe  }
0x5e: {  	s7 =	spop (v2sf)  }
0x5f: {  	s4 =	sand.u32 $0xFFFFF80, s7  }
0x60: {  	s4 =	sadd.s32 s1, s4  }
0x61: {  	[tilespmem:s19], [sflag:$0x7] =	stream.strided.gather [hbm4b:s4+s10], $0x2000, s11, s10, $0x38;
	[tilespmem:$0x18480] =	vst v63  }
0x62: {  	v63 =	vld [tilespmem:$0x203];
	_ =	sdelay $0x4  }
0x63: {  	(v2sf) =	vpush v63, $0x0;
	_ =	sdelay $0xe  }
0x64: {  	s9 =	spop (v2sf)  }
0x65: {  	s4 =	sand.u32 $0xFFFFF80, s9  }
0x66: {  	s4 =	sadd.s32 s1, s4  }
0x67: {  	[tilespmem:s20], [sflag:$0x8] =	stream.strided.gather [hbm4b:s4+s10], $0x2000, s11, s10, $0x38;
	[tilespmem:$0x18480] =	vst v63  }
0x68: {  	s9 =	simm.s32 $0x0;
	s4 =	simm.s32 $0x0  }
.LBB2_2:
0x69: {  	_ =	swait.ge [sflag:s21], $0x2000  }
0x6a: {  	[sflag:s21] =	ssyncset.done $0x0  }
0x6b: {  	[sflag:s21] =	ssyncadd.s32 $0xFFFFE000  }
0x6c: {  	v12 =	vld [tilespmem:s9+$0x0];
	_ =	sdelay $0x4  }
0x6d: {  	(v2sf) =	vpush v12, $0x0;
	_ =	sdelay $0xe  }
0x6e: {  	s6 =	spop (v2sf)  }
0x6f: {  	s6 =	sand.u32 $0x7F, s6  }
0x70: {  	v42 =	vor.u32 s6, v0  }
0x71: {  	v13 =	vmov s4  }
0x72: {  	v14 =	vshll.u32 v13, $0x3  }
0x73: {  	v13 =	vand.u32 $0x7C, v13;
	v14 =	vand.u32 $0x400, v14  }
0x74: {  	v13 =	vor.u32 v13, v14  }
0x75: {  	v14 =	vor.u32 v1, v13;
	v12 =	vld.idx.msk [tilespmem:v42+s13+$0x0], $0xffff  }
0x76: {  	v15 =	vor.u32 s6, v2;
	_ =	sdelay $0x3  }
0x77: {  	[tilespmem:v14+s22+$0x0] =	vst.idx.msk $0xffff, v12  }
0x78: {  	v43 =	vor.u32 v3, v13;
	v12 =	vld.idx.msk [tilespmem:v15+s13+$0x0], $0xffff  }
0x79: {  	v44 =	vor.u32 s6, v4;
	_ =	sdelay $0x3  }
0x7a: {  	[tilespmem:v43+s22+$0x0] =	vst.idx.msk $0xffff, v12  }
0x7b: {  	v45 =	vor.u32 v5, v13;
	v12 =	vld.idx.msk [tilespmem:v44+s13+$0x0], $0xffff  }
0x7c: {  	v46 =	vor.u32 s6, v6;
	_ =	sdelay $0x3  }
0x7d: {  	[tilespmem:v45+s22+$0x0] =	vst.idx.msk $0xffff, v12  }
0x7e: {  	v47 =	vor.u32 v7, v13;
	v12 =	vld.idx.msk [tilespmem:v46+s13+$0x0], $0xffff;
	_ =	sdelay $0x4  }
0x7f: {  	[tilespmem:v47+s22+$0x0] =	vst.idx.msk $0xffff, v12  }
0x80: {  	v12 =	vld [tilespmem:s9+$0x4];
	_ =	sdelay $0x4  }
0x81: {  	(v2sf) =	vpush v12, $0x0;
	_ =	sdelay $0xe  }
0x82: {  	s7 =	spop (v2sf)  }
0x83: {  	s6 =	sand.u32 $0xFFFFF80, s7  }
0x84: {  	s6 =	sadd.s32 s0, s6  }
0x85: {  	[tilespmem:s13], [sflag:$0x1] =	stream.strided.gather [hbm4b:s6+s10], $0x2000, s11, s10, $0x38;
	[tilespmem:$0x18480] =	vst v63  }
0x86: {  	_ =	swait.ge [sflag:s23], $0x2000  }
0x87: {  	[sflag:s23] =	ssyncset.done $0x0  }
0x88: {  	s7 =	sand.u32 $0xFC, s4;
	[sflag:s23] =	ssyncadd.s32 $0xFFFFE000  }
0x89: {  	v48 =	vld [tilespmem:s7+$0x200];
	_ =	sdelay $0x4  }
0x8a: {  	(v2sf) =	vpush v48, $0x0;
	_ =	sdelay $0xe  }
0x8b: {  	s7 =	spop (v2sf)  }
0x8c: {  	s6 =	sand.u32 $0x7F, s7  }
0x8d: {  	v49 =	vor.u32 s6, v0;
	_ =	sdelay $0x4  }
0x8e: {  	v50 =	vor.u32 v8, v13;
	v12 =	vld.idx.msk [tilespmem:v49+s17+$0x0], $0xffff  }
0x8f: {  	v51 =	vor.u32 s6, v2;
	_ =	sdelay $0x3  }
0x90: {  	[tilespmem:v50+s22+$0x0] =	vst.idx.msk $0xffff, v12  }
0x91: {  	v52 =	vor.u32 v9, v13;
	v12 =	vld.idx.msk [tilespmem:v51+s17+$0x0], $0xffff  }
0x92: {  	v53 =	vor.u32 s6, v4;
	_ =	sdelay $0x3  }
0x93: {  	[tilespmem:v52+s22+$0x0] =	vst.idx.msk $0xffff, v12  }
0x94: {  	v54 =	vor.u32 v10, v13;
	v12 =	vld.idx.msk [tilespmem:v53+s17+$0x0], $0xffff  }
0x95: {  	v55 =	vor.u32 s6, v6;
	_ =	sdelay $0x3  }
0x96: {  	[tilespmem:v54+s22+$0x0] =	vst.idx.msk $0xffff, v12  }
0x97: {  	v13 =	vor.u32 v11, v13;
	v12 =	vld.idx.msk [tilespmem:v55+s17+$0x0], $0xffff;
	_ =	sdelay $0x4  }
0x98: {  	[tilespmem:v13+s22+$0x0] =	vst.idx.msk $0xffff, v12  }
0x99: {  	v12 =	vld [tilespmem:s9+$0x204];
	_ =	sdelay $0x4  }
0x9a: {  	(v2sf) =	vpush v12, $0x0;
	_ =	sdelay $0xe  }
0x9b: {  	s7 =	spop (v2sf)  }
0x9c: {  	s6 =	sand.u32 $0xFFFFF80, s7  }
0x9d: {  	s6 =	sadd.s32 s1, s6  }
0x9e: {  	[tilespmem:s17], [sflag:$0x5] =	stream.strided.gather [hbm4b:s6+s10], $0x2000, s11, s10, $0x38;
	[tilespmem:$0x18480] =	vst v63  }
0x9f: {  	_ =	swait.ge [sflag:s24], $0x2000  }
0xa0: {  	[sflag:s24] =	ssyncset.done $0x0  }
0xa1: {  	[sflag:s24] =	ssyncadd.s32 $0xFFFFE000  }
0xa2: {  	v56 =	vld [tilespmem:s9+$0x1];
	_ =	sdelay $0x4  }
0xa3: {  	(v2sf) =	vpush v56, $0x0;
	_ =	sdelay $0xe  }
0xa4: {  	s7 =	spop (v2sf)  }
0xa5: {  	s6 =	sand.u32 $0x7F, s7  }
0xa6: {  	s7 =	sadd.s32 $0x1, s4;
	v57 =	vor.u32 s6, v0  }
0xa7: {  	v58 =	vmov s7  }
0xa8: {  	v59 =	vshll.u32 v58, $0x3  }
0xa9: {  	v13 =	vand.u32 $0x7D, v58;
	v14 =	vand.u32 $0x400, v59  }
0xaa: {  	v13 =	vor.u32 v13, v14  }
0xab: {  	v14 =	vor.u32 v1, v13;
	v12 =	vld.idx.msk [tilespmem:v57+s14+$0x0], $0xffff  }
0xac: {  	v60 =	vor.u32 s6, v2;
	_ =	sdelay $0x3  }
0xad: {  	[tilespmem:v14+s22+$0x0] =	vst.idx.msk $0xffff, v12  }
0xae: {  	v61 =	vor.u32 v3, v13;
	v12 =	vld.idx.msk [tilespmem:v60+s14+$0x0], $0xffff  }
0xaf: {  	v62 =	vor.u32 s6, v4;
	_ =	sdelay $0x3  }
0xb0: {  	[tilespmem:v61+s22+$0x0] =	vst.idx.msk $0xffff, v12  }
0xb1: {  	v63 =	vor.u32 v5, v13;
	v12 =	vld.idx.msk [tilespmem:v62+s14+$0x0], $0xffff  }
0xb2: {  	v18 =	vor.u32 s6, v6;
	_ =	sdelay $0x3  }
0xb3: {  	[tilespmem:v63+s22+$0x0] =	vst.idx.msk $0xffff, v12  }
0xb4: {  	v19 =	vor.u32 v7, v13;
	v12 =	vld.idx.msk [tilespmem:v18+s14+$0x0], $0xffff;
	_ =	sdelay $0x4  }
0xb5: {  	[tilespmem:v19+s22+$0x0] =	vst.idx.msk $0xffff, v12  }
0xb6: {  	v12 =	vld [tilespmem:s9+$0x5];
	_ =	sdelay $0x4  }
0xb7: {  	(v2sf) =	vpush v12, $0x0;
	_ =	sdelay $0xe  }
0xb8: {  	s7 =	spop (v2sf)  }
0xb9: {  	s6 =	sand.u32 $0xFFFFF80, s7  }
0xba: {  	s6 =	sadd.s32 s0, s6  }
0xbb: {  	[tilespmem:s14], [sflag:$0x2] =	stream.strided.gather [hbm4b:s6+s10], $0x2000, s11, s10, $0x38;
	[tilespmem:$0x18480] =	vst v63  }
0xbc: {  	_ =	swait.ge [sflag:s25], $0x2000  }
0xbd: {  	[sflag:s25] =	ssyncset.done $0x0  }
0xbe: {  	[sflag:s25] =	ssyncadd.s32 $0xFFFFE000  }
0xbf: {  	v20 =	vld [tilespmem:s9+$0x201];
	_ =	sdelay $0x4  }
0xc0: {  	(v2sf) =	vpush v20, $0x0;
	_ =	sdelay $0xe  }
0xc1: {  	s7 =	spop (v2sf)  }
0xc2: {  	s6 =	sand.u32 $0x7F, s7  }
0xc3: {  	v21 =	vor.u32 s6, v0;
	_ =	sdelay $0x4  }
0xc4: {  	v22 =	vor.u32 v8, v13;
	v12 =	vld.idx.msk [tilespmem:v21+s18+$0x0], $0xffff  }
0xc5: {  	v23 =	vor.u32 s6, v2;
	_ =	sdelay $0x3  }
0xc6: {  	[tilespmem:v22+s22+$0x0] =	vst.idx.msk $0xffff, v12  }
0xc7: {  	v24 =	vor.u32 v9, v13;
	v12 =	vld.idx.msk [tilespmem:v23+s18+$0x0], $0xffff  }
0xc8: {  	v25 =	vor.u32 s6, v4;
	_ =	sdelay $0x3  }
0xc9: {  	[tilespmem:v24+s22+$0x0] =	vst.idx.msk $0xffff, v12  }
0xca: {  	v26 =	vor.u32 v10, v13;
	v12 =	vld.idx.msk [tilespmem:v25+s18+$0x0], $0xffff  }
0xcb: {  	v27 =	vor.u32 s6, v6;
	_ =	sdelay $0x3  }
0xcc: {  	[tilespmem:v26+s22+$0x0] =	vst.idx.msk $0xffff, v12  }
0xcd: {  	v13 =	vor.u32 v11, v13;
	v12 =	vld.idx.msk [tilespmem:v27+s18+$0x0], $0xffff;
	_ =	sdelay $0x4  }
0xce: {  	[tilespmem:v13+s22+$0x0] =	vst.idx.msk $0xffff, v12  }
0xcf: {  	v12 =	vld [tilespmem:s9+$0x205];
	_ =	sdelay $0x4  }
0xd0: {  	(v2sf) =	vpush v12, $0x0;
	_ =	sdelay $0xe  }
0xd1: {  	s7 =	spop (v2sf)  }
0xd2: {  	s6 =	sand.u32 $0xFFFFF80, s7  }
0xd3: {  	s6 =	sadd.s32 s1, s6  }
0xd4: {  	[tilespmem:s18], [sflag:$0x6] =	stream.strided.gather [hbm4b:s6+s10], $0x2000, s11, s10, $0x38;
	[tilespmem:$0x18480] =	vst v63  }
0xd5: {  	_ =	swait.ge [sflag:s26], $0x2000  }
0xd6: {  	[sflag:s26] =	ssyncset.done $0x0  }
0xd7: {  	[sflag:s26] =	ssyncadd.s32 $0xFFFFE000  }
0xd8: {  	v28 =	vld [tilespmem:s9+$0x2];
	_ =	sdelay $0x4  }
0xd9: {  	(v2sf) =	vpush v28, $0x0;
	_ =	sdelay $0xe  }
0xda: {  	s7 =	spop (v2sf)  }
0xdb: {  	s6 =	sand.u32 $0x7F, s7  }
0xdc: {  	s7 =	sadd.s32 $0x2, s4;
	v29 =	vor.u32 s6, v0  }
0xdd: {  	v30 =	vmov s7  }
0xde: {  	v31 =	vshll.u32 v30, $0x3  }
0xdf: {  	v13 =	vand.u32 $0x7E, v30;
	v14 =	vand.u32 $0x400, v31  }
0xe0: {  	v13 =	vor.u32 v13, v14  }
0xe1: {  	v14 =	vor.u32 v1, v13;
	v12 =	vld.idx.msk [tilespmem:v29+s15+$0x0], $0xffff  }
0xe2: {  	v32 =	vor.u32 s6, v2;
	_ =	sdelay $0x3  }
0xe3: {  	[tilespmem:v14+s22+$0x0] =	vst.idx.msk $0xffff, v12  }
0xe4: {  	v33 =	vor.u32 v3, v13;
	v12 =	vld.idx.msk [tilespmem:v32+s15+$0x0], $0xffff  }
0xe5: {  	v34 =	vor.u32 s6, v4;
	_ =	sdelay $0x3  }
0xe6: {  	[tilespmem:v33+s22+$0x0] =	vst.idx.msk $0xffff, v12  }
0xe7: {  	v35 =	vor.u32 v5, v13;
	v12 =	vld.idx.msk [tilespmem:v34+s15+$0x0], $0xffff  }
0xe8: {  	v36 =	vor.u32 s6, v6;
	_ =	sdelay $0x3  }
0xe9: {  	[tilespmem:v35+s22+$0x0] =	vst.idx.msk $0xffff, v12  }
0xea: {  	v37 =	vor.u32 v7, v13;
	v12 =	vld.idx.msk [tilespmem:v36+s15+$0x0], $0xffff;
	_ =	sdelay $0x4  }
0xeb: {  	[tilespmem:v37+s22+$0x0] =	vst.idx.msk $0xffff, v12  }
0xec: {  	v12 =	vld [tilespmem:s9+$0x6];
	_ =	sdelay $0x4  }
0xed: {  	(v2sf) =	vpush v12, $0x0;
	_ =	sdelay $0xe  }
0xee: {  	s7 =	spop (v2sf)  }
0xef: {  	s6 =	sand.u32 $0xFFFFF80, s7  }
0xf0: {  	s6 =	sadd.s32 s0, s6  }
0xf1: {  	[tilespmem:s15], [sflag:$0x3] =	stream.strided.gather [hbm4b:s6+s10], $0x2000, s11, s10, $0x38;
	[tilespmem:$0x18480] =	vst v63  }
0xf2: {  	_ =	swait.ge [sflag:s28], $0x2000  }
0xf3: {  	[sflag:s28] =	ssyncset.done $0x0  }
0xf4: {  	[sflag:s28] =	ssyncadd.s32 $0xFFFFE000  }
0xf5: {  	v38 =	vld [tilespmem:s9+$0x202];
	_ =	sdelay $0x4  }
0xf6: {  	(v2sf) =	vpush v38, $0x0;
	_ =	sdelay $0xe  }
0xf7: {  	s7 =	spop (v2sf)  }
0xf8: {  	s6 =	sand.u32 $0x7F, s7  }
0xf9: {  	v39 =	vor.u32 s6, v0;
	_ =	sdelay $0x4  }
0xfa: {  	v40 =	vor.u32 v8, v13;
	v12 =	vld.idx.msk [tilespmem:v39+s19+$0x0], $0xffff  }
0xfb: {  	v41 =	vor.u32 s6, v2;
	_ =	sdelay $0x3  }
0xfc: {  	[tilespmem:v40+s22+$0x0] =	vst.idx.msk $0xffff, v12  }
0xfd: {  	v42 =	vor.u32 v9, v13;
	v12 =	vld.idx.msk [tilespmem:v41+s19+$0x0], $0xffff  }
0xfe: {  	v43 =	vor.u32 s6, v4;
	_ =	sdelay $0x3  }
0xff: {  	[tilespmem:v42+s22+$0x0] =	vst.idx.msk $0xffff, v12  }
0x100: {  	v44 =	vor.u32 v10, v13;
	v12 =	vld.idx.msk [tilespmem:v43+s19+$0x0], $0xffff  }
0x101: {  	v45 =	vor.u32 s6, v6;
	_ =	sdelay $0x3  }
0x102: {  	[tilespmem:v44+s22+$0x0] =	vst.idx.msk $0xffff, v12  }
0x103: {  	v13 =	vor.u32 v11, v13;
	v12 =	vld.idx.msk [tilespmem:v45+s19+$0x0], $0xffff;
	_ =	sdelay $0x4  }
0x104: {  	[tilespmem:v13+s22+$0x0] =	vst.idx.msk $0xffff, v12  }
0x105: {  	v12 =	vld [tilespmem:s9+$0x206];
	_ =	sdelay $0x4  }
0x106: {  	(v2sf) =	vpush v12, $0x0;
	_ =	sdelay $0xe  }
0x107: {  	s7 =	spop (v2sf)  }
0x108: {  	s6 =	sand.u32 $0xFFFFF80, s7  }
0x109: {  	s6 =	sadd.s32 s1, s6  }
0x10a: {  	[tilespmem:s19], [sflag:$0x7] =	stream.strided.gather [hbm4b:s6+s10], $0x2000, s11, s10, $0x38;
	[tilespmem:$0x18480] =	vst v63  }
0x10b: {  	_ =	swait.ge [sflag:s29], $0x2000  }
0x10c: {  	[sflag:s29] =	ssyncset.done $0x0  }
0x10d: {  	[sflag:s29] =	ssyncadd.s32 $0xFFFFE000  }
0x10e: {  	v46 =	vld [tilespmem:s9+$0x3];
	_ =	sdelay $0x4  }
0x10f: {  	(v2sf) =	vpush v46, $0x0;
	_ =	sdelay $0xe  }
0x110: {  	s7 =	spop (v2sf)  }
0x111: {  	s6 =	sand.u32 $0x7F, s7  }
0x112: {  	s7 =	sadd.s32 $0x3, s4;
	v47 =	vor.u32 s6, v0  }
0x113: {  	v48 =	vmov s7  }
0x114: {  	v49 =	vshll.u32 v48, $0x3  }
0x115: {  	v13 =	vand.u32 $0x7F, v48;
	v14 =	vand.u32 $0x400, v49  }
0x116: {  	v13 =	vor.u32 v13, v14  }
0x117: {  	v14 =	vor.u32 v1, v13;
	v12 =	vld.idx.msk [tilespmem:v47+s16+$0x0], $0xffff  }
0x118: {  	v50 =	vor.u32 s6, v2;
	_ =	sdelay $0x3  }
0x119: {  	[tilespmem:v14+s22+$0x0] =	vst.idx.msk $0xffff, v12  }
0x11a: {  	v51 =	vor.u32 v3, v13;
	v12 =	vld.idx.msk [tilespmem:v50+s16+$0x0], $0xffff  }
0x11b: {  	v52 =	vor.u32 s6, v4;
	_ =	sdelay $0x3  }
0x11c: {  	[tilespmem:v51+s22+$0x0] =	vst.idx.msk $0xffff, v12  }
0x11d: {  	v53 =	vor.u32 v5, v13;
	v12 =	vld.idx.msk [tilespmem:v52+s16+$0x0], $0xffff  }
0x11e: {  	v54 =	vor.u32 s6, v6;
	_ =	sdelay $0x3  }
0x11f: {  	[tilespmem:v53+s22+$0x0] =	vst.idx.msk $0xffff, v12  }
0x120: {  	v55 =	vor.u32 v7, v13;
	v12 =	vld.idx.msk [tilespmem:v54+s16+$0x0], $0xffff;
	_ =	sdelay $0x4  }
0x121: {  	[tilespmem:v55+s22+$0x0] =	vst.idx.msk $0xffff, v12  }
0x122: {  	v12 =	vld [tilespmem:s9+$0x7];
	_ =	sdelay $0x4  }
0x123: {  	(v2sf) =	vpush v12, $0x0;
	_ =	sdelay $0xe  }
0x124: {  	s7 =	spop (v2sf)  }
0x125: {  	s6 =	sand.u32 $0xFFFFF80, s7  }
0x126: {  	s6 =	sadd.s32 s0, s6  }
0x127: {  	[tilespmem:s16], [sflag:$0x4] =	stream.strided.gather [hbm4b:s6+s10], $0x2000, s11, s10, $0x38;
	[tilespmem:$0x18480] =	vst v63  }
0x128: {  	_ =	swait.ge [sflag:s30], $0x2000  }
0x129: {  	[sflag:s30] =	ssyncset.done $0x0  }
0x12a: {  	[sflag:s30] =	ssyncadd.s32 $0xFFFFE000  }
0x12b: {  	v56 =	vld [tilespmem:s9+$0x203];
	_ =	sdelay $0x4  }
0x12c: {  	(v2sf) =	vpush v56, $0x0;
	_ =	sdelay $0xe  }
0x12d: {  	s7 =	spop (v2sf)  }
0x12e: {  	s6 =	sand.u32 $0x7F, s7  }
0x12f: {  	v57 =	vor.u32 s6, v0;
	_ =	sdelay $0x4  }
0x130: {  	v58 =	vor.u32 v8, v13;
	v12 =	vld.idx.msk [tilespmem:v57+s20+$0x0], $0xffff  }
0x131: {  	v59 =	vor.u32 s6, v2;
	_ =	sdelay $0x3  }
0x132: {  	[tilespmem:v58+s22+$0x0] =	vst.idx.msk $0xffff, v12  }
0x133: {  	v60 =	vor.u32 v9, v13;
	v12 =	vld.idx.msk [tilespmem:v59+s20+$0x0], $0xffff  }
0x134: {  	v61 =	vor.u32 s6, v4;
	_ =	sdelay $0x3  }
0x135: {  	[tilespmem:v60+s22+$0x0] =	vst.idx.msk $0xffff, v12  }
0x136: {  	v62 =	vor.u32 v10, v13;
	v12 =	vld.idx.msk [tilespmem:v61+s20+$0x0], $0xffff  }
0x137: {  	v63 =	vor.u32 s6, v6;
	_ =	sdelay $0x3  }
0x138: {  	[tilespmem:v62+s22+$0x0] =	vst.idx.msk $0xffff, v12  }
0x139: {  	v13 =	vor.u32 v11, v13;
	v12 =	vld.idx.msk [tilespmem:v63+s20+$0x0], $0xffff;
	_ =	sdelay $0x4  }
0x13a: {  	[tilespmem:v13+s22+$0x0] =	vst.idx.msk $0xffff, v12  }
0x13b: {  	v12 =	vld [tilespmem:s9+$0x207];
	_ =	sdelay $0x4  }
0x13c: {  	(v2sf) =	vpush v12, $0x0;
	_ =	sdelay $0xc  }
0x13d: {  	p0 =	sne.s32 s4, $0xFC  }
.Ltmp0:
0x13e: {  	_ = 	snop;
	(pc) =	sbr.rel @p0 .LBB2_2-.Ltmp0, $4  }
0x13f: {  	s7 =	spop (v2sf)  }
0x140: {  	s6 =	sand.u32 $0xFFFFF80, s7  }
0x141: {  	s4 =	sadd.s32 $0x4, s4;
	s9 =	sadd.s32 $0x4, s9;
	s6 =	sadd.s32 s1, s6  }
0x142: {  	[tilespmem:s20], [sflag:$0x8] =	stream.strided.gather [hbm4b:s6+s10], $0x2000, s11, s10, $0x38;
	[tilespmem:$0x18480] =	vst v63  }
0x143: {  	[hbm4b:s5+s31] =	stream.strided.scatter [tilespmem:s22], [sflag:$0x9], $0x8000, s3, s31, $0x38;
	[tilespmem:$0x18480] =	vst v63  }
0x144: {  	_ =	swait.ge [sflag:s12], $0x8000  }
0x145: {  	[sflag:s12] =	ssyncset.done $0x0  }
0x146: {  	s4 =	simm.s32 $0x0;
	s9 =	simm.s32 $0x301;
	[sflag:s12] =	ssyncadd.s32 $0xFFFF8000  }
.LBB2_4:
0x147: {  	_ =	swait.ge [sflag:s21], $0x2000  }
0x148: {  	[sflag:s21] =	ssyncset.done $0x0  }
0x149: {  	[sflag:s21] =	ssyncadd.s32 $0xFFFFE000  }
0x14a: {  	v12 =	vld [tilespmem:s9+$0xFFFFFDFF];
	_ =	sdelay $0x4  }
0x14b: {  	(v2sf) =	vpush v12, $0x0;
	_ =	sdelay $0xe  }
0x14c: {  	s6 =	spop (v2sf)  }
0x14d: {  	s6 =	sand.u32 $0x7F, s6  }
0x14e: {  	v42 =	vor.u32 s6, v0  }
0x14f: {  	v13 =	vmov s4  }
0x150: {  	v14 =	vshll.u32 v13, $0x3  }
0x151: {  	v13 =	vand.u32 $0x7C, v13;
	v14 =	vand.u32 $0x400, v14  }
0x152: {  	v13 =	vor.u32 v13, v14  }
0x153: {  	v14 =	vor.u32 v1, v13;
	v12 =	vld.idx.msk [tilespmem:v42+s13+$0x0], $0xffff  }
0x154: {  	v15 =	vor.u32 s6, v2;
	_ =	sdelay $0x3  }
0x155: {  	[tilespmem:v14+s22+$0x0] =	vst.idx.msk $0xffff, v12  }
0x156: {  	v43 =	vor.u32 v3, v13;
	v12 =	vld.idx.msk [tilespmem:v15+s13+$0x0], $0xffff  }
0x157: {  	v44 =	vor.u32 s6, v4;
	_ =	sdelay $0x3  }
0x158: {  	[tilespmem:v43+s22+$0x0] =	vst.idx.msk $0xffff, v12  }
0x159: {  	v45 =	vor.u32 v5, v13;
	v12 =	vld.idx.msk [tilespmem:v44+s13+$0x0], $0xffff  }
0x15a: {  	v46 =	vor.u32 s6, v6;
	_ =	sdelay $0x3  }
0x15b: {  	[tilespmem:v45+s22+$0x0] =	vst.idx.msk $0xffff, v12  }
0x15c: {  	v47 =	vor.u32 v7, v13;
	v12 =	vld.idx.msk [tilespmem:v46+s13+$0x0], $0xffff;
	_ =	sdelay $0x4  }
0x15d: {  	[tilespmem:v47+s22+$0x0] =	vst.idx.msk $0xffff, v12  }
0x15e: {  	v12 =	vld [tilespmem:s9+$0xFFFFFE03];
	_ =	sdelay $0x4  }
0x15f: {  	(v2sf) =	vpush v12, $0x0;
	_ =	sdelay $0xe  }
0x160: {  	s7 =	spop (v2sf)  }
0x161: {  	s6 =	sand.u32 $0xFFFFF80, s7  }
0x162: {  	s6 =	sadd.s32 s0, s6  }
0x163: {  	[tilespmem:s13], [sflag:$0x1] =	stream.strided.gather [hbm4b:s6+s10], $0x2000, s11, s10, $0x38;
	[tilespmem:$0x18480] =	vst v63  }
0x164: {  	_ =	swait.ge [sflag:s23], $0x2000  }
0x165: {  	s7 =	sadd.s32 $0x100, s4;
	[sflag:s23] =	ssyncset.done $0x0  }
0x166: {  	s6 =	sand.u32 $0x1FC, s7;
	[sflag:s23] =	ssyncadd.s32 $0xFFFFE000  }
0x167: {  	v48 =	vld [tilespmem:s6+$0x200];
	_ =	sdelay $0x4  }
0x168: {  	(v2sf) =	vpush v48, $0x0;
	_ =	sdelay $0xe  }
0x169: {  	s7 =	spop (v2sf)  }
0x16a: {  	s6 =	sand.u32 $0x7F, s7  }
0x16b: {  	v49 =	vor.u32 s6, v0;
	_ =	sdelay $0x4  }
0x16c: {  	v50 =	vor.u32 v8, v13;
	v12 =	vld.idx.msk [tilespmem:v49+s17+$0x0], $0xffff  }
0x16d: {  	v51 =	vor.u32 s6, v2;
	_ =	sdelay $0x3  }
0x16e: {  	[tilespmem:v50+s22+$0x0] =	vst.idx.msk $0xffff, v12  }
0x16f: {  	v52 =	vor.u32 v9, v13;
	v12 =	vld.idx.msk [tilespmem:v51+s17+$0x0], $0xffff  }
0x170: {  	v53 =	vor.u32 s6, v4;
	_ =	sdelay $0x3  }
0x171: {  	[tilespmem:v52+s22+$0x0] =	vst.idx.msk $0xffff, v12  }
0x172: {  	v54 =	vor.u32 v10, v13;
	v12 =	vld.idx.msk [tilespmem:v53+s17+$0x0], $0xffff  }
0x173: {  	v55 =	vor.u32 s6, v6;
	_ =	sdelay $0x3  }
0x174: {  	[tilespmem:v54+s22+$0x0] =	vst.idx.msk $0xffff, v12  }
0x175: {  	v13 =	vor.u32 v11, v13;
	v12 =	vld.idx.msk [tilespmem:v55+s17+$0x0], $0xffff;
	_ =	sdelay $0x4  }
0x176: {  	[tilespmem:v13+s22+$0x0] =	vst.idx.msk $0xffff, v12  }
0x177: {  	v12 =	vld [tilespmem:s9+$0x3];
	_ =	sdelay $0x4  }
0x178: {  	(v2sf) =	vpush v12, $0x0;
	_ =	sdelay $0xe  }
0x179: {  	s7 =	spop (v2sf)  }
0x17a: {  	s6 =	sand.u32 $0xFFFFF80, s7  }
0x17b: {  	s6 =	sadd.s32 s1, s6  }
0x17c: {  	[tilespmem:s17], [sflag:$0x5] =	stream.strided.gather [hbm4b:s6+s10], $0x2000, s11, s10, $0x38;
	[tilespmem:$0x18480] =	vst v63  }
0x17d: {  	_ =	swait.ge [sflag:s24], $0x2000  }
0x17e: {  	[sflag:s24] =	ssyncset.done $0x0  }
0x17f: {  	[sflag:s24] =	ssyncadd.s32 $0xFFFFE000  }
0x180: {  	v56 =	vld [tilespmem:s9+$0xFFFFFE00];
	_ =	sdelay $0x4  }
0x181: {  	(v2sf) =	vpush v56, $0x0;
	_ =	sdelay $0xe  }
0x182: {  	s7 =	spop (v2sf)  }
0x183: {  	s6 =	sand.u32 $0x7F, s7  }
0x184: {  	s7 =	sadd.s32 $0x1, s4;
	v57 =	vor.u32 s6, v0  }
0x185: {  	v58 =	vmov s7  }
0x186: {  	v59 =	vshll.u32 v58, $0x3  }
0x187: {  	v13 =	vand.u32 $0x7D, v58;
	v14 =	vand.u32 $0x400, v59  }
0x188: {  	v13 =	vor.u32 v13, v14  }
0x189: {  	v14 =	vor.u32 v1, v13;
	v12 =	vld.idx.msk [tilespmem:v57+s14+$0x0], $0xffff  }
0x18a: {  	v60 =	vor.u32 s6, v2;
	_ =	sdelay $0x3  }
0x18b: {  	[tilespmem:v14+s22+$0x0] =	vst.idx.msk $0xffff, v12  }
0x18c: {  	v61 =	vor.u32 v3, v13;
	v12 =	vld.idx.msk [tilespmem:v60+s14+$0x0], $0xffff  }
0x18d: {  	v62 =	vor.u32 s6, v4;
	_ =	sdelay $0x3  }
0x18e: {  	[tilespmem:v61+s22+$0x0] =	vst.idx.msk $0xffff, v12  }
0x18f: {  	v63 =	vor.u32 v5, v13;
	v12 =	vld.idx.msk [tilespmem:v62+s14+$0x0], $0xffff  }
0x190: {  	v18 =	vor.u32 s6, v6;
	_ =	sdelay $0x3  }
0x191: {  	[tilespmem:v63+s22+$0x0] =	vst.idx.msk $0xffff, v12  }
0x192: {  	v19 =	vor.u32 v7, v13;
	v12 =	vld.idx.msk [tilespmem:v18+s14+$0x0], $0xffff;
	_ =	sdelay $0x4  }
0x193: {  	[tilespmem:v19+s22+$0x0] =	vst.idx.msk $0xffff, v12  }
0x194: {  	v12 =	vld [tilespmem:s9+$0xFFFFFE04];
	_ =	sdelay $0x4  }
0x195: {  	(v2sf) =	vpush v12, $0x0;
	_ =	sdelay $0xe  }
0x196: {  	s7 =	spop (v2sf)  }
0x197: {  	s6 =	sand.u32 $0xFFFFF80, s7  }
0x198: {  	s6 =	sadd.s32 s0, s6  }
0x199: {  	[tilespmem:s14], [sflag:$0x2] =	stream.strided.gather [hbm4b:s6+s10], $0x2000, s11, s10, $0x38;
	[tilespmem:$0x18480] =	vst v63  }
0x19a: {  	_ =	swait.ge [sflag:s25], $0x2000  }
0x19b: {  	[sflag:s25] =	ssyncset.done $0x0  }
0x19c: {  	[sflag:s25] =	ssyncadd.s32 $0xFFFFE000  }
0x19d: {  	v20 =	vld [tilespmem:s9+$0x0];
	_ =	sdelay $0x4  }
0x19e: {  	(v2sf) =	vpush v20, $0x0;
	_ =	sdelay $0xe  }
0x19f: {  	s7 =	spop (v2sf)  }
0x1a0: {  	s6 =	sand.u32 $0x7F, s7  }
0x1a1: {  	v21 =	vor.u32 s6, v0;
	_ =	sdelay $0x4  }
0x1a2: {  	v22 =	vor.u32 v8, v13;
	v12 =	vld.idx.msk [tilespmem:v21+s18+$0x0], $0xffff  }
0x1a3: {  	v23 =	vor.u32 s6, v2;
	_ =	sdelay $0x3  }
0x1a4: {  	[tilespmem:v22+s22+$0x0] =	vst.idx.msk $0xffff, v12  }
0x1a5: {  	v24 =	vor.u32 v9, v13;
	v12 =	vld.idx.msk [tilespmem:v23+s18+$0x0], $0xffff  }
0x1a6: {  	v25 =	vor.u32 s6, v4;
	_ =	sdelay $0x3  }
0x1a7: {  	[tilespmem:v24+s22+$0x0] =	vst.idx.msk $0xffff, v12  }
0x1a8: {  	v26 =	vor.u32 v10, v13;
	v12 =	vld.idx.msk [tilespmem:v25+s18+$0x0], $0xffff  }
0x1a9: {  	v27 =	vor.u32 s6, v6;
	_ =	sdelay $0x3  }
0x1aa: {  	[tilespmem:v26+s22+$0x0] =	vst.idx.msk $0xffff, v12  }
0x1ab: {  	v13 =	vor.u32 v11, v13;
	v12 =	vld.idx.msk [tilespmem:v27+s18+$0x0], $0xffff;
	_ =	sdelay $0x4  }
0x1ac: {  	[tilespmem:v13+s22+$0x0] =	vst.idx.msk $0xffff, v12  }
0x1ad: {  	v12 =	vld [tilespmem:s9+$0x4];
	_ =	sdelay $0x4  }
0x1ae: {  	(v2sf) =	vpush v12, $0x0;
	_ =	sdelay $0xe  }
0x1af: {  	s7 =	spop (v2sf)  }
0x1b0: {  	s6 =	sand.u32 $0xFFFFF80, s7  }
0x1b1: {  	s6 =	sadd.s32 s1, s6  }
0x1b2: {  	[tilespmem:s18], [sflag:$0x6] =	stream.strided.gather [hbm4b:s6+s10], $0x2000, s11, s10, $0x38;
	[tilespmem:$0x18480] =	vst v63  }
0x1b3: {  	_ =	swait.ge [sflag:s26], $0x2000  }
0x1b4: {  	[sflag:s26] =	ssyncset.done $0x0  }
0x1b5: {  	[sflag:s26] =	ssyncadd.s32 $0xFFFFE000  }
0x1b6: {  	v28 =	vld [tilespmem:s9+$0xFFFFFE01];
	_ =	sdelay $0x4  }
0x1b7: {  	(v2sf) =	vpush v28, $0x0;
	_ =	sdelay $0xe  }
0x1b8: {  	s7 =	spop (v2sf)  }
0x1b9: {  	s6 =	sand.u32 $0x7F, s7  }
0x1ba: {  	s7 =	sadd.s32 $0x2, s4;
	v29 =	vor.u32 s6, v0  }
0x1bb: {  	v30 =	vmov s7  }
0x1bc: {  	v31 =	vshll.u32 v30, $0x3  }
0x1bd: {  	v13 =	vand.u32 $0x7E, v30;
	v14 =	vand.u32 $0x400, v31  }
0x1be: {  	v13 =	vor.u32 v13, v14  }
0x1bf: {  	v14 =	vor.u32 v1, v13;
	v12 =	vld.idx.msk [tilespmem:v29+s15+$0x0], $0xffff  }
0x1c0: {  	v32 =	vor.u32 s6, v2;
	_ =	sdelay $0x3  }
0x1c1: {  	[tilespmem:v14+s22+$0x0] =	vst.idx.msk $0xffff, v12  }
0x1c2: {  	v33 =	vor.u32 v3, v13;
	v12 =	vld.idx.msk [tilespmem:v32+s15+$0x0], $0xffff  }
0x1c3: {  	v34 =	vor.u32 s6, v4;
	_ =	sdelay $0x3  }
0x1c4: {  	[tilespmem:v33+s22+$0x0] =	vst.idx.msk $0xffff, v12  }
0x1c5: {  	v35 =	vor.u32 v5, v13;
	v12 =	vld.idx.msk [tilespmem:v34+s15+$0x0], $0xffff  }
0x1c6: {  	v36 =	vor.u32 s6, v6;
	_ =	sdelay $0x3  }
0x1c7: {  	[tilespmem:v35+s22+$0x0] =	vst.idx.msk $0xffff, v12  }
0x1c8: {  	v37 =	vor.u32 v7, v13;
	v12 =	vld.idx.msk [tilespmem:v36+s15+$0x0], $0xffff;
	_ =	sdelay $0x4  }
0x1c9: {  	[tilespmem:v37+s22+$0x0] =	vst.idx.msk $0xffff, v12  }
0x1ca: {  	v12 =	vld [tilespmem:s9+$0xFFFFFE05];
	_ =	sdelay $0x4  }
0x1cb: {  	(v2sf) =	vpush v12, $0x0;
	_ =	sdelay $0xe  }
0x1cc: {  	s7 =	spop (v2sf)  }
0x1cd: {  	s6 =	sand.u32 $0xFFFFF80, s7  }
0x1ce: {  	s6 =	sadd.s32 s0, s6  }
0x1cf: {  	[tilespmem:s15], [sflag:$0x3] =	stream.strided.gather [hbm4b:s6+s10], $0x2000, s11, s10, $0x38;
	[tilespmem:$0x18480] =	vst v63  }
0x1d0: {  	_ =	swait.ge [sflag:s28], $0x2000  }
0x1d1: {  	[sflag:s28] =	ssyncset.done $0x0  }
0x1d2: {  	[sflag:s28] =	ssyncadd.s32 $0xFFFFE000  }
0x1d3: {  	v38 =	vld [tilespmem:s9+$0x1];
	_ =	sdelay $0x4  }
0x1d4: {  	(v2sf) =	vpush v38, $0x0;
	_ =	sdelay $0xe  }
0x1d5: {  	s7 =	spop (v2sf)  }
0x1d6: {  	s6 =	sand.u32 $0x7F, s7  }
0x1d7: {  	v39 =	vor.u32 s6, v0;
	_ =	sdelay $0x4  }
0x1d8: {  	v40 =	vor.u32 v8, v13;
	v12 =	vld.idx.msk [tilespmem:v39+s19+$0x0], $0xffff  }
0x1d9: {  	v41 =	vor.u32 s6, v2;
	_ =	sdelay $0x3  }
0x1da: {  	[tilespmem:v40+s22+$0x0] =	vst.idx.msk $0xffff, v12  }
0x1db: {  	v42 =	vor.u32 v9, v13;
	v12 =	vld.idx.msk [tilespmem:v41+s19+$0x0], $0xffff  }
0x1dc: {  	v43 =	vor.u32 s6, v4;
	_ =	sdelay $0x3  }
0x1dd: {  	[tilespmem:v42+s22+$0x0] =	vst.idx.msk $0xffff, v12  }
0x1de: {  	v44 =	vor.u32 v10, v13;
	v12 =	vld.idx.msk [tilespmem:v43+s19+$0x0], $0xffff  }
0x1df: {  	v45 =	vor.u32 s6, v6;
	_ =	sdelay $0x3  }
0x1e0: {  	[tilespmem:v44+s22+$0x0] =	vst.idx.msk $0xffff, v12  }
0x1e1: {  	v13 =	vor.u32 v11, v13;
	v12 =	vld.idx.msk [tilespmem:v45+s19+$0x0], $0xffff;
	_ =	sdelay $0x4  }
0x1e2: {  	[tilespmem:v13+s22+$0x0] =	vst.idx.msk $0xffff, v12  }
0x1e3: {  	v12 =	vld [tilespmem:s9+$0x5];
	_ =	sdelay $0x4  }
0x1e4: {  	(v2sf) =	vpush v12, $0x0;
	_ =	sdelay $0xe  }
0x1e5: {  	s7 =	spop (v2sf)  }
0x1e6: {  	s6 =	sand.u32 $0xFFFFF80, s7  }
0x1e7: {  	s6 =	sadd.s32 s1, s6  }
0x1e8: {  	[tilespmem:s19], [sflag:$0x7] =	stream.strided.gather [hbm4b:s6+s10], $0x2000, s11, s10, $0x38;
	[tilespmem:$0x18480] =	vst v63  }
0x1e9: {  	_ =	swait.ge [sflag:s29], $0x2000  }
0x1ea: {  	[sflag:s29] =	ssyncset.done $0x0  }
0x1eb: {  	[sflag:s29] =	ssyncadd.s32 $0xFFFFE000  }
0x1ec: {  	v46 =	vld [tilespmem:s9+$0xFFFFFE02];
	_ =	sdelay $0x4  }
0x1ed: {  	(v2sf) =	vpush v46, $0x0;
	_ =	sdelay $0xe  }
0x1ee: {  	s7 =	spop (v2sf)  }
0x1ef: {  	s6 =	sand.u32 $0x7F, s7  }
0x1f0: {  	s7 =	sadd.s32 $0x3, s4;
	v47 =	vor.u32 s6, v0  }
0x1f1: {  	v48 =	vmov s7  }
0x1f2: {  	v49 =	vshll.u32 v48, $0x3  }
0x1f3: {  	v13 =	vand.u32 $0x7F, v48;
	v14 =	vand.u32 $0x400, v49  }
0x1f4: {  	v13 =	vor.u32 v13, v14  }
0x1f5: {  	v14 =	vor.u32 v1, v13;
	v12 =	vld.idx.msk [tilespmem:v47+s16+$0x0], $0xffff  }
0x1f6: {  	v50 =	vor.u32 s6, v2;
	_ =	sdelay $0x3  }
0x1f7: {  	[tilespmem:v14+s22+$0x0] =	vst.idx.msk $0xffff, v12  }
0x1f8: {  	v51 =	vor.u32 v3, v13;
	v12 =	vld.idx.msk [tilespmem:v50+s16+$0x0], $0xffff  }
0x1f9: {  	v52 =	vor.u32 s6, v4;
	_ =	sdelay $0x3  }
0x1fa: {  	[tilespmem:v51+s22+$0x0] =	vst.idx.msk $0xffff, v12  }
0x1fb: {  	v53 =	vor.u32 v5, v13;
	v12 =	vld.idx.msk [tilespmem:v52+s16+$0x0], $0xffff  }
0x1fc: {  	v54 =	vor.u32 s6, v6;
	_ =	sdelay $0x3  }
0x1fd: {  	[tilespmem:v53+s22+$0x0] =	vst.idx.msk $0xffff, v12  }
0x1fe: {  	v55 =	vor.u32 v7, v13;
	v12 =	vld.idx.msk [tilespmem:v54+s16+$0x0], $0xffff;
	_ =	sdelay $0x4  }
0x1ff: {  	[tilespmem:v55+s22+$0x0] =	vst.idx.msk $0xffff, v12  }
0x200: {  	v12 =	vld [tilespmem:s9+$0xFFFFFE06];
	_ =	sdelay $0x4  }
0x201: {  	(v2sf) =	vpush v12, $0x0;
	_ =	sdelay $0xe  }
0x202: {  	s7 =	spop (v2sf)  }
0x203: {  	s6 =	sand.u32 $0xFFFFF80, s7  }
0x204: {  	s6 =	sadd.s32 s0, s6  }
0x205: {  	[tilespmem:s16], [sflag:$0x4] =	stream.strided.gather [hbm4b:s6+s10], $0x2000, s11, s10, $0x38;
	[tilespmem:$0x18480] =	vst v63  }
0x206: {  	_ =	swait.ge [sflag:s30], $0x2000  }
0x207: {  	[sflag:s30] =	ssyncset.done $0x0  }
0x208: {  	[sflag:s30] =	ssyncadd.s32 $0xFFFFE000  }
0x209: {  	v56 =	vld [tilespmem:s9+$0x2];
	_ =	sdelay $0x4  }
0x20a: {  	(v2sf) =	vpush v56, $0x0;
	_ =	sdelay $0xe  }
0x20b: {  	s7 =	spop (v2sf)  }
0x20c: {  	s6 =	sand.u32 $0x7F, s7  }
0x20d: {  	v57 =	vor.u32 s6, v0;
	_ =	sdelay $0x4  }
0x20e: {  	v58 =	vor.u32 v8, v13;
	v12 =	vld.idx.msk [tilespmem:v57+s20+$0x0], $0xffff  }
0x20f: {  	v59 =	vor.u32 s6, v2;
	_ =	sdelay $0x3  }
0x210: {  	[tilespmem:v58+s22+$0x0] =	vst.idx.msk $0xffff, v12  }
0x211: {  	v60 =	vor.u32 v9, v13;
	v12 =	vld.idx.msk [tilespmem:v59+s20+$0x0], $0xffff  }
0x212: {  	v61 =	vor.u32 s6, v4;
	_ =	sdelay $0x3  }
0x213: {  	[tilespmem:v60+s22+$0x0] =	vst.idx.msk $0xffff, v12  }
0x214: {  	v62 =	vor.u32 v10, v13;
	v12 =	vld.idx.msk [tilespmem:v61+s20+$0x0], $0xffff  }
0x215: {  	v63 =	vor.u32 s6, v6;
	_ =	sdelay $0x3  }
0x216: {  	[tilespmem:v62+s22+$0x0] =	vst.idx.msk $0xffff, v12  }
0x217: {  	v13 =	vor.u32 v11, v13;
	v12 =	vld.idx.msk [tilespmem:v63+s20+$0x0], $0xffff;
	_ =	sdelay $0x4  }
0x218: {  	[tilespmem:v13+s22+$0x0] =	vst.idx.msk $0xffff, v12  }
0x219: {  	v12 =	vld [tilespmem:s9+$0x6];
	_ =	sdelay $0x4  }
0x21a: {  	(v2sf) =	vpush v12, $0x0;
	_ =	sdelay $0xc  }
0x21b: {  	p0 =	sne.s32 s4, $0xFC  }
.Ltmp1:
0x21c: {  	_ = 	snop;
	(pc) =	sbr.rel @p0 .LBB2_4-.Ltmp1, $4  }
0x21d: {  	s7 =	spop (v2sf)  }
0x21e: {  	s6 =	sand.u32 $0xFFFFF80, s7  }
0x21f: {  	s4 =	sadd.s32 $0x4, s4;
	s9 =	sadd.s32 $0x4, s9;
	s6 =	sadd.s32 s1, s6  }
0x220: {  	[tilespmem:s20], [sflag:$0x8] =	stream.strided.gather [hbm4b:s6+s10], $0x2000, s11, s10, $0x38;
	[tilespmem:$0x18480] =	vst v63  }
0x221: {  	s4 =	rddreg [dreg:$0x6]  }
0x222: {  	[hbm4b:s4+s31] =	stream.strided.scatter [tilespmem:s22], [sflag:$0x9], $0x8000, s3, s31, $0x38;
	[tilespmem:$0x18480] =	vst v63  }
0x223: {  	_ =	swait.ge [sflag:s12], $0x8000  }
0x224: {  	[sflag:s12] =	ssyncset.done $0x0  }
0x225: {  	[sflag:s12] =	ssyncadd.s32 $0xFFFF8000  }
0x226: {  	_ =	swait.ge [sflag:s21], $0x2000  }
0x227: {  	[sflag:s21] =	ssyncset.done $0x0  }
0x228: {  	[sflag:s21] =	ssyncadd.s32 $0xFFFFE000  }
0x229: {  	_ =	swait.ge [sflag:s24], $0x2000  }
0x22a: {  	[sflag:s24] =	ssyncset.done $0x0  }
0x22b: {  	[sflag:s24] =	ssyncadd.s32 $0xFFFFE000  }
0x22c: {  	_ =	swait.ge [sflag:s26], $0x2000  }
0x22d: {  	[sflag:s26] =	ssyncset.done $0x0  }
0x22e: {  	[sflag:s26] =	ssyncadd.s32 $0xFFFFE000  }
0x22f: {  	_ =	swait.ge [sflag:s29], $0x2000  }
0x230: {  	[sflag:s29] =	ssyncset.done $0x0  }
0x231: {  	[sflag:s29] =	ssyncadd.s32 $0xFFFFE000  }
0x232: {  	_ =	swait.ge [sflag:s23], $0x2000  }
0x233: {  	[sflag:s23] =	ssyncset.done $0x0  }
0x234: {  	[sflag:s23] =	ssyncadd.s32 $0xFFFFE000  }
0x235: {  	_ =	swait.ge [sflag:s25], $0x2000  }
0x236: {  	[sflag:s25] =	ssyncset.done $0x0  }
0x237: {  	s2 =	sadd.s32 $0x1, s2;
	[sflag:s25] =	ssyncadd.s32 $0xFFFFE000  }
0x238: {  	p0 =	sne.s32 s2, s8;
	_ =	swait.ge [sflag:s28], $0x2000  }
.Ltmp2:
0x239: {  	[sflag:s28] =	ssyncset.done $0x0;
	(pc) =	sbr.rel @p0 .LBB2_1-.Ltmp2, $4  }
0x23a: {  	[sflag:s28] =	ssyncadd.s32 $0xFFFFE000  }
0x23b: {  	_ =	swait.ge [sflag:s30], $0x2000  }
0x23c: {  	[sflag:s30] =	ssyncset.done $0x0  }
0x23d: {  	[sflag:s30] =	ssyncadd.s32 $0xFFFFE000  }
0x23e: {  	_ =	sfence.sel $0x180000  }
0x23f: {  	[bflag:$0x0] =	sbarrier.arrive $0xFFFF  }
0x240: {  	_ =	strace $0x90000047  }
0x241: {  	s0 =	stileid.u32;
	[bflag:$0x2] =	sbarrier.arrive $0xFFFF  }
0x242: {  	p0 =	sne.s32 s0, $0x0;
	s0 =	rddreg [dreg:$0x4]  }
0x243: {  	s0 =	sadd.s32 @!p0 $0x100000, s0  }
0x244: {  	[sflag:s0] =	ssyncadd.tile.s32 @!p0 $0x1;
	_ =	shalt  }
.Lfunc_end2:
_tile_overlayer_lowered:
.L_overlay_start_2:
0x245: {  	(tag) =	ssettag $0x2  }
0x246: {  	s0 =	rddreg [dreg:$0x0];
	s2 =	stileid.u32  }
0x247: {  	s1 =	rddreg [dreg:$0x1];
	p0 =	sne.s32 s2, $0x0  }
0x248: {  	s3 =	rddreg [dreg:$0x2];
	[bflag:$0x3] =	sbarrier.arrive $0xFFFF;
	s2 =	simm.s32 @!p0 $0x1C09  }
0x249: {  	[timem:s3], [sflag:s2] =	dma.local @!p0 [hbm:s0], s1  }
0x24a: {  	s0 =	simm.s32 @!p0 $0x9  }
0x24b: {  	_ =	swait.ge @!p0 [sflag:s0], s1  }
0x24c: {  	s1 =	ssub.s32 @!p0 $0x0, s1;
	[sflag:s0] =	ssyncset.done @!p0 $0x0  }
0x24d: {  	[sflag:s0] =	ssyncadd.s32 @!p0 s1  }
0x24e: {  	[bflag:$0x3] =	sbarrier.arrive $0xFFFF  }
0x24f: {  	_ =	shalt  }

</sc_bundles>
